<compile_context>
chip_gen: v7x
topology: tpu7x:2x2x1
jax: 0.10.2.dev20260603
libtpu: 0.0.44.dev20260713+nightly
codegen_flags: <defaults>
</compile_context>

<pallas_src>
import functools

import jax
import jax.numpy as jnp
from jax import lax
from jax.experimental import pallas as pl
from jax.experimental.pallas import tpu as pltpu
from jax.experimental.pallas import tpu_sc as plsc

N = 10000
E = 320000
D = 128
C = 40
G = 128
L = 3

_NC, _NS = 2, 16
_NW = _NC * _NS
_CHUNK = 128
_NCHUNK = E // _CHUNK
_FULL = _NCHUNK // _NW
_TAIL = _NCHUNK - _FULL * _NW
_RPT = 624
_REM = N - _RPT * _NS
_ZROWS = 104


def _seg_body(src_hbm, dst_hbm, h_hbm, out0, out1,
              sidx, didx, rows, zbuf, acc, sem):
    cid = lax.axis_index("c")
    sid = lax.axis_index("s")
    wid = sid * _NC + cid

    zero = jnp.zeros((16,), jnp.float32)

    def _zb(i, carry):
        zbuf[i // 8, pl.ds((i % 8) * 16, 16)] = zero
        return carry

    lax.fori_loop(0, _ZROWS * (D // 16), _zb, 0)
    for r in range(_RPT // _ZROWS):
        pltpu.sync_copy(zbuf, acc.at[pl.ds(sid * _RPT + r * _ZROWS, _ZROWS)])

    @pl.when(sid == _NS - 1)
    def _():
        pltpu.sync_copy(zbuf.at[pl.ds(0, _REM)],
                        acc.at[pl.ds(_RPT * _NS, _REM)])

    plsc.subcore_barrier()

    def _chunk(base):
        pltpu.sync_copy(src_hbm.at[pl.ds(base, _CHUNK)], sidx)
        pltpu.sync_copy(dst_hbm.at[pl.ds(base, _CHUNK)], didx)
        pltpu.async_copy(h_hbm.at[sidx], rows, sem).wait()
        pltpu.sync_copy(rows, acc.at[didx], add=True)

    def _body(j, carry):
        _chunk((j * _NW + wid) * _CHUNK)
        return carry

    lax.fori_loop(0, _FULL, _body, 0)

    @pl.when(wid < _TAIL)
    def _():
        _chunk((_FULL * _NW + wid) * _CHUNK)

    plsc.subcore_barrier()

    @pl.when(cid == 0)
    def _():
        pltpu.sync_copy(acc.at[pl.ds(sid * _RPT, _RPT)],
                        out0.at[pl.ds(sid * _RPT, _RPT)])

        @pl.when(sid == _NS - 1)
        def _():
            pltpu.sync_copy(acc.at[pl.ds(_RPT * _NS, _REM)],
                            out0.at[pl.ds(_RPT * _NS, _REM)])

    @pl.when(cid == 1)
    def _():
        pltpu.sync_copy(acc.at[pl.ds(sid * _RPT, _RPT)],
                        out1.at[pl.ds(sid * _RPT, _RPT)])

        @pl.when(sid == _NS - 1)
        def _():
            pltpu.sync_copy(acc.at[pl.ds(_RPT * _NS, _REM)],
                            out1.at[pl.ds(_RPT * _NS, _REM)])


_seg_sum = functools.partial(
    pl.kernel,
    out_type=[jax.ShapeDtypeStruct((N, D), jnp.float32),
              jax.ShapeDtypeStruct((N, D), jnp.float32)],
    mesh=plsc.VectorSubcoreMesh(core_axis_name="c", subcore_axis_name="s"),
    scratch_types=[
        pltpu.VMEM((_CHUNK,), jnp.int32),
        pltpu.VMEM((_CHUNK,), jnp.int32),
        pltpu.VMEM((_CHUNK, D), jnp.float32),
        pltpu.VMEM((_ZROWS, D), jnp.float32),
        pltpu.VMEM_SHARED((N, D), jnp.float32),
        pltpu.SemaphoreType.DMA,
    ],
)(_seg_body)


_BLK = 2000
_HIGH = lax.Precision.HIGHEST


def _mlp_body(h_ref, a0_ref, a1_ref, w1_ref, b1_ref, g1_ref, t1_ref,
              w2_ref, b2_ref, g2_ref, t2_ref, fw_ref, yin_ref,
              hout_ref, yout_ref):
    z = h_ref[...] + a0_ref[...] + a1_ref[...]
    z = jnp.dot(z, w1_ref[...], preferred_element_type=jnp.float32,
                precision=_HIGH) + b1_ref[...]
    z = jnp.maximum(z * g1_ref[...] + t1_ref[...], 0.0)
    z = jnp.dot(z, w2_ref[...], preferred_element_type=jnp.float32,
                precision=_HIGH) + b2_ref[...]
    h2 = jnp.maximum(z * g2_ref[...] + t2_ref[...], 0.0)
    hout_ref[...] = h2
    yout_ref[...] = yin_ref[...] + jnp.dot(
        h2, fw_ref[...], preferred_element_type=jnp.float32, precision=_HIGH)


def _mlp(h, a0, a1, w1, b1, g1, t1, w2, b2, g2, t2, fw, yin):
    row = lambda i: (i, 0)
    full = lambda i: (0, 0)
    return pl.pallas_call(
        _mlp_body,
        grid=(N // _BLK,),
        in_specs=[
            pl.BlockSpec((_BLK, D), row),
            pl.BlockSpec((_BLK, D), row),
            pl.BlockSpec((_BLK, D), row),
            pl.BlockSpec((D, D), full),
            pl.BlockSpec((1, D), full),
            pl.BlockSpec((1, D), full),
            pl.BlockSpec((1, D), full),
            pl.BlockSpec((D, D), full),
            pl.BlockSpec((1, D), full),
            pl.BlockSpec((1, D), full),
            pl.BlockSpec((1, D), full),
            pl.BlockSpec((D, C), full),
            pl.BlockSpec((_BLK, C), row),
        ],
        out_specs=[pl.BlockSpec((_BLK, D), row),
                   pl.BlockSpec((_BLK, C), row)],
        out_shape=[jax.ShapeDtypeStruct((N, D), jnp.float32),
                   jax.ShapeDtypeStruct((N, C), jnp.float32)],
    )(h, a0, a1, w1, b1, g1, t1, w2, b2, g2, t2, fw, yin)


def _pool_body(x_ref, y_ref, b_ref, fw0_ref, fcb_ref, out_ref):
    i = pl.program_id(0)
    yb = y_ref[...] + jnp.dot(x_ref[...], fw0_ref[...],
                              preferred_element_type=jnp.float32,
                              precision=_HIGH)
    onehot = (b_ref[...] == lax.broadcasted_iota(jnp.int32, (1, G), 1)
              ).astype(jnp.float32)
    part = lax.dot_general(onehot, yb, (((0,), (0,)), ((), ())),
                           preferred_element_type=jnp.float32,
                           precision=_HIGH)

    @pl.when(i == 0)
    def _():
        out_ref[...] = part

    @pl.when(i > 0)
    def _():
        out_ref[...] += part

    @pl.when(i == pl.num_programs(0) - 1)
    def _():
        o = out_ref[...] + jnp.sum(fcb_ref[...], axis=0, keepdims=True)
        m = jnp.max(o, axis=-1, keepdims=True)
        lse = jnp.log(jnp.sum(jnp.exp(o - m), axis=-1, keepdims=True)) + m
        out_ref[...] = o - lse


def _pool(x, y, batch2, fw0, fcb):
    row = lambda i: (i, 0)
    full = lambda i: (0, 0)
    return pl.pallas_call(
        _pool_body,
        grid=(N // _BLK,),
        in_specs=[
            pl.BlockSpec((_BLK, D), row),
            pl.BlockSpec((_BLK, C), row),
            pl.BlockSpec((_BLK, 1), row),
            pl.BlockSpec((D, C), full),
            pl.BlockSpec((L + 1, C), full),
        ],
        out_specs=pl.BlockSpec((G, C), full),
        out_shape=jax.ShapeDtypeStruct((G, C), jnp.float32),
    )(x, y, batch2, fw0, fcb)


def kernel(x, edge_index, batch, convW1, convb1, bng1, bnb1,
           convW2, convb2, bns_g, bns_b, fcW, fcb):
    src = edge_index[0]
    dst = edge_index[1]
    batch2 = batch[:, None]
    h = x
    y = jnp.zeros((N, C), jnp.float32)
    for i in range(L):
        a0, a1 = _seg_sum(src, dst, h)
        h, y = _mlp(h, a0, a1,
                    convW1[i], convb1[i][None, :], bng1[i][None, :],
                    bnb1[i][None, :], convW2[i], convb2[i][None, :],
                    bns_g[i][None, :], bns_b[i][None, :], fcW[i + 1], y)
    return _pool(x, y, batch2, fcW[0], fcb)

# --- scband reference (transcript-rebuilt; emitter-appended) ---
"""Pipeline reference for scband-gin-3633542332749 (READ-ONLY COPY).

The authoritative reference and input builder live on the scoring server;
editing this copy changes nothing except your own understanding.
"""

import jax, jax.numpy as jnp
import numpy as np

N = 10000   # nodes
E = 320000  # edges
D = 128     # num_features == hidden_units
C = 40      # num_classes
L = 3       # num_layers
G = 128     # number of graphs in batch


def setup_inputs(seed: int = 0) -> dict:
    key = jax.random.key(seed)
    ks = jax.random.split(key, 8)
    x = jax.random.normal(ks[0], (N, D), dtype=jnp.float32)
    edge_index = jax.random.randint(ks[1], (2, E), 0, N, dtype=jnp.int32)
    batch = jnp.sort(jax.random.randint(ks[2], (N,), 0, G, dtype=jnp.int32))
    # GINConv MLP params per layer: Linear(D,D) -> BN(D) -> ReLU -> Linear(D,D)
    convW1 = jax.random.normal(ks[3], (L, D, D), dtype=jnp.float32) * 0.1
    convb1 = jnp.zeros((L, D), dtype=jnp.float32)
    bng1 = jnp.ones((L, D), dtype=jnp.float32)   # inner BN gamma
    bnb1 = jnp.zeros((L, D), dtype=jnp.float32)  # inner BN beta
    convW2 = jax.random.normal(ks[4], (L, D, D), dtype=jnp.float32) * 0.1
    convb2 = jnp.zeros((L, D), dtype=jnp.float32)
    bns_g = jnp.ones((L, D), dtype=jnp.float32)  # outer self.bns gamma
    bns_b = jnp.zeros((L, D), dtype=jnp.float32) # outer self.bns beta
    fcW = jax.random.normal(ks[5], (L + 1, D, C), dtype=jnp.float32) * 0.1
    fcb = jnp.zeros((L + 1, C), dtype=jnp.float32)
    return {"x": x, "edge_index": edge_index, "batch": batch,
            "convW1": convW1, "convb1": convb1, "bng1": bng1, "bnb1": bnb1,
            "convW2": convW2, "convb2": convb2, "bns_g": bns_g, "bns_b": bns_b,
            "fcW": fcW, "fcb": fcb}


def reference(x, edge_index, batch, convW1, convb1, bng1, bnb1,
              convW2, convb2, bns_g, bns_b, fcW, fcb):
    # Eval-mode BatchNorm (running stats mean=0, var=1) and dropout disabled.
    src = edge_index[0]
    dst = edge_index[1]
    outs = [x]
    h = x
    for i in range(L):
        # GINConv: MLP((1 + eps) * h + sum_{j in N(i)} h_j), eps = 0
        agg = jax.ops.segment_sum(h[src], dst, num_segments=N)
        z = h + agg
        z = z @ convW1[i] + convb1[i]
        z = z * bng1[i] + bnb1[i]
        z = jax.nn.relu(z)
        z = z @ convW2[i] + convb2[i]
        # outer BN + ReLU
        z = z * bns_g[i] + bns_b[i]
        h = jax.nn.relu(z)
        outs.append(h)
    out = jnp.zeros((G, C), dtype=jnp.float32)
    for i, o in enumerate(outs):
        pooled = jax.ops.segment_sum(o, batch, num_segments=G)  # global_add_pool
        out = out + (pooled @ fcW[i] + fcb[i])
    return jax.nn.log_softmax(out, axis=-1)

if __name__ == "__main__":
    import jax
    _d = setup_inputs()
    print(jax.jit(kernel)(*tuple(_d.values())))

</pallas_src>

<mosaic_0001>
#map = affine_map<(d0, d1) -> (0)>
#map1 = affine_map<(d0, d1) -> (0, 0)>
module attributes {stable_mosaic.version = 14 : i64} {
  func.func @_seg_body(%arg0: i32, %arg1: i32, %arg2: memref<320000xi32, #tpu.memory_space<hbm>>, %arg3: memref<320000xi32, #tpu.memory_space<hbm>>, %arg4: memref<10000x128xf32, #tpu.memory_space<hbm>>, %arg5: memref<10000x128xf32, #tpu.memory_space<hbm>>, %arg6: memref<10000x128xf32, #tpu.memory_space<hbm>>, %arg7: memref<128xi32, #tpu.memory_space<vmem>>, %arg8: memref<128xi32, #tpu.memory_space<vmem>>, %arg9: memref<128x128xf32, #tpu.memory_space<vmem>>, %arg10: memref<104x128xf32, #tpu.memory_space<vmem>>, %arg11: memref<10000x128xf32, #tpu.memory_space<vmem_shared>>, %arg12: memref<!tpu.dma_semaphore, #tpu.memory_space<semaphore_mem>>) attributes {dimension_semantics = [#tpu.dimension_semantics<core_parallel>, #tpu.dimension_semantics<subcore_parallel>], iteration_bounds = array<i64: 2, 16>, scalar_prefetch = 0 : i64, scratch_operands = 6 : i64, tpu.core_type = #tpu.core_type<sc_vector_subcore>, window_params = [{transform_indices = #map}, {transform_indices = #map}, {transform_indices = #map1}, {transform_indices = #map1}, {transform_indices = #map1}]} {
    %mul3A = arith.constant 2 : i32
    %mul3A_0 = arith.muli %arg1, %mul3A : i32
    %add3A = arith.addi %mul3A_0, %arg0 : i32
    %broadcast_in_dim3A = arith.constant 0.000000e+00 : f32
    %broadcast_in_dim3A_1 = vector.broadcast %broadcast_in_dim3A : f32 to vector<16xf32>
    %scan3A = arith.constant 0 : i32
    %scan3A_2 = arith.constant 0 : i32
    %scan3A_3 = arith.constant 832 : i32
    %scan3A_4 = arith.addi %scan3A_2, %scan3A_3 : i32
    %scan3A_5 = arith.constant 1 : i32
    scf.for %scan3A_54 = %scan3A_2 to %scan3A_4 step %scan3A_5  : i32 {
      %jit3A = arith.constant 8 : i32
      %div3A = arith.divsi %scan3A_54, %jit3A : i32
      %sign3A = arith.constant 0 : i32
      %sign3A_55 = arith.cmpi sgt, %scan3A_54, %sign3A : i32
      %sign3A_56 = arith.extui %sign3A_55 : i1 to i32
      %sign3A_57 = arith.constant 0 : i32
      %sign3A_58 = arith.cmpi slt, %scan3A_54, %sign3A_57 : i32
      %sign3A_59 = arith.extui %sign3A_58 : i1 to i32
      %sign3A_60 = arith.subi %sign3A_56, %sign3A_59 : i32
      %sign3A_61 = arith.constant 0 : i32
      %sign3A_62 = arith.cmpi sgt, %jit3A, %sign3A_61 : i32
      %sign3A_63 = arith.extui %sign3A_62 : i1 to i32
      %sign3A_64 = arith.constant 0 : i32
      %sign3A_65 = arith.cmpi slt, %jit3A, %sign3A_64 : i32
      %sign3A_66 = arith.extui %sign3A_65 : i1 to i32
      %sign3A_67 = arith.subi %sign3A_63, %sign3A_66 : i32
      %ne3A = arith.cmpi ne, %sign3A_60, %sign3A_67 : i32
      %rem3A = arith.remsi %scan3A_54, %jit3A : i32
      %ne3A_68 = arith.constant 0 : i32
      %ne3A_69 = arith.cmpi ne, %rem3A, %ne3A_68 : i32
      %and3A = arith.andi %ne3A, %ne3A_69 : i1
      %sub3A = arith.constant 1 : i32
      %sub3A_70 = arith.subi %div3A, %sub3A : i32
      %select_n3A = arith.select %and3A, %sub3A_70, %div3A : i32
      %jit3A_71 = arith.constant 8 : i32
      %eq3A_72 = arith.constant 0 : i32
      %eq3A_73 = arith.cmpi eq, %jit3A_71, %eq3A_72 : i32
      %jit3A_74 = arith.constant 1 : i32
      %select_n3A_75 = arith.select %eq3A_73, %jit3A_74, %jit3A_71 : i32
      %rem3A_76 = arith.remsi %scan3A_54, %select_n3A_75 : i32
      %ne3A_77 = arith.constant 0 : i32
      %ne3A_78 = arith.cmpi ne, %rem3A_76, %ne3A_77 : i32
      %lt3A_79 = arith.constant 0 : i32
      %lt3A_80 = arith.cmpi slt, %rem3A_76, %lt3A_79 : i32
      %lt3A_81 = arith.constant 0 : i32
      %lt3A_82 = arith.cmpi slt, %select_n3A_75, %lt3A_81 : i32
      %ne3A_83 = arith.xori %lt3A_80, %lt3A_82 : i1
      %and3A_84 = arith.andi %ne3A_83, %ne3A_78 : i1
      %add3A_85 = arith.addi %rem3A_76, %select_n3A_75 : i32
      %select_n3A_86 = arith.select %and3A_84, %add3A_85, %rem3A_76 : i32
      %mul3A_87 = arith.constant 16 : i32
      %mul3A_88 = arith.muli %select_n3A_86, %mul3A_87 : i32
      %swap3A = arith.index_cast %select_n3A : i32 to index
      %swap3A_89 = arith.index_cast %mul3A_88 : i32 to index
      %swap3A_90 = tpu.vector_load %arg10[%swap3A, %swap3A_89] {strides = array<i32>} : memref<104x128xf32, #tpu.memory_space<vmem>>, vector<1x16xf32>,
      %swap3A_91 = vector.shape_cast %swap3A_90 : vector<1x16xf32> to vector<16xf32>
      %swap3A_92 = vector.shape_cast %broadcast_in_dim3A_1 : vector<16xf32> to vector<1x16xf32>
      tpu.vector_store %arg10[%swap3A, %swap3A_89], %swap3A_92 {strides = array<i32>} : memref<104x128xf32, #tpu.memory_space<vmem>>, vector<1x16xf32>,
    }
    %scan3A_6 = arith.constant 832 : i32
    %mul3A_7 = arith.constant 624 : i32
    %mul3A_8 = arith.muli %arg1, %mul3A_7 : i32
    %add3A_9 = arith.constant 0 : i32
    %add3A_10 = arith.addi %mul3A_8, %add3A_9 : i32
    "tpu.region"() ({
      %run_scoped3A = tpu.sem_alloc : memref<!tpu.dma_semaphore, #tpu.memory_space<semaphore_mem>>
      %dma_start3A = arith.constant 0 : i32
      %dma_start3A_54 = tpu.memref_slice %arg11[%add3A_10, %dma_start3A] : memref<10000x128xf32, #tpu.memory_space<vmem_shared>> -> memref<104x128xf32, #tpu.memory_space<vmem_shared>>
      %dma_start3A_55 = arith.constant 0 : i32
      %dma_start3A_56 = tpu.memref_slice %arg11[%add3A_10, %dma_start3A_55] : memref<10000x128xf32, #tpu.memory_space<vmem_shared>> -> memref<104x128xf32, #tpu.memory_space<vmem_shared>>
      tpu.enqueue_dma source(%arg10 : memref<104x128xf32, #tpu.memory_space<vmem>>) target(%dma_start3A_56 : memref<104x128xf32, #tpu.memory_space<vmem_shared>>) target_semaphore(%run_scoped3A : memref<!tpu.dma_semaphore, #tpu.memory_space<semaphore_mem>>)
      %dma_wait3A = arith.constant 0 : i32
      %dma_wait3A_57 = tpu.memref_slice %arg11[%add3A_10, %dma_wait3A] : memref<10000x128xf32, #tpu.memory_space<vmem_shared>> -> memref<104x128xf32, #tpu.memory_space<vmem_shared>>
      %dma_wait3A_58 = arith.constant 0 : i32
      %dma_wait3A_59 = tpu.memref_slice %arg11[%add3A_10, %dma_wait3A_58] : memref<10000x128xf32, #tpu.memory_space<vmem_shared>> -> memref<104x128xf32, #tpu.memory_space<vmem_shared>>
      tpu.wait_dma2 semaphore(%run_scoped3A : memref<!tpu.dma_semaphore, #tpu.memory_space<semaphore_mem>>) src(%arg10 : memref<104x128xf32, #tpu.memory_space<vmem>>) dst(%dma_wait3A_59 : memref<104x128xf32, #tpu.memory_space<vmem_shared>>)
      tpu.yield
    }) : () -> ()
    %mul3A_11 = arith.constant 624 : i32
    %mul3A_12 = arith.muli %arg1, %mul3A_11 : i32
    %add3A_13 = arith.constant 104 : i32
    %add3A_14 = arith.addi %mul3A_12, %add3A_13 : i32
    "tpu.region"() ({
      %run_scoped3A = tpu.sem_alloc : memref<!tpu.dma_semaphore, #tpu.memory_space<semaphore_mem>>
      %dma_start3A = arith.constant 0 : i32
      %dma_start3A_54 = tpu.memref_slice %arg11[%add3A_14, %dma_start3A] : memref<10000x128xf32, #tpu.memory_space<vmem_shared>> -> memref<104x128xf32, #tpu.memory_space<vmem_shared>>
      %dma_start3A_55 = arith.constant 0 : i32
      %dma_start3A_56 = tpu.memref_slice %arg11[%add3A_14, %dma_start3A_55] : memref<10000x128xf32, #tpu.memory_space<vmem_shared>> -> memref<104x128xf32, #tpu.memory_space<vmem_shared>>
      tpu.enqueue_dma source(%arg10 : memref<104x128xf32, #tpu.memory_space<vmem>>) target(%dma_start3A_56 : memref<104x128xf32, #tpu.memory_space<vmem_shared>>) target_semaphore(%run_scoped3A : memref<!tpu.dma_semaphore, #tpu.memory_space<semaphore_mem>>)
      %dma_wait3A = arith.constant 0 : i32
      %dma_wait3A_57 = tpu.memref_slice %arg11[%add3A_14, %dma_wait3A] : memref<10000x128xf32, #tpu.memory_space<vmem_shared>> -> memref<104x128xf32, #tpu.memory_space<vmem_shared>>
      %dma_wait3A_58 = arith.constant 0 : i32
      %dma_wait3A_59 = tpu.memref_slice %arg11[%add3A_14, %dma_wait3A_58] : memref<10000x128xf32, #tpu.memory_space<vmem_shared>> -> memref<104x128xf32, #tpu.memory_space<vmem_shared>>
      tpu.wait_dma2 semaphore(%run_scoped3A : memref<!tpu.dma_semaphore, #tpu.memory_space<semaphore_mem>>) src(%arg10 : memref<104x128xf32, #tpu.memory_space<vmem>>) dst(%dma_wait3A_59 : memref<104x128xf32, #tpu.memory_space<vmem_shared>>)
      tpu.yield
    }) : () -> ()
    %mul3A_15 = arith.constant 624 : i32
    %mul3A_16 = arith.muli %arg1, %mul3A_15 : i32
    %add3A_17 = arith.constant 208 : i32
    %add3A_18 = arith.addi %mul3A_16, %add3A_17 : i32
    "tpu.region"() ({
      %run_scoped3A = tpu.sem_alloc : memref<!tpu.dma_semaphore, #tpu.memory_space<semaphore_mem>>
      %dma_start3A = arith.constant 0 : i32
      %dma_start3A_54 = tpu.memref_slice %arg11[%add3A_18, %dma_start3A] : memref<10000x128xf32, #tpu.memory_space<vmem_shared>> -> memref<104x128xf32, #tpu.memory_space<vmem_shared>>
      %dma_start3A_55 = arith.constant 0 : i32
      %dma_start3A_56 = tpu.memref_slice %arg11[%add3A_18, %dma_start3A_55] : memref<10000x128xf32, #tpu.memory_space<vmem_shared>> -> memref<104x128xf32, #tpu.memory_space<vmem_shared>>
      tpu.enqueue_dma source(%arg10 : memref<104x128xf32, #tpu.memory_space<vmem>>) target(%dma_start3A_56 : memref<104x128xf32, #tpu.memory_space<vmem_shared>>) target_semaphore(%run_scoped3A : memref<!tpu.dma_semaphore, #tpu.memory_space<semaphore_mem>>)
      %dma_wait3A = arith.constant 0 : i32
      %dma_wait3A_57 = tpu.memref_slice %arg11[%add3A_18, %dma_wait3A] : memref<10000x128xf32, #tpu.memory_space<vmem_shared>> -> memref<104x128xf32, #tpu.memory_space<vmem_shared>>
      %dma_wait3A_58 = arith.constant 0 : i32
      %dma_wait3A_59 = tpu.memref_slice %arg11[%add3A_18, %dma_wait3A_58] : memref<10000x128xf32, #tpu.memory_space<vmem_shared>> -> memref<104x128xf32, #tpu.memory_space<vmem_shared>>
      tpu.wait_dma2 semaphore(%run_scoped3A : memref<!tpu.dma_semaphore, #tpu.memory_space<semaphore_mem>>) src(%arg10 : memref<104x128xf32, #tpu.memory_space<vmem>>) dst(%dma_wait3A_59 : memref<104x128xf32, #tpu.memory_space<vmem_shared>>)
      tpu.yield
    }) : () -> ()
    %mul3A_19 = arith.constant 624 : i32
    %mul3A_20 = arith.muli %arg1, %mul3A_19 : i32
    %add3A_21 = arith.constant 312 : i32
    %add3A_22 = arith.addi %mul3A_20, %add3A_21 : i32
    "tpu.region"() ({
      %run_scoped3A = tpu.sem_alloc : memref<!tpu.dma_semaphore, #tpu.memory_space<semaphore_mem>>
      %dma_start3A = arith.constant 0 : i32
      %dma_start3A_54 = tpu.memref_slice %arg11[%add3A_22, %dma_start3A] : memref<10000x128xf32, #tpu.memory_space<vmem_shared>> -> memref<104x128xf32, #tpu.memory_space<vmem_shared>>
      %dma_start3A_55 = arith.constant 0 : i32
      %dma_start3A_56 = tpu.memref_slice %arg11[%add3A_22, %dma_start3A_55] : memref<10000x128xf32, #tpu.memory_space<vmem_shared>> -> memref<104x128xf32, #tpu.memory_space<vmem_shared>>
      tpu.enqueue_dma source(%arg10 : memref<104x128xf32, #tpu.memory_space<vmem>>) target(%dma_start3A_56 : memref<104x128xf32, #tpu.memory_space<vmem_shared>>) target_semaphore(%run_scoped3A : memref<!tpu.dma_semaphore, #tpu.memory_space<semaphore_mem>>)
      %dma_wait3A = arith.constant 0 : i32
      %dma_wait3A_57 = tpu.memref_slice %arg11[%add3A_22, %dma_wait3A] : memref<10000x128xf32, #tpu.memory_space<vmem_shared>> -> memref<104x128xf32, #tpu.memory_space<vmem_shared>>
      %dma_wait3A_58 = arith.constant 0 : i32
      %dma_wait3A_59 = tpu.memref_slice %arg11[%add3A_22, %dma_wait3A_58] : memref<10000x128xf32, #tpu.memory_space<vmem_shared>> -> memref<104x128xf32, #tpu.memory_space<vmem_shared>>
      tpu.wait_dma2 semaphore(%run_scoped3A : memref<!tpu.dma_semaphore, #tpu.memory_space<semaphore_mem>>) src(%arg10 : memref<104x128xf32, #tpu.memory_space<vmem>>) dst(%dma_wait3A_59 : memref<104x128xf32, #tpu.memory_space<vmem_shared>>)
      tpu.yield
    }) : () -> ()
    %mul3A_23 = arith.constant 624 : i32
    %mul3A_24 = arith.muli %arg1, %mul3A_23 : i32
    %add3A_25 = arith.constant 416 : i32
    %add3A_26 = arith.addi %mul3A_24, %add3A_25 : i32
    "tpu.region"() ({
      %run_scoped3A = tpu.sem_alloc : memref<!tpu.dma_semaphore, #tpu.memory_space<semaphore_mem>>
      %dma_start3A = arith.constant 0 : i32
      %dma_start3A_54 = tpu.memref_slice %arg11[%add3A_26, %dma_start3A] : memref<10000x128xf32, #tpu.memory_space<vmem_shared>> -> memref<104x128xf32, #tpu.memory_space<vmem_shared>>
      %dma_start3A_55 = arith.constant 0 : i32
      %dma_start3A_56 = tpu.memref_slice %arg11[%add3A_26, %dma_start3A_55] : memref<10000x128xf32, #tpu.memory_space<vmem_shared>> -> memref<104x128xf32, #tpu.memory_space<vmem_shared>>
      tpu.enqueue_dma source(%arg10 : memref<104x128xf32, #tpu.memory_space<vmem>>) target(%dma_start3A_56 : memref<104x128xf32, #tpu.memory_space<vmem_shared>>) target_semaphore(%run_scoped3A : memref<!tpu.dma_semaphore, #tpu.memory_space<semaphore_mem>>)
      %dma_wait3A = arith.constant 0 : i32
      %dma_wait3A_57 = tpu.memref_slice %arg11[%add3A_26, %dma_wait3A] : memref<10000x128xf32, #tpu.memory_space<vmem_shared>> -> memref<104x128xf32, #tpu.memory_space<vmem_shared>>
      %dma_wait3A_58 = arith.constant 0 : i32
      %dma_wait3A_59 = tpu.memref_slice %arg11[%add3A_26, %dma_wait3A_58] : memref<10000x128xf32, #tpu.memory_space<vmem_shared>> -> memref<104x128xf32, #tpu.memory_space<vmem_shared>>
      tpu.wait_dma2 semaphore(%run_scoped3A : memref<!tpu.dma_semaphore, #tpu.memory_space<semaphore_mem>>) src(%arg10 : memref<104x128xf32, #tpu.memory_space<vmem>>) dst(%dma_wait3A_59 : memref<104x128xf32, #tpu.memory_space<vmem_shared>>)
      tpu.yield
    }) : () -> ()
    %mul3A_27 = arith.constant 624 : i32
    %mul3A_28 = arith.muli %arg1, %mul3A_27 : i32
    %add3A_29 = arith.constant 520 : i32
    %add3A_30 = arith.addi %mul3A_28, %add3A_29 : i32
    "tpu.region"() ({
      %run_scoped3A = tpu.sem_alloc : memref<!tpu.dma_semaphore, #tpu.memory_space<semaphore_mem>>
      %dma_start3A = arith.constant 0 : i32
      %dma_start3A_54 = tpu.memref_slice %arg11[%add3A_30, %dma_start3A] : memref<10000x128xf32, #tpu.memory_space<vmem_shared>> -> memref<104x128xf32, #tpu.memory_space<vmem_shared>>
      %dma_start3A_55 = arith.constant 0 : i32
      %dma_start3A_56 = tpu.memref_slice %arg11[%add3A_30, %dma_start3A_55] : memref<10000x128xf32, #tpu.memory_space<vmem_shared>> -> memref<104x128xf32, #tpu.memory_space<vmem_shared>>
      tpu.enqueue_dma source(%arg10 : memref<104x128xf32, #tpu.memory_space<vmem>>) target(%dma_start3A_56 : memref<104x128xf32, #tpu.memory_space<vmem_shared>>) target_semaphore(%run_scoped3A : memref<!tpu.dma_semaphore, #tpu.memory_space<semaphore_mem>>)
      %dma_wait3A = arith.constant 0 : i32
      %dma_wait3A_57 = tpu.memref_slice %arg11[%add3A_30, %dma_wait3A] : memref<10000x128xf32, #tpu.memory_space<vmem_shared>> -> memref<104x128xf32, #tpu.memory_space<vmem_shared>>
      %dma_wait3A_58 = arith.constant 0 : i32
      %dma_wait3A_59 = tpu.memref_slice %arg11[%add3A_30, %dma_wait3A_58] : memref<10000x128xf32, #tpu.memory_space<vmem_shared>> -> memref<104x128xf32, #tpu.memory_space<vmem_shared>>
      tpu.wait_dma2 semaphore(%run_scoped3A : memref<!tpu.dma_semaphore, #tpu.memory_space<semaphore_mem>>) src(%arg10 : memref<104x128xf32, #tpu.memory_space<vmem>>) dst(%dma_wait3A_59 : memref<104x128xf32, #tpu.memory_space<vmem_shared>>)
      tpu.yield
    }) : () -> ()
    %eq3A = arith.constant 15 : i32
    %eq3A_31 = arith.cmpi eq, %arg1, %eq3A : i32
    %convert_element_type3A = arith.extui %eq3A_31 : i1 to i32
    %cond3A = arith.constant 0 : i32
    %cond3A_32 = arith.cmpi ne, %convert_element_type3A, %cond3A : i32
    scf.if %cond3A_32 {
      "tpu.region"() ({
        %run_scoped3A = tpu.sem_alloc : memref<!tpu.dma_semaphore, #tpu.memory_space<semaphore_mem>>
        %dma_start3A = arith.constant 0 : i32
        %dma_start3A_54 = arith.constant 0 : i32
        %dma_start3A_55 = tpu.memref_slice %arg10[%dma_start3A, %dma_start3A_54] : memref<104x128xf32, #tpu.memory_space<vmem>> -> memref<16x128xf32, #tpu.memory_space<vmem>>
        %dma_start3A_56 = arith.constant 9984 : i32
        %dma_start3A_57 = arith.constant 0 : i32
        %dma_start3A_58 = tpu.memref_slice %arg11[%dma_start3A_56, %dma_start3A_57] : memref<10000x128xf32, #tpu.memory_space<vmem_shared>> -> memref<16x128xf32, #tpu.memory_space<vmem_shared>>
        %dma_start3A_59 = arith.constant 9984 : i32
        %dma_start3A_60 = arith.constant 0 : i32
        %dma_start3A_61 = tpu.memref_slice %arg11[%dma_start3A_59, %dma_start3A_60] : memref<10000x128xf32, #tpu.memory_space<vmem_shared>> -> memref<16x128xf32, #tpu.memory_space<vmem_shared>>
        %dma_start3A_62 = arith.constant 0 : i32
        %dma_start3A_63 = arith.constant 0 : i32
        %dma_start3A_64 = tpu.memref_slice %arg10[%dma_start3A_62, %dma_start3A_63] : memref<104x128xf32, #tpu.memory_space<vmem>> -> memref<16x128xf32, #tpu.memory_space<vmem>>
        tpu.enqueue_dma source(%dma_start3A_64 : memref<16x128xf32, #tpu.memory_space<vmem>>) target(%dma_start3A_61 : memref<16x128xf32, #tpu.memory_space<vmem_shared>>) target_semaphore(%run_scoped3A : memref<!tpu.dma_semaphore, #tpu.memory_space<semaphore_mem>>)
        %dma_wait3A = arith.constant 0 : i32
        %dma_wait3A_65 = arith.constant 0 : i32
        %dma_wait3A_66 = tpu.memref_slice %arg10[%dma_wait3A, %dma_wait3A_65] : memref<104x128xf32, #tpu.memory_space<vmem>> -> memref<16x128xf32, #tpu.memory_space<vmem>>
        %dma_wait3A_67 = arith.constant 9984 : i32
        %dma_wait3A_68 = arith.constant 0 : i32
        %dma_wait3A_69 = tpu.memref_slice %arg11[%dma_wait3A_67, %dma_wait3A_68] : memref<10000x128xf32, #tpu.memory_space<vmem_shared>> -> memref<16x128xf32, #tpu.memory_space<vmem_shared>>
        %dma_wait3A_70 = arith.constant 9984 : i32
        %dma_wait3A_71 = arith.constant 0 : i32
        %dma_wait3A_72 = tpu.memref_slice %arg11[%dma_wait3A_70, %dma_wait3A_71] : memref<10000x128xf32, #tpu.memory_space<vmem_shared>> -> memref<16x128xf32, #tpu.memory_space<vmem_shared>>
        %dma_wait3A_73 = arith.constant 0 : i32
        %dma_wait3A_74 = arith.constant 0 : i32
        %dma_wait3A_75 = tpu.memref_slice %arg10[%dma_wait3A_73, %dma_wait3A_74] : memref<104x128xf32, #tpu.memory_space<vmem>> -> memref<16x128xf32, #tpu.memory_space<vmem>>
        tpu.wait_dma2 semaphore(%run_scoped3A : memref<!tpu.dma_semaphore, #tpu.memory_space<semaphore_mem>>) src(%dma_wait3A_75 : memref<16x128xf32, #tpu.memory_space<vmem>>) dst(%dma_wait3A_72 : memref<16x128xf32, #tpu.memory_space<vmem_shared>>)
        tpu.yield
      }) : () -> ()
    } else {
    }
    %barrier3A = arith.constant 0 : index
    tpu.barrier barrier_id(%barrier3A)
    %scan3A_33 = arith.constant 0 : i32
    %scan3A_34 = arith.constant 0 : i32
    %scan3A_35 = arith.constant 78 : i32
    %scan3A_36 = arith.addi %scan3A_34, %scan3A_35 : i32
    %scan3A_37 = arith.constant 1 : i32
    scf.for %scan3A_54 = %scan3A_34 to %scan3A_36 step %scan3A_37  : i32 {
      %mul3A_55 = arith.constant 32 : i32
      %mul3A_56 = arith.muli %scan3A_54, %mul3A_55 : i32
      %add3A_57 = arith.addi %mul3A_56, %add3A : i32
      %mul3A_58 = arith.constant 128 : i32
      %mul3A_59 = arith.muli %add3A_57, %mul3A_58 : i32
      "tpu.region"() ({
        %run_scoped3A = tpu.sem_alloc : memref<!tpu.dma_semaphore, #tpu.memory_space<semaphore_mem>>
        %dma_start3A_64 = tpu.memref_slice %arg2[%mul3A_59] : memref<320000xi32, #tpu.memory_space<hbm>> -> memref<128xi32, #tpu.memory_space<hbm>>
        %dma_start3A_65 = tpu.memref_slice %arg2[%mul3A_59] : memref<320000xi32, #tpu.memory_space<hbm>> -> memref<128xi32, #tpu.memory_space<hbm>>
        tpu.enqueue_dma source(%dma_start3A_65 : memref<128xi32, #tpu.memory_space<hbm>>) target(%arg7 : memref<128xi32, #tpu.memory_space<vmem>>) target_semaphore(%run_scoped3A : memref<!tpu.dma_semaphore, #tpu.memory_space<semaphore_mem>>)
        %dma_wait3A_66 = tpu.memref_slice %arg2[%mul3A_59] : memref<320000xi32, #tpu.memory_space<hbm>> -> memref<128xi32, #tpu.memory_space<hbm>>
        %dma_wait3A_67 = tpu.memref_slice %arg2[%mul3A_59] : memref<320000xi32, #tpu.memory_space<hbm>> -> memref<128xi32, #tpu.memory_space<hbm>>
        tpu.wait_dma2 semaphore(%run_scoped3A : memref<!tpu.dma_semaphore, #tpu.memory_space<semaphore_mem>>) src(%dma_wait3A_67 : memref<128xi32, #tpu.memory_space<hbm>>) dst(%arg7 : memref<128xi32, #tpu.memory_space<vmem>>)
        tpu.yield
      }) : () -> ()
      "tpu.region"() ({
        %run_scoped3A = tpu.sem_alloc : memref<!tpu.dma_semaphore, #tpu.memory_space<semaphore_mem>>
        %dma_start3A_64 = tpu.memref_slice %arg3[%mul3A_59] : memref<320000xi32, #tpu.memory_space<hbm>> -> memref<128xi32, #tpu.memory_space<hbm>>
        %dma_start3A_65 = tpu.memref_slice %arg3[%mul3A_59] : memref<320000xi32, #tpu.memory_space<hbm>> -> memref<128xi32, #tpu.memory_space<hbm>>
        tpu.enqueue_dma source(%dma_start3A_65 : memref<128xi32, #tpu.memory_space<hbm>>) target(%arg8 : memref<128xi32, #tpu.memory_space<vmem>>) target_semaphore(%run_scoped3A : memref<!tpu.dma_semaphore, #tpu.memory_space<semaphore_mem>>)
        %dma_wait3A_66 = tpu.memref_slice %arg3[%mul3A_59] : memref<320000xi32, #tpu.memory_space<hbm>> -> memref<128xi32, #tpu.memory_space<hbm>>
        %dma_wait3A_67 = tpu.memref_slice %arg3[%mul3A_59] : memref<320000xi32, #tpu.memory_space<hbm>> -> memref<128xi32, #tpu.memory_space<hbm>>
        tpu.wait_dma2 semaphore(%run_scoped3A : memref<!tpu.dma_semaphore, #tpu.memory_space<semaphore_mem>>) src(%dma_wait3A_67 : memref<128xi32, #tpu.memory_space<hbm>>) dst(%arg8 : memref<128xi32, #tpu.memory_space<vmem>>)
        tpu.yield
      }) : () -> ()
      %dma_start3A = arith.constant 0 : i32
      %dma_start3A_60 = arith.constant 0 : i32
      %dma_start3A_61 = tpu.memref_slice %arg4[%dma_start3A, %dma_start3A_60] : memref<10000x128xf32, #tpu.memory_space<hbm>> -> memref<10000x128xf32, #tpu.memory_space<hbm>>
      tpu.enqueue_indirect_dma source(%dma_start3A_61 : memref<10000x128xf32, #tpu.memory_space<hbm>>) target(%arg9 : memref<128x128xf32, #tpu.memory_space<vmem>>) offsets(%arg7 : memref<128xi32, #tpu.memory_space<vmem>>) semaphore(%arg12 : memref<!tpu.dma_semaphore, #tpu.memory_space<semaphore_mem>>)
      %dma_wait3A = arith.constant 0 : i32
      %dma_wait3A_62 = arith.constant 0 : i32
      %dma_wait3A_63 = tpu.memref_slice %arg4[%dma_wait3A, %dma_wait3A_62] : memref<10000x128xf32, #tpu.memory_space<hbm>> -> memref<10000x128xf32, #tpu.memory_space<hbm>>
      tpu.wait_indirect_dma semaphore(%arg12 : memref<!tpu.dma_semaphore, #tpu.memory_space<semaphore_mem>>) src(%dma_wait3A_63 : memref<10000x128xf32, #tpu.memory_space<hbm>>) dst(%arg9 : memref<128x128xf32, #tpu.memory_space<vmem>>)
      "tpu.region"() ({
        %run_scoped3A = tpu.sem_alloc : memref<!tpu.dma_semaphore, #tpu.memory_space<semaphore_mem>>
        %dma_start3A_64 = arith.constant 0 : i32
        %dma_start3A_65 = arith.constant 0 : i32
        %dma_start3A_66 = tpu.memref_slice %arg11[%dma_start3A_64, %dma_start3A_65] : memref<10000x128xf32, #tpu.memory_space<vmem_shared>> -> memref<10000x128xf32, #tpu.memory_space<vmem_shared>>
        tpu.enqueue_indirect_dma source(%arg9 : memref<128x128xf32, #tpu.memory_space<vmem>>) target(%dma_start3A_66 : memref<10000x128xf32, #tpu.memory_space<vmem_shared>>) offsets(%arg8 : memref<128xi32, #tpu.memory_space<vmem>>) semaphore(%run_scoped3A : memref<!tpu.dma_semaphore, #tpu.memory_space<semaphore_mem>>) {add = true}
        %dma_wait3A_67 = arith.constant 0 : i32
        %dma_wait3A_68 = arith.constant 0 : i32
        %dma_wait3A_69 = tpu.memref_slice %arg11[%dma_wait3A_67, %dma_wait3A_68] : memref<10000x128xf32, #tpu.memory_space<vmem_shared>> -> memref<10000x128xf32, #tpu.memory_space<vmem_shared>>
        tpu.wait_indirect_dma semaphore(%run_scoped3A : memref<!tpu.dma_semaphore, #tpu.memory_space<semaphore_mem>>) src(%arg9 : memref<128x128xf32, #tpu.memory_space<vmem>>) dst(%dma_wait3A_69 : memref<10000x128xf32, #tpu.memory_space<vmem_shared>>)
        tpu.yield
      }) : () -> ()
    }
    %scan3A_38 = arith.constant 78 : i32
    %lt3A = arith.constant 4 : i32
    %lt3A_39 = arith.cmpi slt, %add3A, %lt3A : i32
    %convert_element_type3A_40 = arith.extui %lt3A_39 : i1 to i32
    %cond3A_41 = arith.constant 0 : i32
    %cond3A_42 = arith.cmpi ne, %convert_element_type3A_40, %cond3A_41 : i32
    scf.if %cond3A_42 {
      %add3A_54 = arith.constant 2496 : i32
      %add3A_55 = arith.addi %add3A_54, %add3A : i32
      %mul3A_56 = arith.constant 128 : i32
      %mul3A_57 = arith.muli %add3A_55, %mul3A_56 : i32
      "tpu.region"() ({
        %run_scoped3A = tpu.sem_alloc : memref<!tpu.dma_semaphore, #tpu.memory_space<semaphore_mem>>
        %dma_start3A_62 = tpu.memref_slice %arg2[%mul3A_57] : memref<320000xi32, #tpu.memory_space<hbm>> -> memref<128xi32, #tpu.memory_space<hbm>>
        %dma_start3A_63 = tpu.memref_slice %arg2[%mul3A_57] : memref<320000xi32, #tpu.memory_space<hbm>> -> memref<128xi32, #tpu.memory_space<hbm>>
        tpu.enqueue_dma source(%dma_start3A_63 : memref<128xi32, #tpu.memory_space<hbm>>) target(%arg7 : memref<128xi32, #tpu.memory_space<vmem>>) target_semaphore(%run_scoped3A : memref<!tpu.dma_semaphore, #tpu.memory_space<semaphore_mem>>)
        %dma_wait3A_64 = tpu.memref_slice %arg2[%mul3A_57] : memref<320000xi32, #tpu.memory_space<hbm>> -> memref<128xi32, #tpu.memory_space<hbm>>
        %dma_wait3A_65 = tpu.memref_slice %arg2[%mul3A_57] : memref<320000xi32, #tpu.memory_space<hbm>> -> memref<128xi32, #tpu.memory_space<hbm>>
        tpu.wait_dma2 semaphore(%run_scoped3A : memref<!tpu.dma_semaphore, #tpu.memory_space<semaphore_mem>>) src(%dma_wait3A_65 : memref<128xi32, #tpu.memory_space<hbm>>) dst(%arg7 : memref<128xi32, #tpu.memory_space<vmem>>)
        tpu.yield
      }) : () -> ()
      "tpu.region"() ({
        %run_scoped3A = tpu.sem_alloc : memref<!tpu.dma_semaphore, #tpu.memory_space<semaphore_mem>>
        %dma_start3A_62 = tpu.memref_slice %arg3[%mul3A_57] : memref<320000xi32, #tpu.memory_space<hbm>> -> memref<128xi32, #tpu.memory_space<hbm>>
        %dma_start3A_63 = tpu.memref_slice %arg3[%mul3A_57] : memref<320000xi32, #tpu.memory_space<hbm>> -> memref<128xi32, #tpu.memory_space<hbm>>
        tpu.enqueue_dma source(%dma_start3A_63 : memref<128xi32, #tpu.memory_space<hbm>>) target(%arg8 : memref<128xi32, #tpu.memory_space<vmem>>) target_semaphore(%run_scoped3A : memref<!tpu.dma_semaphore, #tpu.memory_space<semaphore_mem>>)
        %dma_wait3A_64 = tpu.memref_slice %arg3[%mul3A_57] : memref<320000xi32, #tpu.memory_space<hbm>> -> memref<128xi32, #tpu.memory_space<hbm>>
        %dma_wait3A_65 = tpu.memref_slice %arg3[%mul3A_57] : memref<320000xi32, #tpu.memory_space<hbm>> -> memref<128xi32, #tpu.memory_space<hbm>>
        tpu.wait_dma2 semaphore(%run_scoped3A : memref<!tpu.dma_semaphore, #tpu.memory_space<semaphore_mem>>) src(%dma_wait3A_65 : memref<128xi32, #tpu.memory_space<hbm>>) dst(%arg8 : memref<128xi32, #tpu.memory_space<vmem>>)
        tpu.yield
      }) : () -> ()
      %dma_start3A = arith.constant 0 : i32
      %dma_start3A_58 = arith.constant 0 : i32
      %dma_start3A_59 = tpu.memref_slice %arg4[%dma_start3A, %dma_start3A_58] : memref<10000x128xf32, #tpu.memory_space<hbm>> -> memref<10000x128xf32, #tpu.memory_space<hbm>>
      tpu.enqueue_indirect_dma source(%dma_start3A_59 : memref<10000x128xf32, #tpu.memory_space<hbm>>) target(%arg9 : memref<128x128xf32, #tpu.memory_space<vmem>>) offsets(%arg7 : memref<128xi32, #tpu.memory_space<vmem>>) semaphore(%arg12 : memref<!tpu.dma_semaphore, #tpu.memory_space<semaphore_mem>>)
      %dma_wait3A = arith.constant 0 : i32
      %dma_wait3A_60 = arith.constant 0 : i32
      %dma_wait3A_61 = tpu.memref_slice %arg4[%dma_wait3A, %dma_wait3A_60] : memref<10000x128xf32, #tpu.memory_space<hbm>> -> memref<10000x128xf32, #tpu.memory_space<hbm>>
      tpu.wait_indirect_dma semaphore(%arg12 : memref<!tpu.dma_semaphore, #tpu.memory_space<semaphore_mem>>) src(%dma_wait3A_61 : memref<10000x128xf32, #tpu.memory_space<hbm>>) dst(%arg9 : memref<128x128xf32, #tpu.memory_space<vmem>>)
      "tpu.region"() ({
        %run_scoped3A = tpu.sem_alloc : memref<!tpu.dma_semaphore, #tpu.memory_space<semaphore_mem>>
        %dma_start3A_62 = arith.constant 0 : i32
        %dma_start3A_63 = arith.constant 0 : i32
        %dma_start3A_64 = tpu.memref_slice %arg11[%dma_start3A_62, %dma_start3A_63] : memref<10000x128xf32, #tpu.memory_space<vmem_shared>> -> memref<10000x128xf32, #tpu.memory_space<vmem_shared>>
        tpu.enqueue_indirect_dma source(%arg9 : memref<128x128xf32, #tpu.memory_space<vmem>>) target(%dma_start3A_64 : memref<10000x128xf32, #tpu.memory_space<vmem_shared>>) offsets(%arg8 : memref<128xi32, #tpu.memory_space<vmem>>) semaphore(%run_scoped3A : memref<!tpu.dma_semaphore, #tpu.memory_space<semaphore_mem>>) {add = true}
        %dma_wait3A_65 = arith.constant 0 : i32
        %dma_wait3A_66 = arith.constant 0 : i32
        %dma_wait3A_67 = tpu.memref_slice %arg11[%dma_wait3A_65, %dma_wait3A_66] : memref<10000x128xf32, #tpu.memory_space<vmem_shared>> -> memref<10000x128xf32, #tpu.memory_space<vmem_shared>>
        tpu.wait_indirect_dma semaphore(%run_scoped3A : memref<!tpu.dma_semaphore, #tpu.memory_space<semaphore_mem>>) src(%arg9 : memref<128x128xf32, #tpu.memory_space<vmem>>) dst(%dma_wait3A_67 : memref<10000x128xf32, #tpu.memory_space<vmem_shared>>)
        tpu.yield
      }) : () -> ()
    } else {
    }
    %barrier3A_43 = arith.constant 0 : index
    tpu.barrier barrier_id(%barrier3A_43)
    %eq3A_44 = arith.constant 0 : i32
    %eq3A_45 = arith.cmpi eq, %arg0, %eq3A_44 : i32
    %convert_element_type3A_46 = arith.extui %eq3A_45 : i1 to i32
    %cond3A_47 = arith.constant 0 : i32
    %cond3A_48 = arith.cmpi ne, %convert_element_type3A_46, %cond3A_47 : i32
    scf.if %cond3A_48 {
      %mul3A_54 = arith.constant 624 : i32
      %mul3A_55 = arith.muli %arg1, %mul3A_54 : i32
      %mul3A_56 = arith.constant 624 : i32
      %mul3A_57 = arith.muli %arg1, %mul3A_56 : i32
      "tpu.region"() ({
        %run_scoped3A = tpu.sem_alloc : memref<!tpu.dma_semaphore, #tpu.memory_space<semaphore_mem>>
        %dma_start3A = arith.constant 0 : i32
        %dma_start3A_63 = tpu.memref_slice %arg5[%mul3A_57, %dma_start3A] : memref<10000x128xf32, #tpu.memory_space<hbm>> -> memref<624x128xf32, #tpu.memory_space<hbm>>
        %dma_start3A_64 = arith.constant 0 : i32
        %dma_start3A_65 = tpu.memref_slice %arg11[%mul3A_55, %dma_start3A_64] : memref<10000x128xf32, #tpu.memory_space<vmem_shared>> -> memref<624x128xf32, #tpu.memory_space<vmem_shared>>
        tpu.enqueue_dma source(%dma_start3A_65 : memref<624x128xf32, #tpu.memory_space<vmem_shared>>) target(%dma_start3A_63 : memref<624x128xf32, #tpu.memory_space<hbm>>) target_semaphore(%run_scoped3A : memref<!tpu.dma_semaphore, #tpu.memory_space<semaphore_mem>>)
        %dma_wait3A = arith.constant 0 : i32
        %dma_wait3A_66 = tpu.memref_slice %arg5[%mul3A_57, %dma_wait3A] : memref<10000x128xf32, #tpu.memory_space<hbm>> -> memref<624x128xf32, #tpu.memory_space<hbm>>
        %dma_wait3A_67 = arith.constant 0 : i32
        %dma_wait3A_68 = tpu.memref_slice %arg11[%mul3A_55, %dma_wait3A_67] : memref<10000x128xf32, #tpu.memory_space<vmem_shared>> -> memref<624x128xf32, #tpu.memory_space<vmem_shared>>
        tpu.wait_dma2 semaphore(%run_scoped3A : memref<!tpu.dma_semaphore, #tpu.memory_space<semaphore_mem>>) src(%dma_wait3A_68 : memref<624x128xf32, #tpu.memory_space<vmem_shared>>) dst(%dma_wait3A_66 : memref<624x128xf32, #tpu.memory_space<hbm>>)
        tpu.yield
      }) : () -> ()
      %eq3A_58 = arith.constant 15 : i32
      %eq3A_59 = arith.cmpi eq, %arg1, %eq3A_58 : i32
      %convert_element_type3A_60 = arith.extui %eq3A_59 : i1 to i32
      %cond3A_61 = arith.constant 0 : i32
      %cond3A_62 = arith.cmpi ne, %convert_element_type3A_60, %cond3A_61 : i32
      scf.if %cond3A_62 {
        "tpu.region"() ({
          %run_scoped3A = tpu.sem_alloc : memref<!tpu.dma_semaphore, #tpu.memory_space<semaphore_mem>>
          %dma_start3A = arith.constant 9984 : i32
          %dma_start3A_63 = arith.constant 0 : i32
          %dma_start3A_64 = tpu.memref_slice %arg5[%dma_start3A, %dma_start3A_63] : memref<10000x128xf32, #tpu.memory_space<hbm>> -> memref<16x128xf32, #tpu.memory_space<hbm>>
          %dma_start3A_65 = arith.constant 9984 : i32
          %dma_start3A_66 = arith.constant 0 : i32
          %dma_start3A_67 = tpu.memref_slice %arg11[%dma_start3A_65, %dma_start3A_66] : memref<10000x128xf32, #tpu.memory_space<vmem_shared>> -> memref<16x128xf32, #tpu.memory_space<vmem_shared>>
          tpu.enqueue_dma source(%dma_start3A_67 : memref<16x128xf32, #tpu.memory_space<vmem_shared>>) target(%dma_start3A_64 : memref<16x128xf32, #tpu.memory_space<hbm>>) target_semaphore(%run_scoped3A : memref<!tpu.dma_semaphore, #tpu.memory_space<semaphore_mem>>)
          %dma_wait3A = arith.constant 9984 : i32
          %dma_wait3A_68 = arith.constant 0 : i32
          %dma_wait3A_69 = tpu.memref_slice %arg5[%dma_wait3A, %dma_wait3A_68] : memref<10000x128xf32, #tpu.memory_space<hbm>> -> memref<16x128xf32, #tpu.memory_space<hbm>>
          %dma_wait3A_70 = arith.constant 9984 : i32
          %dma_wait3A_71 = arith.constant 0 : i32
          %dma_wait3A_72 = tpu.memref_slice %arg11[%dma_wait3A_70, %dma_wait3A_71] : memref<10000x128xf32, #tpu.memory_space<vmem_shared>> -> memref<16x128xf32, #tpu.memory_space<vmem_shared>>
          tpu.wait_dma2 semaphore(%run_scoped3A : memref<!tpu.dma_semaphore, #tpu.memory_space<semaphore_mem>>) src(%dma_wait3A_72 : memref<16x128xf32, #tpu.memory_space<vmem_shared>>) dst(%dma_wait3A_69 : memref<16x128xf32, #tpu.memory_space<hbm>>)
          tpu.yield
        }) : () -> ()
      } else {
      }
    } else {
    }
    %eq3A_49 = arith.constant 1 : i32
    %eq3A_50 = arith.cmpi eq, %arg0, %eq3A_49 : i32
    %convert_element_type3A_51 = arith.extui %eq3A_50 : i1 to i32
    %cond3A_52 = arith.constant 0 : i32
    %cond3A_53 = arith.cmpi ne, %convert_element_type3A_51, %cond3A_52 : i32
    scf.if %cond3A_53 {
      %mul3A_54 = arith.constant 624 : i32
      %mul3A_55 = arith.muli %arg1, %mul3A_54 : i32
      %mul3A_56 = arith.constant 624 : i32
      %mul3A_57 = arith.muli %arg1, %mul3A_56 : i32
      "tpu.region"() ({
        %run_scoped3A = tpu.sem_alloc : memref<!tpu.dma_semaphore, #tpu.memory_space<semaphore_mem>>
        %dma_start3A = arith.constant 0 : i32
        %dma_start3A_63 = tpu.memref_slice %arg6[%mul3A_57, %dma_start3A] : memref<10000x128xf32, #tpu.memory_space<hbm>> -> memref<624x128xf32, #tpu.memory_space<hbm>>
        %dma_start3A_64 = arith.constant 0 : i32
        %dma_start3A_65 = tpu.memref_slice %arg11[%mul3A_55, %dma_start3A_64] : memref<10000x128xf32, #tpu.memory_space<vmem_shared>> -> memref<624x128xf32, #tpu.memory_space<vmem_shared>>
        tpu.enqueue_dma source(%dma_start3A_65 : memref<624x128xf32, #tpu.memory_space<vmem_shared>>) target(%dma_start3A_63 : memref<624x128xf32, #tpu.memory_space<hbm>>) target_semaphore(%run_scoped3A : memref<!tpu.dma_semaphore, #tpu.memory_space<semaphore_mem>>)
        %dma_wait3A = arith.constant 0 : i32
        %dma_wait3A_66 = tpu.memref_slice %arg6[%mul3A_57, %dma_wait3A] : memref<10000x128xf32, #tpu.memory_space<hbm>> -> memref<624x128xf32, #tpu.memory_space<hbm>>
        %dma_wait3A_67 = arith.constant 0 : i32
        %dma_wait3A_68 = tpu.memref_slice %arg11[%mul3A_55, %dma_wait3A_67] : memref<10000x128xf32, #tpu.memory_space<vmem_shared>> -> memref<624x128xf32, #tpu.memory_space<vmem_shared>>
        tpu.wait_dma2 semaphore(%run_scoped3A : memref<!tpu.dma_semaphore, #tpu.memory_space<semaphore_mem>>) src(%dma_wait3A_68 : memref<624x128xf32, #tpu.memory_space<vmem_shared>>) dst(%dma_wait3A_66 : memref<624x128xf32, #tpu.memory_space<hbm>>)
        tpu.yield
      }) : () -> ()
      %eq3A_58 = arith.constant 15 : i32
      %eq3A_59 = arith.cmpi eq, %arg1, %eq3A_58 : i32
      %convert_element_type3A_60 = arith.extui %eq3A_59 : i1 to i32
      %cond3A_61 = arith.constant 0 : i32
      %cond3A_62 = arith.cmpi ne, %convert_element_type3A_60, %cond3A_61 : i32
      scf.if %cond3A_62 {
        "tpu.region"() ({
          %run_scoped3A = tpu.sem_alloc : memref<!tpu.dma_semaphore, #tpu.memory_space<semaphore_mem>>
          %dma_start3A = arith.constant 9984 : i32
          %dma_start3A_63 = arith.constant 0 : i32
          %dma_start3A_64 = tpu.memref_slice %arg6[%dma_start3A, %dma_start3A_63] : memref<10000x128xf32, #tpu.memory_space<hbm>> -> memref<16x128xf32, #tpu.memory_space<hbm>>
          %dma_start3A_65 = arith.constant 9984 : i32
          %dma_start3A_66 = arith.constant 0 : i32
          %dma_start3A_67 = tpu.memref_slice %arg11[%dma_start3A_65, %dma_start3A_66] : memref<10000x128xf32, #tpu.memory_space<vmem_shared>> -> memref<16x128xf32, #tpu.memory_space<vmem_shared>>
          tpu.enqueue_dma source(%dma_start3A_67 : memref<16x128xf32, #tpu.memory_space<vmem_shared>>) target(%dma_start3A_64 : memref<16x128xf32, #tpu.memory_space<hbm>>) target_semaphore(%run_scoped3A : memref<!tpu.dma_semaphore, #tpu.memory_space<semaphore_mem>>)
          %dma_wait3A = arith.constant 9984 : i32
          %dma_wait3A_68 = arith.constant 0 : i32
          %dma_wait3A_69 = tpu.memref_slice %arg6[%dma_wait3A, %dma_wait3A_68] : memref<10000x128xf32, #tpu.memory_space<hbm>> -> memref<16x128xf32, #tpu.memory_space<hbm>>
          %dma_wait3A_70 = arith.constant 9984 : i32
          %dma_wait3A_71 = arith.constant 0 : i32
          %dma_wait3A_72 = tpu.memref_slice %arg11[%dma_wait3A_70, %dma_wait3A_71] : memref<10000x128xf32, #tpu.memory_space<vmem_shared>> -> memref<16x128xf32, #tpu.memory_space<vmem_shared>>
          tpu.wait_dma2 semaphore(%run_scoped3A : memref<!tpu.dma_semaphore, #tpu.memory_space<semaphore_mem>>) src(%dma_wait3A_72 : memref<16x128xf32, #tpu.memory_space<vmem_shared>>) dst(%dma_wait3A_69 : memref<16x128xf32, #tpu.memory_space<hbm>>)
          tpu.yield
        }) : () -> ()
      } else {
      }
    } else {
    }
    return
  }
}

#map = affine_map<(d0, d1) -> (0)>
#map1 = affine_map<(d0, d1) -> (0, 0)>
module attributes {stable_mosaic.version = 14 : i64} {
  func.func @_seg_body(%arg0: i32, %arg1: i32, %arg2: memref<320000xi32, #tpu.memory_space<hbm>>, %arg3: memref<320000xi32, #tpu.memory_space<hbm>>, %arg4: memref<10000x128xf32, #tpu.memory_space<hbm>>, %arg5: memref<10000x128xf32, #tpu.memory_space<hbm>>, %arg6: memref<10000x128xf32, #tpu.memory_space<hbm>>, %arg7: memref<128xi32, #tpu.memory_space<vmem>>, %arg8: memref<128xi32, #tpu.memory_space<vmem>>, %arg9: memref<128x128xf32, #tpu.memory_space<vmem>>, %arg10: memref<104x128xf32, #tpu.memory_space<vmem>>, %arg11: memref<10000x128xf32, #tpu.memory_space<vmem_shared>>, %arg12: memref<!tpu.dma_semaphore, #tpu.memory_space<semaphore_mem>>) attributes {dimension_semantics = [#tpu.dimension_semantics<core_parallel>, #tpu.dimension_semantics<subcore_parallel>], iteration_bounds = array<i64: 2, 16>, scalar_prefetch = 0 : i64, scratch_operands = 6 : i64, tpu.core_type = #tpu.core_type<sc_vector_subcore>, window_params = [{transform_indices = #map}, {transform_indices = #map}, {transform_indices = #map1}, {transform_indices = #map1}, {transform_indices = #map1}]} {
    %mul3A = arith.constant 2 : i32
    %mul3A_0 = arith.muli %arg1, %mul3A : i32
    %add3A = arith.addi %mul3A_0, %arg0 : i32
    %broadcast_in_dim3A = arith.constant 0.000000e+00 : f32
    %broadcast_in_dim3A_1 = vector.broadcast %broadcast_in_dim3A : f32 to vector<16xf32>
    %scan3A = arith.constant 0 : i32
    %scan3A_2 = arith.constant 0 : i32
    %scan3A_3 = arith.constant 832 : i32
    %scan3A_4 = arith.addi %scan3A_2, %scan3A_3 : i32
    %scan3A_5 = arith.constant 1 : i32
    scf.for %scan3A_54 = %scan3A_2 to %scan3A_4 step %scan3A_5  : i32 {
      %jit3A = arith.constant 8 : i32
      %div3A = arith.divsi %scan3A_54, %jit3A : i32
      %sign3A = arith.constant 0 : i32
      %sign3A_55 = arith.cmpi sgt, %scan3A_54, %sign3A : i32
      %sign3A_56 = arith.extui %sign3A_55 : i1 to i32
      %sign3A_57 = arith.constant 0 : i32
      %sign3A_58 = arith.cmpi slt, %scan3A_54, %sign3A_57 : i32
      %sign3A_59 = arith.extui %sign3A_58 : i1 to i32
      %sign3A_60 = arith.subi %sign3A_56, %sign3A_59 : i32
      %sign3A_61 = arith.constant 0 : i32
      %sign3A_62 = arith.cmpi sgt, %jit3A, %sign3A_61 : i32
      %sign3A_63 = arith.extui %sign3A_62 : i1 to i32
      %sign3A_64 = arith.constant 0 : i32
      %sign3A_65 = arith.cmpi slt, %jit3A, %sign3A_64 : i32
      %sign3A_66 = arith.extui %sign3A_65 : i1 to i32
      %sign3A_67 = arith.subi %sign3A_63, %sign3A_66 : i32
      %ne3A = arith.cmpi ne, %sign3A_60, %sign3A_67 : i32
      %rem3A = arith.remsi %scan3A_54, %jit3A : i32
      %ne3A_68 = arith.constant 0 : i32
      %ne3A_69 = arith.cmpi ne, %rem3A, %ne3A_68 : i32
      %and3A = arith.andi %ne3A, %ne3A_69 : i1
      %sub3A = arith.constant 1 : i32
      %sub3A_70 = arith.subi %div3A, %sub3A : i32
      %select_n3A = arith.select %and3A, %sub3A_70, %div3A : i32
      %jit3A_71 = arith.constant 8 : i32
      %eq3A_72 = arith.constant 0 : i32
      %eq3A_73 = arith.cmpi eq, %jit3A_71, %eq3A_72 : i32
      %jit3A_74 = arith.constant 1 : i32
      %select_n3A_75 = arith.select %eq3A_73, %jit3A_74, %jit3A_71 : i32
      %rem3A_76 = arith.remsi %scan3A_54, %select_n3A_75 : i32
      %ne3A_77 = arith.constant 0 : i32
      %ne3A_78 = arith.cmpi ne, %rem3A_76, %ne3A_77 : i32
      %lt3A_79 = arith.constant 0 : i32
      %lt3A_80 = arith.cmpi slt, %rem3A_76, %lt3A_79 : i32
      %lt3A_81 = arith.constant 0 : i32
      %lt3A_82 = arith.cmpi slt, %select_n3A_75, %lt3A_81 : i32
      %ne3A_83 = arith.xori %lt3A_80, %lt3A_82 : i1
      %and3A_84 = arith.andi %ne3A_83, %ne3A_78 : i1
      %add3A_85 = arith.addi %rem3A_76, %select_n3A_75 : i32
      %select_n3A_86 = arith.select %and3A_84, %add3A_85, %rem3A_76 : i32
      %mul3A_87 = arith.constant 16 : i32
      %mul3A_88 = arith.muli %select_n3A_86, %mul3A_87 : i32
      %swap3A = arith.index_cast %select_n3A : i32 to index
      %swap3A_89 = arith.index_cast %mul3A_88 : i32 to index
      %swap3A_90 = tpu.vector_load %arg10[%swap3A, %swap3A_89] {strides = array<i32>} : memref<104x128xf32, #tpu.memory_space<vmem>>, vector<1x16xf32>,
      %swap3A_91 = vector.shape_cast %swap3A_90 : vector<1x16xf32> to vector<16xf32>
      %swap3A_92 = vector.shape_cast %broadcast_in_dim3A_1 : vector<16xf32> to vector<1x16xf32>
      tpu.vector_store %arg10[%swap3A, %swap3A_89], %swap3A_92 {strides = array<i32>} : memref<104x128xf32, #tpu.memory_space<vmem>>, vector<1x16xf32>,
    }
    %scan3A_6 = arith.constant 832 : i32
    %mul3A_7 = arith.constant 624 : i32
    %mul3A_8 = arith.muli %arg1, %mul3A_7 : i32
    %add3A_9 = arith.constant 0 : i32
    %add3A_10 = arith.addi %mul3A_8, %add3A_9 : i32
    "tpu.region"() ({
      %run_scoped3A = tpu.sem_alloc : memref<!tpu.dma_semaphore, #tpu.memory_space<semaphore_mem>>
      %dma_start3A = arith.constant 0 : i32
      %dma_start3A_54 = tpu.memref_slice %arg11[%add3A_10, %dma_start3A] : memref<10000x128xf32, #tpu.memory_space<vmem_shared>> -> memref<104x128xf32, #tpu.memory_space<vmem_shared>>
      %dma_start3A_55 = arith.constant 0 : i32
      %dma_start3A_56 = tpu.memref_slice %arg11[%add3A_10, %dma_start3A_55] : memref<10000x128xf32, #tpu.memory_space<vmem_shared>> -> memref<104x128xf32, #tpu.memory_space<vmem_shared>>
      tpu.enqueue_dma source(%arg10 : memref<104x128xf32, #tpu.memory_space<vmem>>) target(%dma_start3A_56 : memref<104x128xf32, #tpu.memory_space<vmem_shared>>) target_semaphore(%run_scoped3A : memref<!tpu.dma_semaphore, #tpu.memory_space<semaphore_mem>>)
      %dma_wait3A = arith.constant 0 : i32
      %dma_wait3A_57 = tpu.memref_slice %arg11[%add3A_10, %dma_wait3A] : memref<10000x128xf32, #tpu.memory_space<vmem_shared>> -> memref<104x128xf32, #tpu.memory_space<vmem_shared>>
      %dma_wait3A_58 = arith.constant 0 : i32
      %dma_wait3A_59 = tpu.memref_slice %arg11[%add3A_10, %dma_wait3A_58] : memref<10000x128xf32, #tpu.memory_space<vmem_shared>> -> memref<104x128xf32, #tpu.memory_space<vmem_shared>>
      tpu.wait_dma2 semaphore(%run_scoped3A : memref<!tpu.dma_semaphore, #tpu.memory_space<semaphore_mem>>) src(%arg10 : memref<104x128xf32, #tpu.memory_space<vmem>>) dst(%dma_wait3A_59 : memref<104x128xf32, #tpu.memory_space<vmem_shared>>)
      tpu.yield
    }) : () -> ()
    %mul3A_11 = arith.constant 624 : i32
    %mul3A_12 = arith.muli %arg1, %mul3A_11 : i32
    %add3A_13 = arith.constant 104 : i32
    %add3A_14 = arith.addi %mul3A_12, %add3A_13 : i32
    "tpu.region"() ({
      %run_scoped3A = tpu.sem_alloc : memref<!tpu.dma_semaphore, #tpu.memory_space<semaphore_mem>>
      %dma_start3A = arith.constant 0 : i32
      %dma_start3A_54 = tpu.memref_slice %arg11[%add3A_14, %dma_start3A] : memref<10000x128xf32, #tpu.memory_space<vmem_shared>> -> memref<104x128xf32, #tpu.memory_space<vmem_shared>>
      %dma_start3A_55 = arith.constant 0 : i32
      %dma_start3A_56 = tpu.memref_slice %arg11[%add3A_14, %dma_start3A_55] : memref<10000x128xf32, #tpu.memory_space<vmem_shared>> -> memref<104x128xf32, #tpu.memory_space<vmem_shared>>
      tpu.enqueue_dma source(%arg10 : memref<104x128xf32, #tpu.memory_space<vmem>>) target(%dma_start3A_56 : memref<104x128xf32, #tpu.memory_space<vmem_shared>>) target_semaphore(%run_scoped3A : memref<!tpu.dma_semaphore, #tpu.memory_space<semaphore_mem>>)
      %dma_wait3A = arith.constant 0 : i32
      %dma_wait3A_57 = tpu.memref_slice %arg11[%add3A_14, %dma_wait3A] : memref<10000x128xf32, #tpu.memory_space<vmem_shared>> -> memref<104x128xf32, #tpu.memory_space<vmem_shared>>
      %dma_wait3A_58 = arith.constant 0 : i32
      %dma_wait3A_59 = tpu.memref_slice %arg11[%add3A_14, %dma_wait3A_58] : memref<10000x128xf32, #tpu.memory_space<vmem_shared>> -> memref<104x128xf32, #tpu.memory_space<vmem_shared>>
      tpu.wait_dma2 semaphore(%run_scoped3A : memref<!tpu.dma_semaphore, #tpu.memory_space<semaphore_mem>>) src(%arg10 : memref<104x128xf32, #tpu.memory_space<vmem>>) dst(%dma_wait3A_59 : memref<104x128xf32, #tpu.memory_space<vmem_shared>>)
      tpu.yield
    }) : () -> ()
    %mul3A_15 = arith.constant 624 : i32
    %mul3A_16 = arith.muli %arg1, %mul3A_15 : i32
    %add3A_17 = arith.constant 208 : i32
    %add3A_18 = arith.addi %mul3A_16, %add3A_17 : i32
    "tpu.region"() ({
      %run_scoped3A = tpu.sem_alloc : memref<!tpu.dma_semaphore, #tpu.memory_space<semaphore_mem>>
      %dma_start3A = arith.constant 0 : i32
      %dma_start3A_54 = tpu.memref_slice %arg11[%add3A_18, %dma_start3A] : memref<10000x128xf32, #tpu.memory_space<vmem_shared>> -> memref<104x128xf32, #tpu.memory_space<vmem_shared>>
      %dma_start3A_55 = arith.constant 0 : i32
      %dma_start3A_56 = tpu.memref_slice %arg11[%add3A_18, %dma_start3A_55] : memref<10000x128xf32, #tpu.memory_space<vmem_shared>> -> memref<104x128xf32, #tpu.memory_space<vmem_shared>>
      tpu.enqueue_dma source(%arg10 : memref<104x128xf32, #tpu.memory_space<vmem>>) target(%dma_start3A_56 : memref<104x128xf32, #tpu.memory_space<vmem_shared>>) target_semaphore(%run_scoped3A : memref<!tpu.dma_semaphore, #tpu.memory_space<semaphore_mem>>)
      %dma_wait3A = arith.constant 0 : i32
      %dma_wait3A_57 = tpu.memref_slice %arg11[%add3A_18, %dma_wait3A] : memref<10000x128xf32, #tpu.memory_space<vmem_shared>> -> memref<104x128xf32, #tpu.memory_space<vmem_shared>>
      %dma_wait3A_58 = arith.constant 0 : i32
      %dma_wait3A_59 = tpu.memref_slice %arg11[%add3A_18, %dma_wait3A_58] : memref<10000x128xf32, #tpu.memory_space<vmem_shared>> -> memref<104x128xf32, #tpu.memory_space<vmem_shared>>
      tpu.wait_dma2 semaphore(%run_scoped3A : memref<!tpu.dma_semaphore, #tpu.memory_space<semaphore_mem>>) src(%arg10 : memref<104x128xf32, #tpu.memory_space<vmem>>) dst(%dma_wait3A_59 : memref<104x128xf32, #tpu.memory_space<vmem_shared>>)
      tpu.yield
    }) : () -> ()
    %mul3A_19 = arith.constant 624 : i32
    %mul3A_20 = arith.muli %arg1, %mul3A_19 : i32
    %add3A_21 = arith.constant 312 : i32
    %add3A_22 = arith.addi %mul3A_20, %add3A_21 : i32
    "tpu.region"() ({
      %run_scoped3A = tpu.sem_alloc : memref<!tpu.dma_semaphore, #tpu.memory_space<semaphore_mem>>
      %dma_start3A = arith.constant 0 : i32
      %dma_start3A_54 = tpu.memref_slice %arg11[%add3A_22, %dma_start3A] : memref<10000x128xf32, #tpu.memory_space<vmem_shared>> -> memref<104x128xf32, #tpu.memory_space<vmem_shared>>
      %dma_start3A_55 = arith.constant 0 : i32
      %dma_start3A_56 = tpu.memref_slice %arg11[%add3A_22, %dma_start3A_55] : memref<10000x128xf32, #tpu.memory_space<vmem_shared>> -> memref<104x128xf32, #tpu.memory_space<vmem_shared>>
      tpu.enqueue_dma source(%arg10 : memref<104x128xf32, #tpu.memory_space<vmem>>) target(%dma_start3A_56 : memref<104x128xf32, #tpu.memory_space<vmem_shared>>) target_semaphore(%run_scoped3A : memref<!tpu.dma_semaphore, #tpu.memory_space<semaphore_mem>>)
      %dma_wait3A = arith.constant 0 : i32
      %dma_wait3A_57 = tpu.memref_slice %arg11[%add3A_22, %dma_wait3A] : memref<10000x128xf32, #tpu.memory_space<vmem_shared>> -> memref<104x128xf32, #tpu.memory_space<vmem_shared>>
      %dma_wait3A_58 = arith.constant 0 : i32
      %dma_wait3A_59 = tpu.memref_slice %arg11[%add3A_22, %dma_wait3A_58] : memref<10000x128xf32, #tpu.memory_space<vmem_shared>> -> memref<104x128xf32, #tpu.memory_space<vmem_shared>>
      tpu.wait_dma2 semaphore(%run_scoped3A : memref<!tpu.dma_semaphore, #tpu.memory_space<semaphore_mem>>) src(%arg10 : memref<104x128xf32, #tpu.memory_space<vmem>>) dst(%dma_wait3A_59 : memref<104x128xf32, #tpu.memory_space<vmem_shared>>)
      tpu.yield
    }) : () -> ()
    %mul3A_23 = arith.constant 624 : i32
    %mul3A_24 = arith.muli %arg1, %mul3A_23 : i32
    %add3A_25 = arith.constant 416 : i32
    %add3A_26 = arith.addi %mul3A_24, %add3A_25 : i32
    "tpu.region"() ({
      %run_scoped3A = tpu.sem_alloc : memref<!tpu.dma_semaphore, #tpu.memory_space<semaphore_mem>>
      %dma_start3A = arith.constant 0 : i32
      %dma_start3A_54 = tpu.memref_slice %arg11[%add3A_26, %dma_start3A] : memref<10000x128xf32, #tpu.memory_space<vmem_shared>> -> memref<104x128xf32, #tpu.memory_space<vmem_shared>>
      %dma_start3A_55 = arith.constant 0 : i32
      %dma_start3A_56 = tpu.memref_slice %arg11[%add3A_26, %dma_start3A_55] : memref<10000x128xf32, #tpu.memory_space<vmem_shared>> -> memref<104x128xf32, #tpu.memory_space<vmem_shared>>
      tpu.enqueue_dma source(%arg10 : memref<104x128xf32, #tpu.memory_space<vmem>>) target(%dma_start3A_56 : memref<104x128xf32, #tpu.memory_space<vmem_shared>>) target_semaphore(%run_scoped3A : memref<!tpu.dma_semaphore, #tpu.memory_space<semaphore_mem>>)
      %dma_wait3A = arith.constant 0 : i32
      %dma_wait3A_57 = tpu.memref_slice %arg11[%add3A_26, %dma_wait3A] : memref<10000x128xf32, #tpu.memory_space<vmem_shared>> -> memref<104x128xf32, #tpu.memory_space<vmem_shared>>
      %dma_wait3A_58 = arith.constant 0 : i32
      %dma_wait3A_59 = tpu.memref_slice %arg11[%add3A_26, %dma_wait3A_58] : memref<10000x128xf32, #tpu.memory_space<vmem_shared>> -> memref<104x128xf32, #tpu.memory_space<vmem_shared>>
      tpu.wait_dma2 semaphore(%run_scoped3A : memref<!tpu.dma_semaphore, #tpu.memory_space<semaphore_mem>>) src(%arg10 : memref<104x128xf32, #tpu.memory_space<vmem>>) dst(%dma_wait3A_59 : memref<104x128xf32, #tpu.memory_space<vmem_shared>>)
      tpu.yield
    }) : () -> ()
    %mul3A_27 = arith.constant 624 : i32
    %mul3A_28 = arith.muli %arg1, %mul3A_27 : i32
    %add3A_29 = arith.constant 520 : i32
    %add3A_30 = arith.addi %mul3A_28, %add3A_29 : i32
    "tpu.region"() ({
      %run_scoped3A = tpu.sem_alloc : memref<!tpu.dma_semaphore, #tpu.memory_space<semaphore_mem>>
      %dma_start3A = arith.constant 0 : i32
      %dma_start3A_54 = tpu.memref_slice %arg11[%add3A_30, %dma_start3A] : memref<10000x128xf32, #tpu.memory_space<vmem_shared>> -> memref<104x128xf32, #tpu.memory_space<vmem_shared>>
      %dma_start3A_55 = arith.constant 0 : i32
      %dma_start3A_56 = tpu.memref_slice %arg11[%add3A_30, %dma_start3A_55] : memref<10000x128xf32, #tpu.memory_space<vmem_shared>> -> memref<104x128xf32, #tpu.memory_space<vmem_shared>>
      tpu.enqueue_dma source(%arg10 : memref<104x128xf32, #tpu.memory_space<vmem>>) target(%dma_start3A_56 : memref<104x128xf32, #tpu.memory_space<vmem_shared>>) target_semaphore(%run_scoped3A : memref<!tpu.dma_semaphore, #tpu.memory_space<semaphore_mem>>)
      %dma_wait3A = arith.constant 0 : i32
      %dma_wait3A_57 = tpu.memref_slice %arg11[%add3A_30, %dma_wait3A] : memref<10000x128xf32, #tpu.memory_space<vmem_shared>> -> memref<104x128xf32, #tpu.memory_space<vmem_shared>>
      %dma_wait3A_58 = arith.constant 0 : i32
      %dma_wait3A_59 = tpu.memref_slice %arg11[%add3A_30, %dma_wait3A_58] : memref<10000x128xf32, #tpu.memory_space<vmem_shared>> -> memref<104x128xf32, #tpu.memory_space<vmem_shared>>
      tpu.wait_dma2 semaphore(%run_scoped3A : memref<!tpu.dma_semaphore, #tpu.memory_space<semaphore_mem>>) src(%arg10 : memref<104x128xf32, #tpu.memory_space<vmem>>) dst(%dma_wait3A_59 : memref<104x128xf32, #tpu.memory_space<vmem_shared>>)
      tpu.yield
    }) : () -> ()
    %eq3A = arith.constant 15 : i32
    %eq3A_31 = arith.cmpi eq, %arg1, %eq3A : i32
    %convert_element_type3A = arith.extui %eq3A_31 : i1 to i32
    %cond3A = arith.constant 0 : i32
    %cond3A_32 = arith.cmpi ne, %convert_element_type3A, %cond3A : i32
    scf.if %cond3A_32 {
      "tpu.region"() ({
        %run_scoped3A = tpu.sem_alloc : memref<!tpu.dma_semaphore, #tpu.memory_space<semaphore_mem>>
        %dma_start3A = arith.constant 0 : i32
        %dma_start3A_54 = arith.constant 0 : i32
        %dma_start3A_55 = tpu.memref_slice %arg10[%dma_start3A, %dma_start3A_54] : memref<104x128xf32, #tpu.memory_space<vmem>> -> memref<16x128xf32, #tpu.memory_space<vmem>>
        %dma_start3A_56 = arith.constant 9984 : i32
        %dma_start3A_57 = arith.constant 0 : i32
        %dma_start3A_58 = tpu.memref_slice %arg11[%dma_start3A_56, %dma_start3A_57] : memref<10000x128xf32, #tpu.memory_space<vmem_shared>> -> memref<16x128xf32, #tpu.memory_space<vmem_shared>>
        %dma_start3A_59 = arith.constant 9984 : i32
        %dma_start3A_60 = arith.constant 0 : i32
        %dma_start3A_61 = tpu.memref_slice %arg11[%dma_start3A_59, %dma_start3A_60] : memref<10000x128xf32, #tpu.memory_space<vmem_shared>> -> memref<16x128xf32, #tpu.memory_space<vmem_shared>>
        %dma_start3A_62 = arith.constant 0 : i32
        %dma_start3A_63 = arith.constant 0 : i32
        %dma_start3A_64 = tpu.memref_slice %arg10[%dma_start3A_62, %dma_start3A_63] : memref<104x128xf32, #tpu.memory_space<vmem>> -> memref<16x128xf32, #tpu.memory_space<vmem>>
        tpu.enqueue_dma source(%dma_start3A_64 : memref<16x128xf32, #tpu.memory_space<vmem>>) target(%dma_start3A_61 : memref<16x128xf32, #tpu.memory_space<vmem_shared>>) target_semaphore(%run_scoped3A : memref<!tpu.dma_semaphore, #tpu.memory_space<semaphore_mem>>)
        %dma_wait3A = arith.constant 0 : i32
        %dma_wait3A_65 = arith.constant 0 : i32
        %dma_wait3A_66 = tpu.memref_slice %arg10[%dma_wait3A, %dma_wait3A_65] : memref<104x128xf32, #tpu.memory_space<vmem>> -> memref<16x128xf32, #tpu.memory_space<vmem>>
        %dma_wait3A_67 = arith.constant 9984 : i32
        %dma_wait3A_68 = arith.constant 0 : i32
        %dma_wait3A_69 = tpu.memref_slice %arg11[%dma_wait3A_67, %dma_wait3A_68] : memref<10000x128xf32, #tpu.memory_space<vmem_shared>> -> memref<16x128xf32, #tpu.memory_space<vmem_shared>>
        %dma_wait3A_70 = arith.constant 9984 : i32
        %dma_wait3A_71 = arith.constant 0 : i32
        %dma_wait3A_72 = tpu.memref_slice %arg11[%dma_wait3A_70, %dma_wait3A_71] : memref<10000x128xf32, #tpu.memory_space<vmem_shared>> -> memref<16x128xf32, #tpu.memory_space<vmem_shared>>
        %dma_wait3A_73 = arith.constant 0 : i32
        %dma_wait3A_74 = arith.constant 0 : i32
        %dma_wait3A_75 = tpu.memref_slice %arg10[%dma_wait3A_73, %dma_wait3A_74] : memref<104x128xf32, #tpu.memory_space<vmem>> -> memref<16x128xf32, #tpu.memory_space<vmem>>
        tpu.wait_dma2 semaphore(%run_scoped3A : memref<!tpu.dma_semaphore, #tpu.memory_space<semaphore_mem>>) src(%dma_wait3A_75 : memref<16x128xf32, #tpu.memory_space<vmem>>) dst(%dma_wait3A_72 : memref<16x128xf32, #tpu.memory_space<vmem_shared>>)
        tpu.yield
      }) : () -> ()
    } else {
    }
    %barrier3A = arith.constant 0 : index
    tpu.barrier barrier_id(%barrier3A)
    %scan3A_33 = arith.constant 0 : i32
    %scan3A_34 = arith.constant 0 : i32
    %scan3A_35 = arith.constant 78 : i32
    %scan3A_36 = arith.addi %scan3A_34, %scan3A_35 : i32
    %scan3A_37 = arith.constant 1 : i32
    scf.for %scan3A_54 = %scan3A_34 to %scan3A_36 step %scan3A_37  : i32 {
      %mul3A_55 = arith.constant 32 : i32
      %mul3A_56 = arith.muli %scan3A_54, %mul3A_55 : i32
      %add3A_57 = arith.addi %mul3A_56, %add3A : i32
      %mul3A_58 = arith.constant 128 : i32
      %mul3A_59 = arith.muli %add3A_57, %mul3A_58 : i32
      "tpu.region"() ({
        %run_scoped3A = tpu.sem_alloc : memref<!tpu.dma_semaphore, #tpu.memory_space<semaphore_mem>>
        %dma_start3A_64 = tpu.memref_slice %arg2[%mul3A_59] : memref<320000xi32, #tpu.memory_space<hbm>> -> memref<128xi32, #tpu.memory_space<hbm>>
        %dma_start3A_65 = tpu.memref_slice %arg2[%mul3A_59] : memref<320000xi32, #tpu.memory_space<hbm>> -> memref<128xi32, #tpu.memory_space<hbm>>
        tpu.enqueue_dma source(%dma_start3A_65 : memref<128xi32, #tpu.memory_space<hbm>>) target(%arg7 : memref<128xi32, #tpu.memory_space<vmem>>) target_semaphore(%run_scoped3A : memref<!tpu.dma_semaphore, #tpu.memory_space<semaphore_mem>>)
        %dma_wait3A_66 = tpu.memref_slice %arg2[%mul3A_59] : memref<320000xi32, #tpu.memory_space<hbm>> -> memref<128xi32, #tpu.memory_space<hbm>>
        %dma_wait3A_67 = tpu.memref_slice %arg2[%mul3A_59] : memref<320000xi32, #tpu.memory_space<hbm>> -> memref<128xi32, #tpu.memory_space<hbm>>
        tpu.wait_dma2 semaphore(%run_scoped3A : memref<!tpu.dma_semaphore, #tpu.memory_space<semaphore_mem>>) src(%dma_wait3A_67 : memref<128xi32, #tpu.memory_space<hbm>>) dst(%arg7 : memref<128xi32, #tpu.memory_space<vmem>>)
        tpu.yield
      }) : () -> ()
      "tpu.region"() ({
        %run_scoped3A = tpu.sem_alloc : memref<!tpu.dma_semaphore, #tpu.memory_space<semaphore_mem>>
        %dma_start3A_64 = tpu.memref_slice %arg3[%mul3A_59] : memref<320000xi32, #tpu.memory_space<hbm>> -> memref<128xi32, #tpu.memory_space<hbm>>
        %dma_start3A_65 = tpu.memref_slice %arg3[%mul3A_59] : memref<320000xi32, #tpu.memory_space<hbm>> -> memref<128xi32, #tpu.memory_space<hbm>>
        tpu.enqueue_dma source(%dma_start3A_65 : memref<128xi32, #tpu.memory_space<hbm>>) target(%arg8 : memref<128xi32, #tpu.memory_space<vmem>>) target_semaphore(%run_scoped3A : memref<!tpu.dma_semaphore, #tpu.memory_space<semaphore_mem>>)
        %dma_wait3A_66 = tpu.memref_slice %arg3[%mul3A_59] : memref<320000xi32, #tpu.memory_space<hbm>> -> memref<128xi32, #tpu.memory_space<hbm>>
        %dma_wait3A_67 = tpu.memref_slice %arg3[%mul3A_59] : memref<320000xi32, #tpu.memory_space<hbm>> -> memref<128xi32, #tpu.memory_space<hbm>>
        tpu.wait_dma2 semaphore(%run_scoped3A : memref<!tpu.dma_semaphore, #tpu.memory_space<semaphore_mem>>) src(%dma_wait3A_67 : memref<128xi32, #tpu.memory_space<hbm>>) dst(%arg8 : memref<128xi32, #tpu.memory_space<vmem>>)
        tpu.yield
      }) : () -> ()
      %dma_start3A = arith.constant 0 : i32
      %dma_start3A_60 = arith.constant 0 : i32
      %dma_start3A_61 = tpu.memref_slice %arg4[%dma_start3A, %dma_start3A_60] : memref<10000x128xf32, #tpu.memory_space<hbm>> -> memref<10000x128xf32, #tpu.memory_space<hbm>>
      tpu.enqueue_indirect_dma source(%dma_start3A_61 : memref<10000x128xf32, #tpu.memory_space<hbm>>) target(%arg9 : memref<128x128xf32, #tpu.memory_space<vmem>>) offsets(%arg7 : memref<128xi32, #tpu.memory_space<vmem>>) semaphore(%arg12 : memref<!tpu.dma_semaphore, #tpu.memory_space<semaphore_mem>>)
      %dma_wait3A = arith.constant 0 : i32
      %dma_wait3A_62 = arith.constant 0 : i32
      %dma_wait3A_63 = tpu.memref_slice %arg4[%dma_wait3A, %dma_wait3A_62] : memref<10000x128xf32, #tpu.memory_space<hbm>> -> memref<10000x128xf32, #tpu.memory_space<hbm>>
      tpu.wait_indirect_dma semaphore(%arg12 : memref<!tpu.dma_semaphore, #tpu.memory_space<semaphore_mem>>) src(%dma_wait3A_63 : memref<10000x128xf32, #tpu.memory_space<hbm>>) dst(%arg9 : memref<128x128xf32, #tpu.memory_space<vmem>>)
      "tpu.region"() ({
        %run_scoped3A = tpu.sem_alloc : memref<!tpu.dma_semaphore, #tpu.memory_space<semaphore_mem>>
        %dma_start3A_64 = arith.constant 0 : i32
        %dma_start3A_65 = arith.constant 0 : i32
        %dma_start3A_66 = tpu.memref_slice %arg11[%dma_start3A_64, %dma_start3A_65] : memref<10000x128xf32, #tpu.memory_space<vmem_shared>> -> memref<10000x128xf32, #tpu.memory_space<vmem_shared>>
        tpu.enqueue_indirect_dma source(%arg9 : memref<128x128xf32, #tpu.memory_space<vmem>>) target(%dma_start3A_66 : memref<10000x128xf32, #tpu.memory_space<vmem_shared>>) offsets(%arg8 : memref<128xi32, #tpu.memory_space<vmem>>) semaphore(%run_scoped3A : memref<!tpu.dma_semaphore, #tpu.memory_space<semaphore_mem>>) {add = true}
        %dma_wait3A_67 = arith.constant 0 : i32
        %dma_wait3A_68 = arith.constant 0 : i32
        %dma_wait3A_69 = tpu.memref_slice %arg11[%dma_wait3A_67, %dma_wait3A_68] : memref<10000x128xf32, #tpu.memory_space<vmem_shared>> -> memref<10000x128xf32, #tpu.memory_space<vmem_shared>>
        tpu.wait_indirect_dma semaphore(%run_scoped3A : memref<!tpu.dma_semaphore, #tpu.memory_space<semaphore_mem>>) src(%arg9 : memref<128x128xf32, #tpu.memory_space<vmem>>) dst(%dma_wait3A_69 : memref<10000x128xf32, #tpu.memory_space<vmem_shared>>)
        tpu.yield
      }) : () -> ()
    }
    %scan3A_38 = arith.constant 78 : i32
    %lt3A = arith.constant 4 : i32
    %lt3A_39 = arith.cmpi slt, %add3A, %lt3A : i32
    %convert_element_type3A_40 = arith.extui %lt3A_39 : i1 to i32
    %cond3A_41 = arith.constant 0 : i32
    %cond3A_42 = arith.cmpi ne, %convert_element_type3A_40, %cond3A_41 : i32
    scf.if %cond3A_42 {
      %add3A_54 = arith.constant 2496 : i32
      %add3A_55 = arith.addi %add3A_54, %add3A : i32
      %mul3A_56 = arith.constant 128 : i32
      %mul3A_57 = arith.muli %add3A_55, %mul3A_56 : i32
      "tpu.region"() ({
        %run_scoped3A = tpu.sem_alloc : memref<!tpu.dma_semaphore, #tpu.memory_space<semaphore_mem>>
        %dma_start3A_62 = tpu.memref_slice %arg2[%mul3A_57] : memref<320000xi32, #tpu.memory_space<hbm>> -> memref<128xi32, #tpu.memory_space<hbm>>
        %dma_start3A_63 = tpu.memref_slice %arg2[%mul3A_57] : memref<320000xi32, #tpu.memory_space<hbm>> -> memref<128xi32, #tpu.memory_space<hbm>>
        tpu.enqueue_dma source(%dma_start3A_63 : memref<128xi32, #tpu.memory_space<hbm>>) target(%arg7 : memref<128xi32, #tpu.memory_space<vmem>>) target_semaphore(%run_scoped3A : memref<!tpu.dma_semaphore, #tpu.memory_space<semaphore_mem>>)
        %dma_wait3A_64 = tpu.memref_slice %arg2[%mul3A_57] : memref<320000xi32, #tpu.memory_space<hbm>> -> memref<128xi32, #tpu.memory_space<hbm>>
        %dma_wait3A_65 = tpu.memref_slice %arg2[%mul3A_57] : memref<320000xi32, #tpu.memory_space<hbm>> -> memref<128xi32, #tpu.memory_space<hbm>>
        tpu.wait_dma2 semaphore(%run_scoped3A : memref<!tpu.dma_semaphore, #tpu.memory_space<semaphore_mem>>) src(%dma_wait3A_65 : memref<128xi32, #tpu.memory_space<hbm>>) dst(%arg7 : memref<128xi32, #tpu.memory_space<vmem>>)
        tpu.yield
      }) : () -> ()
      "tpu.region"() ({
        %run_scoped3A = tpu.sem_alloc : memref<!tpu.dma_semaphore, #tpu.memory_space<semaphore_mem>>
        %dma_start3A_62 = tpu.memref_slice %arg3[%mul3A_57] : memref<320000xi32, #tpu.memory_space<hbm>> -> memref<128xi32, #tpu.memory_space<hbm>>
        %dma_start3A_63 = tpu.memref_slice %arg3[%mul3A_57] : memref<320000xi32, #tpu.memory_space<hbm>> -> memref<128xi32, #tpu.memory_space<hbm>>
        tpu.enqueue_dma source(%dma_start3A_63 : memref<128xi32, #tpu.memory_space<hbm>>) target(%arg8 : memref<128xi32, #tpu.memory_space<vmem>>) target_semaphore(%run_scoped3A : memref<!tpu.dma_semaphore, #tpu.memory_space<semaphore_mem>>)
        %dma_wait3A_64 = tpu.memref_slice %arg3[%mul3A_57] : memref<320000xi32, #tpu.memory_space<hbm>> -> memref<128xi32, #tpu.memory_space<hbm>>
        %dma_wait3A_65 = tpu.memref_slice %arg3[%mul3A_57] : memref<320000xi32, #tpu.memory_space<hbm>> -> memref<128xi32, #tpu.memory_space<hbm>>
        tpu.wait_dma2 semaphore(%run_scoped3A : memref<!tpu.dma_semaphore, #tpu.memory_space<semaphore_mem>>) src(%dma_wait3A_65 : memref<128xi32, #tpu.memory_space<hbm>>) dst(%arg8 : memref<128xi32, #tpu.memory_space<vmem>>)
        tpu.yield
      }) : () -> ()
      %dma_start3A = arith.constant 0 : i32
      %dma_start3A_58 = arith.constant 0 : i32
      %dma_start3A_59 = tpu.memref_slice %arg4[%dma_start3A, %dma_start3A_58] : memref<10000x128xf32, #tpu.memory_space<hbm>> -> memref<10000x128xf32, #tpu.memory_space<hbm>>
      tpu.enqueue_indirect_dma source(%dma_start3A_59 : memref<10000x128xf32, #tpu.memory_space<hbm>>) target(%arg9 : memref<128x128xf32, #tpu.memory_space<vmem>>) offsets(%arg7 : memref<128xi32, #tpu.memory_space<vmem>>) semaphore(%arg12 : memref<!tpu.dma_semaphore, #tpu.memory_space<semaphore_mem>>)
      %dma_wait3A = arith.constant 0 : i32
      %dma_wait3A_60 = arith.constant 0 : i32
      %dma_wait3A_61 = tpu.memref_slice %arg4[%dma_wait3A, %dma_wait3A_60] : memref<10000x128xf32, #tpu.memory_space<hbm>> -> memref<10000x128xf32, #tpu.memory_space<hbm>>
      tpu.wait_indirect_dma semaphore(%arg12 : memref<!tpu.dma_semaphore, #tpu.memory_space<semaphore_mem>>) src(%dma_wait3A_61 : memref<10000x128xf32, #tpu.memory_space<hbm>>) dst(%arg9 : memref<128x128xf32, #tpu.memory_space<vmem>>)
      "tpu.region"() ({
        %run_scoped3A = tpu.sem_alloc : memref<!tpu.dma_semaphore, #tpu.memory_space<semaphore_mem>>
        %dma_start3A_62 = arith.constant 0 : i32
        %dma_start3A_63 = arith.constant 0 : i32
        %dma_start3A_64 = tpu.memref_slice %arg11[%dma_start3A_62, %dma_start3A_63] : memref<10000x128xf32, #tpu.memory_space<vmem_shared>> -> memref<10000x128xf32, #tpu.memory_space<vmem_shared>>
        tpu.enqueue_indirect_dma source(%arg9 : memref<128x128xf32, #tpu.memory_space<vmem>>) target(%dma_start3A_64 : memref<10000x128xf32, #tpu.memory_space<vmem_shared>>) offsets(%arg8 : memref<128xi32, #tpu.memory_space<vmem>>) semaphore(%run_scoped3A : memref<!tpu.dma_semaphore, #tpu.memory_space<semaphore_mem>>) {add = true}
        %dma_wait3A_65 = arith.constant 0 : i32
        %dma_wait3A_66 = arith.constant 0 : i32
        %dma_wait3A_67 = tpu.memref_slice %arg11[%dma_wait3A_65, %dma_wait3A_66] : memref<10000x128xf32, #tpu.memory_space<vmem_shared>> -> memref<10000x128xf32, #tpu.memory_space<vmem_shared>>
        tpu.wait_indirect_dma semaphore(%run_scoped3A : memref<!tpu.dma_semaphore, #tpu.memory_space<semaphore_mem>>) src(%arg9 : memref<128x128xf32, #tpu.memory_space<vmem>>) dst(%dma_wait3A_67 : memref<10000x128xf32, #tpu.memory_space<vmem_shared>>)
        tpu.yield
      }) : () -> ()
    } else {
    }
    %barrier3A_43 = arith.constant 0 : index
    tpu.barrier barrier_id(%barrier3A_43)
    %eq3A_44 = arith.constant 0 : i32
    %eq3A_45 = arith.cmpi eq, %arg0, %eq3A_44 : i32
    %convert_element_type3A_46 = arith.extui %eq3A_45 : i1 to i32
    %cond3A_47 = arith.constant 0 : i32
    %cond3A_48 = arith.cmpi ne, %convert_element_type3A_46, %cond3A_47 : i32
    scf.if %cond3A_48 {
      %mul3A_54 = arith.constant 624 : i32
      %mul3A_55 = arith.muli %arg1, %mul3A_54 : i32
      %mul3A_56 = arith.constant 624 : i32
      %mul3A_57 = arith.muli %arg1, %mul3A_56 : i32
      "tpu.region"() ({
        %run_scoped3A = tpu.sem_alloc : memref<!tpu.dma_semaphore, #tpu.memory_space<semaphore_mem>>
        %dma_start3A = arith.constant 0 : i32
        %dma_start3A_63 = tpu.memref_slice %arg5[%mul3A_57, %dma_start3A] : memref<10000x128xf32, #tpu.memory_space<hbm>> -> memref<624x128xf32, #tpu.memory_space<hbm>>
        %dma_start3A_64 = arith.constant 0 : i32
        %dma_start3A_65 = tpu.memref_slice %arg11[%mul3A_55, %dma_start3A_64] : memref<10000x128xf32, #tpu.memory_space<vmem_shared>> -> memref<624x128xf32, #tpu.memory_space<vmem_shared>>
        tpu.enqueue_dma source(%dma_start3A_65 : memref<624x128xf32, #tpu.memory_space<vmem_shared>>) target(%dma_start3A_63 : memref<624x128xf32, #tpu.memory_space<hbm>>) target_semaphore(%run_scoped3A : memref<!tpu.dma_semaphore, #tpu.memory_space<semaphore_mem>>)
        %dma_wait3A = arith.constant 0 : i32
        %dma_wait3A_66 = tpu.memref_slice %arg5[%mul3A_57, %dma_wait3A] : memref<10000x128xf32, #tpu.memory_space<hbm>> -> memref<624x128xf32, #tpu.memory_space<hbm>>
        %dma_wait3A_67 = arith.constant 0 : i32
        %dma_wait3A_68 = tpu.memref_slice %arg11[%mul3A_55, %dma_wait3A_67] : memref<10000x128xf32, #tpu.memory_space<vmem_shared>> -> memref<624x128xf32, #tpu.memory_space<vmem_shared>>
        tpu.wait_dma2 semaphore(%run_scoped3A : memref<!tpu.dma_semaphore, #tpu.memory_space<semaphore_mem>>) src(%dma_wait3A_68 : memref<624x128xf32, #tpu.memory_space<vmem_shared>>) dst(%dma_wait3A_66 : memref<624x128xf32, #tpu.memory_space<hbm>>)
        tpu.yield
      }) : () -> ()
      %eq3A_58 = arith.constant 15 : i32
      %eq3A_59 = arith.cmpi eq, %arg1, %eq3A_58 : i32
      %convert_element_type3A_60 = arith.extui %eq3A_59 : i1 to i32
      %cond3A_61 = arith.constant 0 : i32
      %cond3A_62 = arith.cmpi ne, %convert_element_type3A_60, %cond3A_61 : i32
      scf.if %cond3A_62 {
        "tpu.region"() ({
          %run_scoped3A = tpu.sem_alloc : memref<!tpu.dma_semaphore, #tpu.memory_space<semaphore_mem>>
          %dma_start3A = arith.constant 9984 : i32
          %dma_start3A_63 = arith.constant 0 : i32
          %dma_start3A_64 = tpu.memref_slice %arg5[%dma_start3A, %dma_start3A_63] : memref<10000x128xf32, #tpu.memory_space<hbm>> -> memref<16x128xf32, #tpu.memory_space<hbm>>
          %dma_start3A_65 = arith.constant 9984 : i32
          %dma_start3A_66 = arith.constant 0 : i32
          %dma_start3A_67 = tpu.memref_slice %arg11[%dma_start3A_65, %dma_start3A_66] : memref<10000x128xf32, #tpu.memory_space<vmem_shared>> -> memref<16x128xf32, #tpu.memory_space<vmem_shared>>
          tpu.enqueue_dma source(%dma_start3A_67 : memref<16x128xf32, #tpu.memory_space<vmem_shared>>) target(%dma_start3A_64 : memref<16x128xf32, #tpu.memory_space<hbm>>) target_semaphore(%run_scoped3A : memref<!tpu.dma_semaphore, #tpu.memory_space<semaphore_mem>>)
          %dma_wait3A = arith.constant 9984 : i32
          %dma_wait3A_68 = arith.constant 0 : i32
          %dma_wait3A_69 = tpu.memref_slice %arg5[%dma_wait3A, %dma_wait3A_68] : memref<10000x128xf32, #tpu.memory_space<hbm>> -> memref<16x128xf32, #tpu.memory_space<hbm>>
          %dma_wait3A_70 = arith.constant 9984 : i32
          %dma_wait3A_71 = arith.constant 0 : i32
          %dma_wait3A_72 = tpu.memref_slice %arg11[%dma_wait3A_70, %dma_wait3A_71] : memref<10000x128xf32, #tpu.memory_space<vmem_shared>> -> memref<16x128xf32, #tpu.memory_space<vmem_shared>>
          tpu.wait_dma2 semaphore(%run_scoped3A : memref<!tpu.dma_semaphore, #tpu.memory_space<semaphore_mem>>) src(%dma_wait3A_72 : memref<16x128xf32, #tpu.memory_space<vmem_shared>>) dst(%dma_wait3A_69 : memref<16x128xf32, #tpu.memory_space<hbm>>)
          tpu.yield
        }) : () -> ()
      } else {
      }
    } else {
    }
    %eq3A_49 = arith.constant 1 : i32
    %eq3A_50 = arith.cmpi eq, %arg0, %eq3A_49 : i32
    %convert_element_type3A_51 = arith.extui %eq3A_50 : i1 to i32
    %cond3A_52 = arith.constant 0 : i32
    %cond3A_53 = arith.cmpi ne, %convert_element_type3A_51, %cond3A_52 : i32
    scf.if %cond3A_53 {
      %mul3A_54 = arith.constant 624 : i32
      %mul3A_55 = arith.muli %arg1, %mul3A_54 : i32
      %mul3A_56 = arith.constant 624 : i32
      %mul3A_57 = arith.muli %arg1, %mul3A_56 : i32
      "tpu.region"() ({
        %run_scoped3A = tpu.sem_alloc : memref<!tpu.dma_semaphore, #tpu.memory_space<semaphore_mem>>
        %dma_start3A = arith.constant 0 : i32
        %dma_start3A_63 = tpu.memref_slice %arg6[%mul3A_57, %dma_start3A] : memref<10000x128xf32, #tpu.memory_space<hbm>> -> memref<624x128xf32, #tpu.memory_space<hbm>>
        %dma_start3A_64 = arith.constant 0 : i32
        %dma_start3A_65 = tpu.memref_slice %arg11[%mul3A_55, %dma_start3A_64] : memref<10000x128xf32, #tpu.memory_space<vmem_shared>> -> memref<624x128xf32, #tpu.memory_space<vmem_shared>>
        tpu.enqueue_dma source(%dma_start3A_65 : memref<624x128xf32, #tpu.memory_space<vmem_shared>>) target(%dma_start3A_63 : memref<624x128xf32, #tpu.memory_space<hbm>>) target_semaphore(%run_scoped3A : memref<!tpu.dma_semaphore, #tpu.memory_space<semaphore_mem>>)
        %dma_wait3A = arith.constant 0 : i32
        %dma_wait3A_66 = tpu.memref_slice %arg6[%mul3A_57, %dma_wait3A] : memref<10000x128xf32, #tpu.memory_space<hbm>> -> memref<624x128xf32, #tpu.memory_space<hbm>>
        %dma_wait3A_67 = arith.constant 0 : i32
        %dma_wait3A_68 = tpu.memref_slice %arg11[%mul3A_55, %dma_wait3A_67] : memref<10000x128xf32, #tpu.memory_space<vmem_shared>> -> memref<624x128xf32, #tpu.memory_space<vmem_shared>>
        tpu.wait_dma2 semaphore(%run_scoped3A : memref<!tpu.dma_semaphore, #tpu.memory_space<semaphore_mem>>) src(%dma_wait3A_68 : memref<624x128xf32, #tpu.memory_space<vmem_shared>>) dst(%dma_wait3A_66 : memref<624x128xf32, #tpu.memory_space<hbm>>)
        tpu.yield
      }) : () -> ()
      %eq3A_58 = arith.constant 15 : i32
      %eq3A_59 = arith.cmpi eq, %arg1, %eq3A_58 : i32
      %convert_element_type3A_60 = arith.extui %eq3A_59 : i1 to i32
      %cond3A_61 = arith.constant 0 : i32
      %cond3A_62 = arith.cmpi ne, %convert_element_type3A_60, %cond3A_61 : i32
      scf.if %cond3A_62 {
        "tpu.region"() ({
          %run_scoped3A = tpu.sem_alloc : memref<!tpu.dma_semaphore, #tpu.memory_space<semaphore_mem>>
          %dma_start3A = arith.constant 9984 : i32
          %dma_start3A_63 = arith.constant 0 : i32
          %dma_start3A_64 = tpu.memref_slice %arg6[%dma_start3A, %dma_start3A_63] : memref<10000x128xf32, #tpu.memory_space<hbm>> -> memref<16x128xf32, #tpu.memory_space<hbm>>
          %dma_start3A_65 = arith.constant 9984 : i32
          %dma_start3A_66 = arith.constant 0 : i32
          %dma_start3A_67 = tpu.memref_slice %arg11[%dma_start3A_65, %dma_start3A_66] : memref<10000x128xf32, #tpu.memory_space<vmem_shared>> -> memref<16x128xf32, #tpu.memory_space<vmem_shared>>
          tpu.enqueue_dma source(%dma_start3A_67 : memref<16x128xf32, #tpu.memory_space<vmem_shared>>) target(%dma_start3A_64 : memref<16x128xf32, #tpu.memory_space<hbm>>) target_semaphore(%run_scoped3A : memref<!tpu.dma_semaphore, #tpu.memory_space<semaphore_mem>>)
          %dma_wait3A = arith.constant 9984 : i32
          %dma_wait3A_68 = arith.constant 0 : i32
          %dma_wait3A_69 = tpu.memref_slice %arg6[%dma_wait3A, %dma_wait3A_68] : memref<10000x128xf32, #tpu.memory_space<hbm>> -> memref<16x128xf32, #tpu.memory_space<hbm>>
          %dma_wait3A_70 = arith.constant 9984 : i32
          %dma_wait3A_71 = arith.constant 0 : i32
          %dma_wait3A_72 = tpu.memref_slice %arg11[%dma_wait3A_70, %dma_wait3A_71] : memref<10000x128xf32, #tpu.memory_space<vmem_shared>> -> memref<16x128xf32, #tpu.memory_space<vmem_shared>>
          tpu.wait_dma2 semaphore(%run_scoped3A : memref<!tpu.dma_semaphore, #tpu.memory_space<semaphore_mem>>) src(%dma_wait3A_72 : memref<16x128xf32, #tpu.memory_space<vmem_shared>>) dst(%dma_wait3A_69 : memref<16x128xf32, #tpu.memory_space<hbm>>)
          tpu.yield
        }) : () -> ()
      } else {
      }
    } else {
    }
    return
  }
}

#map = affine_map<(d0, d1) -> (0)>
#map1 = affine_map<(d0, d1) -> (0, 0)>
module attributes {stable_mosaic.version = 14 : i64} {
  func.func @_seg_body(%arg0: i32, %arg1: i32, %arg2: memref<320000xi32, #tpu.memory_space<hbm>>, %arg3: memref<320000xi32, #tpu.memory_space<hbm>>, %arg4: memref<10000x128xf32, #tpu.memory_space<hbm>>, %arg5: memref<10000x128xf32, #tpu.memory_space<hbm>>, %arg6: memref<10000x128xf32, #tpu.memory_space<hbm>>, %arg7: memref<128xi32, #tpu.memory_space<vmem>>, %arg8: memref<128xi32, #tpu.memory_space<vmem>>, %arg9: memref<128x128xf32, #tpu.memory_space<vmem>>, %arg10: memref<104x128xf32, #tpu.memory_space<vmem>>, %arg11: memref<10000x128xf32, #tpu.memory_space<vmem_shared>>, %arg12: memref<!tpu.dma_semaphore, #tpu.memory_space<semaphore_mem>>) attributes {dimension_semantics = [#tpu.dimension_semantics<core_parallel>, #tpu.dimension_semantics<subcore_parallel>], iteration_bounds = array<i64: 2, 16>, scalar_prefetch = 0 : i64, scratch_operands = 6 : i64, tpu.core_type = #tpu.core_type<sc_vector_subcore>, window_params = [{transform_indices = #map}, {transform_indices = #map}, {transform_indices = #map1}, {transform_indices = #map1}, {transform_indices = #map1}]} {
    %mul3A = arith.constant 2 : i32
    %mul3A_0 = arith.muli %arg1, %mul3A : i32
    %add3A = arith.addi %mul3A_0, %arg0 : i32
    %broadcast_in_dim3A = arith.constant 0.000000e+00 : f32
    %broadcast_in_dim3A_1 = vector.broadcast %broadcast_in_dim3A : f32 to vector<16xf32>
    %scan3A = arith.constant 0 : i32
    %scan3A_2 = arith.constant 0 : i32
    %scan3A_3 = arith.constant 832 : i32
    %scan3A_4 = arith.addi %scan3A_2, %scan3A_3 : i32
    %scan3A_5 = arith.constant 1 : i32
    scf.for %scan3A_54 = %scan3A_2 to %scan3A_4 step %scan3A_5  : i32 {
      %jit3A = arith.constant 8 : i32
      %div3A = arith.divsi %scan3A_54, %jit3A : i32
      %sign3A = arith.constant 0 : i32
      %sign3A_55 = arith.cmpi sgt, %scan3A_54, %sign3A : i32
      %sign3A_56 = arith.extui %sign3A_55 : i1 to i32
      %sign3A_57 = arith.constant 0 : i32
      %sign3A_58 = arith.cmpi slt, %scan3A_54, %sign3A_57 : i32
      %sign3A_59 = arith.extui %sign3A_58 : i1 to i32
      %sign3A_60 = arith.subi %sign3A_56, %sign3A_59 : i32
      %sign3A_61 = arith.constant 0 : i32
      %sign3A_62 = arith.cmpi sgt, %jit3A, %sign3A_61 : i32
      %sign3A_63 = arith.extui %sign3A_62 : i1 to i32
      %sign3A_64 = arith.constant 0 : i32
      %sign3A_65 = arith.cmpi slt, %jit3A, %sign3A_64 : i32
      %sign3A_66 = arith.extui %sign3A_65 : i1 to i32
      %sign3A_67 = arith.subi %sign3A_63, %sign3A_66 : i32
      %ne3A = arith.cmpi ne, %sign3A_60, %sign3A_67 : i32
      %rem3A = arith.remsi %scan3A_54, %jit3A : i32
      %ne3A_68 = arith.constant 0 : i32
      %ne3A_69 = arith.cmpi ne, %rem3A, %ne3A_68 : i32
      %and3A = arith.andi %ne3A, %ne3A_69 : i1
      %sub3A = arith.constant 1 : i32
      %sub3A_70 = arith.subi %div3A, %sub3A : i32
      %select_n3A = arith.select %and3A, %sub3A_70, %div3A : i32
      %jit3A_71 = arith.constant 8 : i32
      %eq3A_72 = arith.constant 0 : i32
      %eq3A_73 = arith.cmpi eq, %jit3A_71, %eq3A_72 : i32
      %jit3A_74 = arith.constant 1 : i32
      %select_n3A_75 = arith.select %eq3A_73, %jit3A_74, %jit3A_71 : i32
      %rem3A_76 = arith.remsi %scan3A_54, %select_n3A_75 : i32
      %ne3A_77 = arith.constant 0 : i32
      %ne3A_78 = arith.cmpi ne, %rem3A_76, %ne3A_77 : i32
      %lt3A_79 = arith.constant 0 : i32
      %lt3A_80 = arith.cmpi slt, %rem3A_76, %lt3A_79 : i32
      %lt3A_81 = arith.constant 0 : i32
      %lt3A_82 = arith.cmpi slt, %select_n3A_75, %lt3A_81 : i32
      %ne3A_83 = arith.xori %lt3A_80, %lt3A_82 : i1
      %and3A_84 = arith.andi %ne3A_83, %ne3A_78 : i1
      %add3A_85 = arith.addi %rem3A_76, %select_n3A_75 : i32
      %select_n3A_86 = arith.select %and3A_84, %add3A_85, %rem3A_76 : i32
      %mul3A_87 = arith.constant 16 : i32
      %mul3A_88 = arith.muli %select_n3A_86, %mul3A_87 : i32
      %swap3A = arith.index_cast %select_n3A : i32 to index
      %swap3A_89 = arith.index_cast %mul3A_88 : i32 to index
      %swap3A_90 = tpu.vector_load %arg10[%swap3A, %swap3A_89] {strides = array<i32>} : memref<104x128xf32, #tpu.memory_space<vmem>>, vector<1x16xf32>,
      %swap3A_91 = vector.shape_cast %swap3A_90 : vector<1x16xf32> to vector<16xf32>
      %swap3A_92 = vector.shape_cast %broadcast_in_dim3A_1 : vector<16xf32> to vector<1x16xf32>
      tpu.vector_store %arg10[%swap3A, %swap3A_89], %swap3A_92 {strides = array<i32>} : memref<104x128xf32, #tpu.memory_space<vmem>>, vector<1x16xf32>,
    }
    %scan3A_6 = arith.constant 832 : i32
    %mul3A_7 = arith.constant 624 : i32
    %mul3A_8 = arith.muli %arg1, %mul3A_7 : i32
    %add3A_9 = arith.constant 0 : i32
    %add3A_10 = arith.addi %mul3A_8, %add3A_9 : i32
    "tpu.region"() ({
      %run_scoped3A = tpu.sem_alloc : memref<!tpu.dma_semaphore, #tpu.memory_space<semaphore_mem>>
      %dma_start3A = arith.constant 0 : i32
      %dma_start3A_54 = tpu.memref_slice %arg11[%add3A_10, %dma_start3A] : memref<10000x128xf32, #tpu.memory_space<vmem_shared>> -> memref<104x128xf32, #tpu.memory_space<vmem_shared>>
      %dma_start3A_55 = arith.constant 0 : i32
      %dma_start3A_56 = tpu.memref_slice %arg11[%add3A_10, %dma_start3A_55] : memref<10000x128xf32, #tpu.memory_space<vmem_shared>> -> memref<104x128xf32, #tpu.memory_space<vmem_shared>>
      tpu.enqueue_dma source(%arg10 : memref<104x128xf32, #tpu.memory_space<vmem>>) target(%dma_start3A_56 : memref<104x128xf32, #tpu.memory_space<vmem_shared>>) target_semaphore(%run_scoped3A : memref<!tpu.dma_semaphore, #tpu.memory_space<semaphore_mem>>)
      %dma_wait3A = arith.constant 0 : i32
      %dma_wait3A_57 = tpu.memref_slice %arg11[%add3A_10, %dma_wait3A] : memref<10000x128xf32, #tpu.memory_space<vmem_shared>> -> memref<104x128xf32, #tpu.memory_space<vmem_shared>>
      %dma_wait3A_58 = arith.constant 0 : i32
      %dma_wait3A_59 = tpu.memref_slice %arg11[%add3A_10, %dma_wait3A_58] : memref<10000x128xf32, #tpu.memory_space<vmem_shared>> -> memref<104x128xf32, #tpu.memory_space<vmem_shared>>
      tpu.wait_dma2 semaphore(%run_scoped3A : memref<!tpu.dma_semaphore, #tpu.memory_space<semaphore_mem>>) src(%arg10 : memref<104x128xf32, #tpu.memory_space<vmem>>) dst(%dma_wait3A_59 : memref<104x128xf32, #tpu.memory_space<vmem_shared>>)
      tpu.yield
    }) : () -> ()
    %mul3A_11 = arith.constant 624 : i32
    %mul3A_12 = arith.muli %arg1, %mul3A_11 : i32
    %add3A_13 = arith.constant 104 : i32
    %add3A_14 = arith.addi %mul3A_12, %add3A_13 : i32
    "tpu.region"() ({
      %run_scoped3A = tpu.sem_alloc : memref<!tpu.dma_semaphore, #tpu.memory_space<semaphore_mem>>
      %dma_start3A = arith.constant 0 : i32
      %dma_start3A_54 = tpu.memref_slice %arg11[%add3A_14, %dma_start3A] : memref<10000x128xf32, #tpu.memory_space<vmem_shared>> -> memref<104x128xf32, #tpu.memory_space<vmem_shared>>
      %dma_start3A_55 = arith.constant 0 : i32
      %dma_start3A_56 = tpu.memref_slice %arg11[%add3A_14, %dma_start3A_55] : memref<10000x128xf32, #tpu.memory_space<vmem_shared>> -> memref<104x128xf32, #tpu.memory_space<vmem_shared>>
      tpu.enqueue_dma source(%arg10 : memref<104x128xf32, #tpu.memory_space<vmem>>) target(%dma_start3A_56 : memref<104x128xf32, #tpu.memory_space<vmem_shared>>) target_semaphore(%run_scoped3A : memref<!tpu.dma_semaphore, #tpu.memory_space<semaphore_mem>>)
      %dma_wait3A = arith.constant 0 : i32
      %dma_wait3A_57 = tpu.memref_slice %arg11[%add3A_14, %dma_wait3A] : memref<10000x128xf32, #tpu.memory_space<vmem_shared>> -> memref<104x128xf32, #tpu.memory_space<vmem_shared>>
      %dma_wait3A_58 = arith.constant 0 : i32
      %dma_wait3A_59 = tpu.memref_slice %arg11[%add3A_14, %dma_wait3A_58] : memref<10000x128xf32, #tpu.memory_space<vmem_shared>> -> memref<104x128xf32, #tpu.memory_space<vmem_shared>>
      tpu.wait_dma2 semaphore(%run_scoped3A : memref<!tpu.dma_semaphore, #tpu.memory_space<semaphore_mem>>) src(%arg10 : memref<104x128xf32, #tpu.memory_space<vmem>>) dst(%dma_wait3A_59 : memref<104x128xf32, #tpu.memory_space<vmem_shared>>)
      tpu.yield
    }) : () -> ()
    %mul3A_15 = arith.constant 624 : i32
    %mul3A_16 = arith.muli %arg1, %mul3A_15 : i32
    %add3A_17 = arith.constant 208 : i32
    %add3A_18 = arith.addi %mul3A_16, %add3A_17 : i32
    "tpu.region"() ({
      %run_scoped3A = tpu.sem_alloc : memref<!tpu.dma_semaphore, #tpu.memory_space<semaphore_mem>>
      %dma_start3A = arith.constant 0 : i32
      %dma_start3A_54 = tpu.memref_slice %arg11[%add3A_18, %dma_start3A] : memref<10000x128xf32, #tpu.memory_space<vmem_shared>> -> memref<104x128xf32, #tpu.memory_space<vmem_shared>>
      %dma_start3A_55 = arith.constant 0 : i32
      %dma_start3A_56 = tpu.memref_slice %arg11[%add3A_18, %dma_start3A_55] : memref<10000x128xf32, #tpu.memory_space<vmem_shared>> -> memref<104x128xf32, #tpu.memory_space<vmem_shared>>
      tpu.enqueue_dma source(%arg10 : memref<104x128xf32, #tpu.memory_space<vmem>>) target(%dma_start3A_56 : memref<104x128xf32, #tpu.memory_space<vmem_shared>>) target_semaphore(%run_scoped3A : memref<!tpu.dma_semaphore, #tpu.memory_space<semaphore_mem>>)
      %dma_wait3A = arith.constant 0 : i32
      %dma_wait3A_57 = tpu.memref_slice %arg11[%add3A_18, %dma_wait3A] : memref<10000x128xf32, #tpu.memory_space<vmem_shared>> -> memref<104x128xf32, #tpu.memory_space<vmem_shared>>
      %dma_wait3A_58 = arith.constant 0 : i32
      %dma_wait3A_59 = tpu.memref_slice %arg11[%add3A_18, %dma_wait3A_58] : memref<10000x128xf32, #tpu.memory_space<vmem_shared>> -> memref<104x128xf32, #tpu.memory_space<vmem_shared>>
      tpu.wait_dma2 semaphore(%run_scoped3A : memref<!tpu.dma_semaphore, #tpu.memory_space<semaphore_mem>>) src(%arg10 : memref<104x128xf32, #tpu.memory_space<vmem>>) dst(%dma_wait3A_59 : memref<104x128xf32, #tpu.memory_space<vmem_shared>>)
      tpu.yield
    }) : () -> ()
    %mul3A_19 = arith.constant 624 : i32
    %mul3A_20 = arith.muli %arg1, %mul3A_19 : i32
    %add3A_21 = arith.constant 312 : i32
    %add3A_22 = arith.addi %mul3A_20, %add3A_21 : i32
    "tpu.region"() ({
      %run_scoped3A = tpu.sem_alloc : memref<!tpu.dma_semaphore, #tpu.memory_space<semaphore_mem>>
      %dma_start3A = arith.constant 0 : i32
      %dma_start3A_54 = tpu.memref_slice %arg11[%add3A_22, %dma_start3A] : memref<10000x128xf32, #tpu.memory_space<vmem_shared>> -> memref<104x128xf32, #tpu.memory_space<vmem_shared>>
      %dma_start3A_55 = arith.constant 0 : i32
      %dma_start3A_56 = tpu.memref_slice %arg11[%add3A_22, %dma_start3A_55] : memref<10000x128xf32, #tpu.memory_space<vmem_shared>> -> memref<104x128xf32, #tpu.memory_space<vmem_shared>>
      tpu.enqueue_dma source(%arg10 : memref<104x128xf32, #tpu.memory_space<vmem>>) target(%dma_start3A_56 : memref<104x128xf32, #tpu.memory_space<vmem_shared>>) target_semaphore(%run_scoped3A : memref<!tpu.dma_semaphore, #tpu.memory_space<semaphore_mem>>)
      %dma_wait3A = arith.constant 0 : i32
      %dma_wait3A_57 = tpu.memref_slice %arg11[%add3A_22, %dma_wait3A] : memref<10000x128xf32, #tpu.memory_space<vmem_shared>> -> memref<104x128xf32, #tpu.memory_space<vmem_shared>>
      %dma_wait3A_58 = arith.constant 0 : i32
      %dma_wait3A_59 = tpu.memref_slice %arg11[%add3A_22, %dma_wait3A_58] : memref<10000x128xf32, #tpu.memory_space<vmem_shared>> -> memref<104x128xf32, #tpu.memory_space<vmem_shared>>
      tpu.wait_dma2 semaphore(%run_scoped3A : memref<!tpu.dma_semaphore, #tpu.memory_space<semaphore_mem>>) src(%arg10 : memref<104x128xf32, #tpu.memory_space<vmem>>) dst(%dma_wait3A_59 : memref<104x128xf32, #tpu.memory_space<vmem_shared>>)
      tpu.yield
    }) : () -> ()
    %mul3A_23 = arith.constant 624 : i32
    %mul3A_24 = arith.muli %arg1, %mul3A_23 : i32
    %add3A_25 = arith.constant 416 : i32
    %add3A_26 = arith.addi %mul3A_24, %add3A_25 : i32
    "tpu.region"() ({
      %run_scoped3A = tpu.sem_alloc : memref<!tpu.dma_semaphore, #tpu.memory_space<semaphore_mem>>
      %dma_start3A = arith.constant 0 : i32
      %dma_start3A_54 = tpu.memref_slice %arg11[%add3A_26, %dma_start3A] : memref<10000x128xf32, #tpu.memory_space<vmem_shared>> -> memref<104x128xf32, #tpu.memory_space<vmem_shared>>
      %dma_start3A_55 = arith.constant 0 : i32
      %dma_start3A_56 = tpu.memref_slice %arg11[%add3A_26, %dma_start3A_55] : memref<10000x128xf32, #tpu.memory_space<vmem_shared>> -> memref<104x128xf32, #tpu.memory_space<vmem_shared>>
      tpu.enqueue_dma source(%arg10 : memref<104x128xf32, #tpu.memory_space<vmem>>) target(%dma_start3A_56 : memref<104x128xf32, #tpu.memory_space<vmem_shared>>) target_semaphore(%run_scoped3A : memref<!tpu.dma_semaphore, #tpu.memory_space<semaphore_mem>>)
      %dma_wait3A = arith.constant 0 : i32
      %dma_wait3A_57 = tpu.memref_slice %arg11[%add3A_26, %dma_wait3A] : memref<10000x128xf32, #tpu.memory_space<vmem_shared>> -> memref<104x128xf32, #tpu.memory_space<vmem_shared>>
      %dma_wait3A_58 = arith.constant 0 : i32
      %dma_wait3A_59 = tpu.memref_slice %arg11[%add3A_26, %dma_wait3A_58] : memref<10000x128xf32, #tpu.memory_space<vmem_shared>> -> memref<104x128xf32, #tpu.memory_space<vmem_shared>>
      tpu.wait_dma2 semaphore(%run_scoped3A : memref<!tpu.dma_semaphore, #tpu.memory_space<semaphore_mem>>) src(%arg10 : memref<104x128xf32, #tpu.memory_space<vmem>>) dst(%dma_wait3A_59 : memref<104x128xf32, #tpu.memory_space<vmem_shared>>)
      tpu.yield
    }) : () -> ()
    %mul3A_27 = arith.constant 624 : i32
    %mul3A_28 = arith.muli %arg1, %mul3A_27 : i32
    %add3A_29 = arith.constant 520 : i32
    %add3A_30 = arith.addi %mul3A_28, %add3A_29 : i32
    "tpu.region"() ({
      %run_scoped3A = tpu.sem_alloc : memref<!tpu.dma_semaphore, #tpu.memory_space<semaphore_mem>>
      %dma_start3A = arith.constant 0 : i32
      %dma_start3A_54 = tpu.memref_slice %arg11[%add3A_30, %dma_start3A] : memref<10000x128xf32, #tpu.memory_space<vmem_shared>> -> memref<104x128xf32, #tpu.memory_space<vmem_shared>>
      %dma_start3A_55 = arith.constant 0 : i32
      %dma_start3A_56 = tpu.memref_slice %arg11[%add3A_30, %dma_start3A_55] : memref<10000x128xf32, #tpu.memory_space<vmem_shared>> -> memref<104x128xf32, #tpu.memory_space<vmem_shared>>
      tpu.enqueue_dma source(%arg10 : memref<104x128xf32, #tpu.memory_space<vmem>>) target(%dma_start3A_56 : memref<104x128xf32, #tpu.memory_space<vmem_shared>>) target_semaphore(%run_scoped3A : memref<!tpu.dma_semaphore, #tpu.memory_space<semaphore_mem>>)
      %dma_wait3A = arith.constant 0 : i32
      %dma_wait3A_57 = tpu.memref_slice %arg11[%add3A_30, %dma_wait3A] : memref<10000x128xf32, #tpu.memory_space<vmem_shared>> -> memref<104x128xf32, #tpu.memory_space<vmem_shared>>
      %dma_wait3A_58 = arith.constant 0 : i32
      %dma_wait3A_59 = tpu.memref_slice %arg11[%add3A_30, %dma_wait3A_58] : memref<10000x128xf32, #tpu.memory_space<vmem_shared>> -> memref<104x128xf32, #tpu.memory_space<vmem_shared>>
      tpu.wait_dma2 semaphore(%run_scoped3A : memref<!tpu.dma_semaphore, #tpu.memory_space<semaphore_mem>>) src(%arg10 : memref<104x128xf32, #tpu.memory_space<vmem>>) dst(%dma_wait3A_59 : memref<104x128xf32, #tpu.memory_space<vmem_shared>>)
      tpu.yield
    }) : () -> ()
    %eq3A = arith.constant 15 : i32
    %eq3A_31 = arith.cmpi eq, %arg1, %eq3A : i32
    %convert_element_type3A = arith.extui %eq3A_31 : i1 to i32
    %cond3A = arith.constant 0 : i32
    %cond3A_32 = arith.cmpi ne, %convert_element_type3A, %cond3A : i32
    scf.if %cond3A_32 {
      "tpu.region"() ({
        %run_scoped3A = tpu.sem_alloc : memref<!tpu.dma_semaphore, #tpu.memory_space<semaphore_mem>>
        %dma_start3A = arith.constant 0 : i32
        %dma_start3A_54 = arith.constant 0 : i32
        %dma_start3A_55 = tpu.memref_slice %arg10[%dma_start3A, %dma_start3A_54] : memref<104x128xf32, #tpu.memory_space<vmem>> -> memref<16x128xf32, #tpu.memory_space<vmem>>
        %dma_start3A_56 = arith.constant 9984 : i32
        %dma_start3A_57 = arith.constant 0 : i32
        %dma_start3A_58 = tpu.memref_slice %arg11[%dma_start3A_56, %dma_start3A_57] : memref<10000x128xf32, #tpu.memory_space<vmem_shared>> -> memref<16x128xf32, #tpu.memory_space<vmem_shared>>
        %dma_start3A_59 = arith.constant 9984 : i32
        %dma_start3A_60 = arith.constant 0 : i32
        %dma_start3A_61 = tpu.memref_slice %arg11[%dma_start3A_59, %dma_start3A_60] : memref<10000x128xf32, #tpu.memory_space<vmem_shared>> -> memref<16x128xf32, #tpu.memory_space<vmem_shared>>
        %dma_start3A_62 = arith.constant 0 : i32
        %dma_start3A_63 = arith.constant 0 : i32
        %dma_start3A_64 = tpu.memref_slice %arg10[%dma_start3A_62, %dma_start3A_63] : memref<104x128xf32, #tpu.memory_space<vmem>> -> memref<16x128xf32, #tpu.memory_space<vmem>>
        tpu.enqueue_dma source(%dma_start3A_64 : memref<16x128xf32, #tpu.memory_space<vmem>>) target(%dma_start3A_61 : memref<16x128xf32, #tpu.memory_space<vmem_shared>>) target_semaphore(%run_scoped3A : memref<!tpu.dma_semaphore, #tpu.memory_space<semaphore_mem>>)
        %dma_wait3A = arith.constant 0 : i32
        %dma_wait3A_65 = arith.constant 0 : i32
        %dma_wait3A_66 = tpu.memref_slice %arg10[%dma_wait3A, %dma_wait3A_65] : memref<104x128xf32, #tpu.memory_space<vmem>> -> memref<16x128xf32, #tpu.memory_space<vmem>>
        %dma_wait3A_67 = arith.constant 9984 : i32
        %dma_wait3A_68 = arith.constant 0 : i32
        %dma_wait3A_69 = tpu.memref_slice %arg11[%dma_wait3A_67, %dma_wait3A_68] : memref<10000x128xf32, #tpu.memory_space<vmem_shared>> -> memref<16x128xf32, #tpu.memory_space<vmem_shared>>
        %dma_wait3A_70 = arith.constant 9984 : i32
        %dma_wait3A_71 = arith.constant 0 : i32
        %dma_wait3A_72 = tpu.memref_slice %arg11[%dma_wait3A_70, %dma_wait3A_71] : memref<10000x128xf32, #tpu.memory_space<vmem_shared>> -> memref<16x128xf32, #tpu.memory_space<vmem_shared>>
        %dma_wait3A_73 = arith.constant 0 : i32
        %dma_wait3A_74 = arith.constant 0 : i32
        %dma_wait3A_75 = tpu.memref_slice %arg10[%dma_wait3A_73, %dma_wait3A_74] : memref<104x128xf32, #tpu.memory_space<vmem>> -> memref<16x128xf32, #tpu.memory_space<vmem>>
        tpu.wait_dma2 semaphore(%run_scoped3A : memref<!tpu.dma_semaphore, #tpu.memory_space<semaphore_mem>>) src(%dma_wait3A_75 : memref<16x128xf32, #tpu.memory_space<vmem>>) dst(%dma_wait3A_72 : memref<16x128xf32, #tpu.memory_space<vmem_shared>>)
        tpu.yield
      }) : () -> ()
    } else {
    }
    %barrier3A = arith.constant 0 : index
    tpu.barrier barrier_id(%barrier3A)
    %scan3A_33 = arith.constant 0 : i32
    %scan3A_34 = arith.constant 0 : i32
    %scan3A_35 = arith.constant 78 : i32
    %scan3A_36 = arith.addi %scan3A_34, %scan3A_35 : i32
    %scan3A_37 = arith.constant 1 : i32
    scf.for %scan3A_54 = %scan3A_34 to %scan3A_36 step %scan3A_37  : i32 {
      %mul3A_55 = arith.constant 32 : i32
      %mul3A_56 = arith.muli %scan3A_54, %mul3A_55 : i32
      %add3A_57 = arith.addi %mul3A_56, %add3A : i32
      %mul3A_58 = arith.constant 128 : i32
      %mul3A_59 = arith.muli %add3A_57, %mul3A_58 : i32
      "tpu.region"() ({
        %run_scoped3A = tpu.sem_alloc : memref<!tpu.dma_semaphore, #tpu.memory_space<semaphore_mem>>
        %dma_start3A_64 = tpu.memref_slice %arg2[%mul3A_59] : memref<320000xi32, #tpu.memory_space<hbm>> -> memref<128xi32, #tpu.memory_space<hbm>>
        %dma_start3A_65 = tpu.memref_slice %arg2[%mul3A_59] : memref<320000xi32, #tpu.memory_space<hbm>> -> memref<128xi32, #tpu.memory_space<hbm>>
        tpu.enqueue_dma source(%dma_start3A_65 : memref<128xi32, #tpu.memory_space<hbm>>) target(%arg7 : memref<128xi32, #tpu.memory_space<vmem>>) target_semaphore(%run_scoped3A : memref<!tpu.dma_semaphore, #tpu.memory_space<semaphore_mem>>)
        %dma_wait3A_66 = tpu.memref_slice %arg2[%mul3A_59] : memref<320000xi32, #tpu.memory_space<hbm>> -> memref<128xi32, #tpu.memory_space<hbm>>
        %dma_wait3A_67 = tpu.memref_slice %arg2[%mul3A_59] : memref<320000xi32, #tpu.memory_space<hbm>> -> memref<128xi32, #tpu.memory_space<hbm>>
        tpu.wait_dma2 semaphore(%run_scoped3A : memref<!tpu.dma_semaphore, #tpu.memory_space<semaphore_mem>>) src(%dma_wait3A_67 : memref<128xi32, #tpu.memory_space<hbm>>) dst(%arg7 : memref<128xi32, #tpu.memory_space<vmem>>)
        tpu.yield
      }) : () -> ()
      "tpu.region"() ({
        %run_scoped3A = tpu.sem_alloc : memref<!tpu.dma_semaphore, #tpu.memory_space<semaphore_mem>>
        %dma_start3A_64 = tpu.memref_slice %arg3[%mul3A_59] : memref<320000xi32, #tpu.memory_space<hbm>> -> memref<128xi32, #tpu.memory_space<hbm>>
        %dma_start3A_65 = tpu.memref_slice %arg3[%mul3A_59] : memref<320000xi32, #tpu.memory_space<hbm>> -> memref<128xi32, #tpu.memory_space<hbm>>
        tpu.enqueue_dma source(%dma_start3A_65 : memref<128xi32, #tpu.memory_space<hbm>>) target(%arg8 : memref<128xi32, #tpu.memory_space<vmem>>) target_semaphore(%run_scoped3A : memref<!tpu.dma_semaphore, #tpu.memory_space<semaphore_mem>>)
        %dma_wait3A_66 = tpu.memref_slice %arg3[%mul3A_59] : memref<320000xi32, #tpu.memory_space<hbm>> -> memref<128xi32, #tpu.memory_space<hbm>>
        %dma_wait3A_67 = tpu.memref_slice %arg3[%mul3A_59] : memref<320000xi32, #tpu.memory_space<hbm>> -> memref<128xi32, #tpu.memory_space<hbm>>
        tpu.wait_dma2 semaphore(%run_scoped3A : memref<!tpu.dma_semaphore, #tpu.memory_space<semaphore_mem>>) src(%dma_wait3A_67 : memref<128xi32, #tpu.memory_space<hbm>>) dst(%arg8 : memref<128xi32, #tpu.memory_space<vmem>>)
        tpu.yield
      }) : () -> ()
      %dma_start3A = arith.constant 0 : i32
      %dma_start3A_60 = arith.constant 0 : i32
      %dma_start3A_61 = tpu.memref_slice %arg4[%dma_start3A, %dma_start3A_60] : memref<10000x128xf32, #tpu.memory_space<hbm>> -> memref<10000x128xf32, #tpu.memory_space<hbm>>
      tpu.enqueue_indirect_dma source(%dma_start3A_61 : memref<10000x128xf32, #tpu.memory_space<hbm>>) target(%arg9 : memref<128x128xf32, #tpu.memory_space<vmem>>) offsets(%arg7 : memref<128xi32, #tpu.memory_space<vmem>>) semaphore(%arg12 : memref<!tpu.dma_semaphore, #tpu.memory_space<semaphore_mem>>)
      %dma_wait3A = arith.constant 0 : i32
      %dma_wait3A_62 = arith.constant 0 : i32
      %dma_wait3A_63 = tpu.memref_slice %arg4[%dma_wait3A, %dma_wait3A_62] : memref<10000x128xf32, #tpu.memory_space<hbm>> -> memref<10000x128xf32, #tpu.memory_space<hbm>>
      tpu.wait_indirect_dma semaphore(%arg12 : memref<!tpu.dma_semaphore, #tpu.memory_space<semaphore_mem>>) src(%dma_wait3A_63 : memref<10000x128xf32, #tpu.memory_space<hbm>>) dst(%arg9 : memref<128x128xf32, #tpu.memory_space<vmem>>)
      "tpu.region"() ({
        %run_scoped3A = tpu.sem_alloc : memref<!tpu.dma_semaphore, #tpu.memory_space<semaphore_mem>>
        %dma_start3A_64 = arith.constant 0 : i32
        %dma_start3A_65 = arith.constant 0 : i32
        %dma_start3A_66 = tpu.memref_slice %arg11[%dma_start3A_64, %dma_start3A_65] : memref<10000x128xf32, #tpu.memory_space<vmem_shared>> -> memref<10000x128xf32, #tpu.memory_space<vmem_shared>>
        tpu.enqueue_indirect_dma source(%arg9 : memref<128x128xf32, #tpu.memory_space<vmem>>) target(%dma_start3A_66 : memref<10000x128xf32, #tpu.memory_space<vmem_shared>>) offsets(%arg8 : memref<128xi32, #tpu.memory_space<vmem>>) semaphore(%run_scoped3A : memref<!tpu.dma_semaphore, #tpu.memory_space<semaphore_mem>>) {add = true}
        %dma_wait3A_67 = arith.constant 0 : i32
        %dma_wait3A_68 = arith.constant 0 : i32
        %dma_wait3A_69 = tpu.memref_slice %arg11[%dma_wait3A_67, %dma_wait3A_68] : memref<10000x128xf32, #tpu.memory_space<vmem_shared>> -> memref<10000x128xf32, #tpu.memory_space<vmem_shared>>
        tpu.wait_indirect_dma semaphore(%run_scoped3A : memref<!tpu.dma_semaphore, #tpu.memory_space<semaphore_mem>>) src(%arg9 : memref<128x128xf32, #tpu.memory_space<vmem>>) dst(%dma_wait3A_69 : memref<10000x128xf32, #tpu.memory_space<vmem_shared>>)
        tpu.yield
      }) : () -> ()
    }
    %scan3A_38 = arith.constant 78 : i32
    %lt3A = arith.constant 4 : i32
    %lt3A_39 = arith.cmpi slt, %add3A, %lt3A : i32
    %convert_element_type3A_40 = arith.extui %lt3A_39 : i1 to i32
    %cond3A_41 = arith.constant 0 : i32
    %cond3A_42 = arith.cmpi ne, %convert_element_type3A_40, %cond3A_41 : i32
    scf.if %cond3A_42 {
      %add3A_54 = arith.constant 2496 : i32
      %add3A_55 = arith.addi %add3A_54, %add3A : i32
      %mul3A_56 = arith.constant 128 : i32
      %mul3A_57 = arith.muli %add3A_55, %mul3A_56 : i32
      "tpu.region"() ({
        %run_scoped3A = tpu.sem_alloc : memref<!tpu.dma_semaphore, #tpu.memory_space<semaphore_mem>>
        %dma_start3A_62 = tpu.memref_slice %arg2[%mul3A_57] : memref<320000xi32, #tpu.memory_space<hbm>> -> memref<128xi32, #tpu.memory_space<hbm>>
        %dma_start3A_63 = tpu.memref_slice %arg2[%mul3A_57] : memref<320000xi32, #tpu.memory_space<hbm>> -> memref<128xi32, #tpu.memory_space<hbm>>
        tpu.enqueue_dma source(%dma_start3A_63 : memref<128xi32, #tpu.memory_space<hbm>>) target(%arg7 : memref<128xi32, #tpu.memory_space<vmem>>) target_semaphore(%run_scoped3A : memref<!tpu.dma_semaphore, #tpu.memory_space<semaphore_mem>>)
        %dma_wait3A_64 = tpu.memref_slice %arg2[%mul3A_57] : memref<320000xi32, #tpu.memory_space<hbm>> -> memref<128xi32, #tpu.memory_space<hbm>>
        %dma_wait3A_65 = tpu.memref_slice %arg2[%mul3A_57] : memref<320000xi32, #tpu.memory_space<hbm>> -> memref<128xi32, #tpu.memory_space<hbm>>
        tpu.wait_dma2 semaphore(%run_scoped3A : memref<!tpu.dma_semaphore, #tpu.memory_space<semaphore_mem>>) src(%dma_wait3A_65 : memref<128xi32, #tpu.memory_space<hbm>>) dst(%arg7 : memref<128xi32, #tpu.memory_space<vmem>>)
        tpu.yield
      }) : () -> ()
      "tpu.region"() ({
        %run_scoped3A = tpu.sem_alloc : memref<!tpu.dma_semaphore, #tpu.memory_space<semaphore_mem>>
        %dma_start3A_62 = tpu.memref_slice %arg3[%mul3A_57] : memref<320000xi32, #tpu.memory_space<hbm>> -> memref<128xi32, #tpu.memory_space<hbm>>
        %dma_start3A_63 = tpu.memref_slice %arg3[%mul3A_57] : memref<320000xi32, #tpu.memory_space<hbm>> -> memref<128xi32, #tpu.memory_space<hbm>>
        tpu.enqueue_dma source(%dma_start3A_63 : memref<128xi32, #tpu.memory_space<hbm>>) target(%arg8 : memref<128xi32, #tpu.memory_space<vmem>>) target_semaphore(%run_scoped3A : memref<!tpu.dma_semaphore, #tpu.memory_space<semaphore_mem>>)
        %dma_wait3A_64 = tpu.memref_slice %arg3[%mul3A_57] : memref<320000xi32, #tpu.memory_space<hbm>> -> memref<128xi32, #tpu.memory_space<hbm>>
        %dma_wait3A_65 = tpu.memref_slice %arg3[%mul3A_57] : memref<320000xi32, #tpu.memory_space<hbm>> -> memref<128xi32, #tpu.memory_space<hbm>>
        tpu.wait_dma2 semaphore(%run_scoped3A : memref<!tpu.dma_semaphore, #tpu.memory_space<semaphore_mem>>) src(%dma_wait3A_65 : memref<128xi32, #tpu.memory_space<hbm>>) dst(%arg8 : memref<128xi32, #tpu.memory_space<vmem>>)
        tpu.yield
      }) : () -> ()
      %dma_start3A = arith.constant 0 : i32
      %dma_start3A_58 = arith.constant 0 : i32
      %dma_start3A_59 = tpu.memref_slice %arg4[%dma_start3A, %dma_start3A_58] : memref<10000x128xf32, #tpu.memory_space<hbm>> -> memref<10000x128xf32, #tpu.memory_space<hbm>>
      tpu.enqueue_indirect_dma source(%dma_start3A_59 : memref<10000x128xf32, #tpu.memory_space<hbm>>) target(%arg9 : memref<128x128xf32, #tpu.memory_space<vmem>>) offsets(%arg7 : memref<128xi32, #tpu.memory_space<vmem>>) semaphore(%arg12 : memref<!tpu.dma_semaphore, #tpu.memory_space<semaphore_mem>>)
      %dma_wait3A = arith.constant 0 : i32
      %dma_wait3A_60 = arith.constant 0 : i32
      %dma_wait3A_61 = tpu.memref_slice %arg4[%dma_wait3A, %dma_wait3A_60] : memref<10000x128xf32, #tpu.memory_space<hbm>> -> memref<10000x128xf32, #tpu.memory_space<hbm>>
      tpu.wait_indirect_dma semaphore(%arg12 : memref<!tpu.dma_semaphore, #tpu.memory_space<semaphore_mem>>) src(%dma_wait3A_61 : memref<10000x128xf32, #tpu.memory_space<hbm>>) dst(%arg9 : memref<128x128xf32, #tpu.memory_space<vmem>>)
      "tpu.region"() ({
        %run_scoped3A = tpu.sem_alloc : memref<!tpu.dma_semaphore, #tpu.memory_space<semaphore_mem>>
        %dma_start3A_62 = arith.constant 0 : i32
        %dma_start3A_63 = arith.constant 0 : i32
        %dma_start3A_64 = tpu.memref_slice %arg11[%dma_start3A_62, %dma_start3A_63] : memref<10000x128xf32, #tpu.memory_space<vmem_shared>> -> memref<10000x128xf32, #tpu.memory_space<vmem_shared>>
        tpu.enqueue_indirect_dma source(%arg9 : memref<128x128xf32, #tpu.memory_space<vmem>>) target(%dma_start3A_64 : memref<10000x128xf32, #tpu.memory_space<vmem_shared>>) offsets(%arg8 : memref<128xi32, #tpu.memory_space<vmem>>) semaphore(%run_scoped3A : memref<!tpu.dma_semaphore, #tpu.memory_space<semaphore_mem>>) {add = true}
        %dma_wait3A_65 = arith.constant 0 : i32
        %dma_wait3A_66 = arith.constant 0 : i32
        %dma_wait3A_67 = tpu.memref_slice %arg11[%dma_wait3A_65, %dma_wait3A_66] : memref<10000x128xf32, #tpu.memory_space<vmem_shared>> -> memref<10000x128xf32, #tpu.memory_space<vmem_shared>>
        tpu.wait_indirect_dma semaphore(%run_scoped3A : memref<!tpu.dma_semaphore, #tpu.memory_space<semaphore_mem>>) src(%arg9 : memref<128x128xf32, #tpu.memory_space<vmem>>) dst(%dma_wait3A_67 : memref<10000x128xf32, #tpu.memory_space<vmem_shared>>)
        tpu.yield
      }) : () -> ()
    } else {
    }
    %barrier3A_43 = arith.constant 0 : index
    tpu.barrier barrier_id(%barrier3A_43)
    %eq3A_44 = arith.constant 0 : i32
    %eq3A_45 = arith.cmpi eq, %arg0, %eq3A_44 : i32
    %convert_element_type3A_46 = arith.extui %eq3A_45 : i1 to i32
    %cond3A_47 = arith.constant 0 : i32
    %cond3A_48 = arith.cmpi ne, %convert_element_type3A_46, %cond3A_47 : i32
    scf.if %cond3A_48 {
      %mul3A_54 = arith.constant 624 : i32
      %mul3A_55 = arith.muli %arg1, %mul3A_54 : i32
      %mul3A_56 = arith.constant 624 : i32
      %mul3A_57 = arith.muli %arg1, %mul3A_56 : i32
      "tpu.region"() ({
        %run_scoped3A = tpu.sem_alloc : memref<!tpu.dma_semaphore, #tpu.memory_space<semaphore_mem>>
        %dma_start3A = arith.constant 0 : i32
        %dma_start3A_63 = tpu.memref_slice %arg5[%mul3A_57, %dma_start3A] : memref<10000x128xf32, #tpu.memory_space<hbm>> -> memref<624x128xf32, #tpu.memory_space<hbm>>
        %dma_start3A_64 = arith.constant 0 : i32
        %dma_start3A_65 = tpu.memref_slice %arg11[%mul3A_55, %dma_start3A_64] : memref<10000x128xf32, #tpu.memory_space<vmem_shared>> -> memref<624x128xf32, #tpu.memory_space<vmem_shared>>
        tpu.enqueue_dma source(%dma_start3A_65 : memref<624x128xf32, #tpu.memory_space<vmem_shared>>) target(%dma_start3A_63 : memref<624x128xf32, #tpu.memory_space<hbm>>) target_semaphore(%run_scoped3A : memref<!tpu.dma_semaphore, #tpu.memory_space<semaphore_mem>>)
        %dma_wait3A = arith.constant 0 : i32
        %dma_wait3A_66 = tpu.memref_slice %arg5[%mul3A_57, %dma_wait3A] : memref<10000x128xf32, #tpu.memory_space<hbm>> -> memref<624x128xf32, #tpu.memory_space<hbm>>
        %dma_wait3A_67 = arith.constant 0 : i32
        %dma_wait3A_68 = tpu.memref_slice %arg11[%mul3A_55, %dma_wait3A_67] : memref<10000x128xf32, #tpu.memory_space<vmem_shared>> -> memref<624x128xf32, #tpu.memory_space<vmem_shared>>
        tpu.wait_dma2 semaphore(%run_scoped3A : memref<!tpu.dma_semaphore, #tpu.memory_space<semaphore_mem>>) src(%dma_wait3A_68 : memref<624x128xf32, #tpu.memory_space<vmem_shared>>) dst(%dma_wait3A_66 : memref<624x128xf32, #tpu.memory_space<hbm>>)
        tpu.yield
      }) : () -> ()
      %eq3A_58 = arith.constant 15 : i32
      %eq3A_59 = arith.cmpi eq, %arg1, %eq3A_58 : i32
      %convert_element_type3A_60 = arith.extui %eq3A_59 : i1 to i32
      %cond3A_61 = arith.constant 0 : i32
      %cond3A_62 = arith.cmpi ne, %convert_element_type3A_60, %cond3A_61 : i32
      scf.if %cond3A_62 {
        "tpu.region"() ({
          %run_scoped3A = tpu.sem_alloc : memref<!tpu.dma_semaphore, #tpu.memory_space<semaphore_mem>>
          %dma_start3A = arith.constant 9984 : i32
          %dma_start3A_63 = arith.constant 0 : i32
          %dma_start3A_64 = tpu.memref_slice %arg5[%dma_start3A, %dma_start3A_63] : memref<10000x128xf32, #tpu.memory_space<hbm>> -> memref<16x128xf32, #tpu.memory_space<hbm>>
          %dma_start3A_65 = arith.constant 9984 : i32
          %dma_start3A_66 = arith.constant 0 : i32
          %dma_start3A_67 = tpu.memref_slice %arg11[%dma_start3A_65, %dma_start3A_66] : memref<10000x128xf32, #tpu.memory_space<vmem_shared>> -> memref<16x128xf32, #tpu.memory_space<vmem_shared>>
          tpu.enqueue_dma source(%dma_start3A_67 : memref<16x128xf32, #tpu.memory_space<vmem_shared>>) target(%dma_start3A_64 : memref<16x128xf32, #tpu.memory_space<hbm>>) target_semaphore(%run_scoped3A : memref<!tpu.dma_semaphore, #tpu.memory_space<semaphore_mem>>)
          %dma_wait3A = arith.constant 9984 : i32
          %dma_wait3A_68 = arith.constant 0 : i32
          %dma_wait3A_69 = tpu.memref_slice %arg5[%dma_wait3A, %dma_wait3A_68] : memref<10000x128xf32, #tpu.memory_space<hbm>> -> memref<16x128xf32, #tpu.memory_space<hbm>>
          %dma_wait3A_70 = arith.constant 9984 : i32
          %dma_wait3A_71 = arith.constant 0 : i32
          %dma_wait3A_72 = tpu.memref_slice %arg11[%dma_wait3A_70, %dma_wait3A_71] : memref<10000x128xf32, #tpu.memory_space<vmem_shared>> -> memref<16x128xf32, #tpu.memory_space<vmem_shared>>
          tpu.wait_dma2 semaphore(%run_scoped3A : memref<!tpu.dma_semaphore, #tpu.memory_space<semaphore_mem>>) src(%dma_wait3A_72 : memref<16x128xf32, #tpu.memory_space<vmem_shared>>) dst(%dma_wait3A_69 : memref<16x128xf32, #tpu.memory_space<hbm>>)
          tpu.yield
        }) : () -> ()
      } else {
      }
    } else {
    }
    %eq3A_49 = arith.constant 1 : i32
    %eq3A_50 = arith.cmpi eq, %arg0, %eq3A_49 : i32
    %convert_element_type3A_51 = arith.extui %eq3A_50 : i1 to i32
    %cond3A_52 = arith.constant 0 : i32
    %cond3A_53 = arith.cmpi ne, %convert_element_type3A_51, %cond3A_52 : i32
    scf.if %cond3A_53 {
      %mul3A_54 = arith.constant 624 : i32
      %mul3A_55 = arith.muli %arg1, %mul3A_54 : i32
      %mul3A_56 = arith.constant 624 : i32
      %mul3A_57 = arith.muli %arg1, %mul3A_56 : i32
      "tpu.region"() ({
        %run_scoped3A = tpu.sem_alloc : memref<!tpu.dma_semaphore, #tpu.memory_space<semaphore_mem>>
        %dma_start3A = arith.constant 0 : i32
        %dma_start3A_63 = tpu.memref_slice %arg6[%mul3A_57, %dma_start3A] : memref<10000x128xf32, #tpu.memory_space<hbm>> -> memref<624x128xf32, #tpu.memory_space<hbm>>
        %dma_start3A_64 = arith.constant 0 : i32
        %dma_start3A_65 = tpu.memref_slice %arg11[%mul3A_55, %dma_start3A_64] : memref<10000x128xf32, #tpu.memory_space<vmem_shared>> -> memref<624x128xf32, #tpu.memory_space<vmem_shared>>
        tpu.enqueue_dma source(%dma_start3A_65 : memref<624x128xf32, #tpu.memory_space<vmem_shared>>) target(%dma_start3A_63 : memref<624x128xf32, #tpu.memory_space<hbm>>) target_semaphore(%run_scoped3A : memref<!tpu.dma_semaphore, #tpu.memory_space<semaphore_mem>>)
        %dma_wait3A = arith.constant 0 : i32
        %dma_wait3A_66 = tpu.memref_slice %arg6[%mul3A_57, %dma_wait3A] : memref<10000x128xf32, #tpu.memory_space<hbm>> -> memref<624x128xf32, #tpu.memory_space<hbm>>
        %dma_wait3A_67 = arith.constant 0 : i32
        %dma_wait3A_68 = tpu.memref_slice %arg11[%mul3A_55, %dma_wait3A_67] : memref<10000x128xf32, #tpu.memory_space<vmem_shared>> -> memref<624x128xf32, #tpu.memory_space<vmem_shared>>
        tpu.wait_dma2 semaphore(%run_scoped3A : memref<!tpu.dma_semaphore, #tpu.memory_space<semaphore_mem>>) src(%dma_wait3A_68 : memref<624x128xf32, #tpu.memory_space<vmem_shared>>) dst(%dma_wait3A_66 : memref<624x128xf32, #tpu.memory_space<hbm>>)
        tpu.yield
      }) : () -> ()
      %eq3A_58 = arith.constant 15 : i32
      %eq3A_59 = arith.cmpi eq, %arg1, %eq3A_58 : i32
      %convert_element_type3A_60 = arith.extui %eq3A_59 : i1 to i32
      %cond3A_61 = arith.constant 0 : i32
      %cond3A_62 = arith.cmpi ne, %convert_element_type3A_60, %cond3A_61 : i32
      scf.if %cond3A_62 {
        "tpu.region"() ({
          %run_scoped3A = tpu.sem_alloc : memref<!tpu.dma_semaphore, #tpu.memory_space<semaphore_mem>>
          %dma_start3A = arith.constant 9984 : i32
          %dma_start3A_63 = arith.constant 0 : i32
          %dma_start3A_64 = tpu.memref_slice %arg6[%dma_start3A, %dma_start3A_63] : memref<10000x128xf32, #tpu.memory_space<hbm>> -> memref<16x128xf32, #tpu.memory_space<hbm>>
          %dma_start3A_65 = arith.constant 9984 : i32
          %dma_start3A_66 = arith.constant 0 : i32
          %dma_start3A_67 = tpu.memref_slice %arg11[%dma_start3A_65, %dma_start3A_66] : memref<10000x128xf32, #tpu.memory_space<vmem_shared>> -> memref<16x128xf32, #tpu.memory_space<vmem_shared>>
          tpu.enqueue_dma source(%dma_start3A_67 : memref<16x128xf32, #tpu.memory_space<vmem_shared>>) target(%dma_start3A_64 : memref<16x128xf32, #tpu.memory_space<hbm>>) target_semaphore(%run_scoped3A : memref<!tpu.dma_semaphore, #tpu.memory_space<semaphore_mem>>)
          %dma_wait3A = arith.constant 9984 : i32
          %dma_wait3A_68 = arith.constant 0 : i32
          %dma_wait3A_69 = tpu.memref_slice %arg6[%dma_wait3A, %dma_wait3A_68] : memref<10000x128xf32, #tpu.memory_space<hbm>> -> memref<16x128xf32, #tpu.memory_space<hbm>>
          %dma_wait3A_70 = arith.constant 9984 : i32
          %dma_wait3A_71 = arith.constant 0 : i32
          %dma_wait3A_72 = tpu.memref_slice %arg11[%dma_wait3A_70, %dma_wait3A_71] : memref<10000x128xf32, #tpu.memory_space<vmem_shared>> -> memref<16x128xf32, #tpu.memory_space<vmem_shared>>
          tpu.wait_dma2 semaphore(%run_scoped3A : memref<!tpu.dma_semaphore, #tpu.memory_space<semaphore_mem>>) src(%dma_wait3A_72 : memref<16x128xf32, #tpu.memory_space<vmem_shared>>) dst(%dma_wait3A_69 : memref<16x128xf32, #tpu.memory_space<hbm>>)
          tpu.yield
        }) : () -> ()
      } else {
      }
    } else {
    }
    return
  }
}

module attributes {stable_mosaic.version = 14 : i64} {
  func.func @_mlp_body(%arg0: i32, %arg1: memref<2000x128xf32, #tpu.memory_space<vmem>>, %arg2: memref<2000x128xf32, #tpu.memory_space<vmem>>, %arg3: memref<2000x128xf32, #tpu.memory_space<vmem>>, %arg4: memref<128x128xf32, #tpu.memory_space<vmem>>, %arg5: memref<1x128xf32, #tpu.memory_space<vmem>>, %arg6: memref<1x128xf32, #tpu.memory_space<vmem>>, %arg7: memref<1x128xf32, #tpu.memory_space<vmem>>, %arg8: memref<128x128xf32, #tpu.memory_space<vmem>>, %arg9: memref<1x128xf32, #tpu.memory_space<vmem>>, %arg10: memref<1x128xf32, #tpu.memory_space<vmem>>, %arg11: memref<1x128xf32, #tpu.memory_space<vmem>>, %arg12: memref<128x40xf32, #tpu.memory_space<vmem>>, %arg13: memref<2000x40xf32, #tpu.memory_space<vmem>>, %arg14: memref<2000x128xf32, #tpu.memory_space<vmem>>, %arg15: memref<2000x40xf32, #tpu.memory_space<vmem>>) attributes {dimension_semantics = [#tpu.dimension_semantics<arbitrary>], iteration_bounds = array<i64: 5>, scalar_prefetch = 0 : i64, scratch_operands = 0 : i64, tpu.core_type = #tpu.core_type<tc>, window_params = [{transform_indices = @transform_0, window_bounds = array<i64: 2000, 128>}, {transform_indices = @transform_1, window_bounds = array<i64: 2000, 128>}, {transform_indices = @transform_2, window_bounds = array<i64: 2000, 128>}, {pipeline_mode = #tpu.pipeline_mode<synchronous>, transform_indices = @transform_3, window_bounds = array<i64: 128, 128>}, {pipeline_mode = #tpu.pipeline_mode<synchronous>, transform_indices = @transform_4, window_bounds = array<i64: 1, 128>}, {pipeline_mode = #tpu.pipeline_mode<synchronous>, transform_indices = @transform_5, window_bounds = array<i64: 1, 128>}, {pipeline_mode = #tpu.pipeline_mode<synchronous>, transform_indices = @transform_6, window_bounds = array<i64: 1, 128>}, {pipeline_mode = #tpu.pipeline_mode<synchronous>, transform_indices = @transform_7, window_bounds = array<i64: 128, 128>}, {pipeline_mode = #tpu.pipeline_mode<synchronous>, transform_indices = @transform_8, window_bounds = array<i64: 1, 128>}, {pipeline_mode = #tpu.pipeline_mode<synchronous>, transform_indices = @transform_9, window_bounds = array<i64: 1, 128>}, {pipeline_mode = #tpu.pipeline_mode<synchronous>, transform_indices = @transform_10, window_bounds = array<i64: 1, 128>}, {pipeline_mode = #tpu.pipeline_mode<synchronous>, transform_indices = @transform_11, window_bounds = array<i64: 128, 40>}, {transform_indices = @transform_12, window_bounds = array<i64: 2000, 40>}, {transform_indices = @transform_13, window_bounds = array<i64: 2000, 128>}, {transform_indices = @transform_14, window_bounds = array<i64: 2000, 40>}]} {
    %get3A = arith.constant 0 : index
    %get3A_0 = arith.constant 0 : index
    %get3A_1 = vector.load %arg1[%get3A, %get3A_0] : memref<2000x128xf32, #tpu.memory_space<vmem>>, vector<2000x128xf32>
    %get3A_2 = arith.constant 0 : index
    %get3A_3 = arith.constant 0 : index
    %get3A_4 = vector.load %arg2[%get3A_2, %get3A_3] : memref<2000x128xf32, #tpu.memory_space<vmem>>, vector<2000x128xf32>
    %add3A = arith.addf %get3A_1, %get3A_4 : vector<2000x128xf32>
    %get3A_5 = arith.constant 0 : index
    %get3A_6 = arith.constant 0 : index
    %get3A_7 = vector.load %arg3[%get3A_5, %get3A_6] : memref<2000x128xf32, #tpu.memory_space<vmem>>, vector<2000x128xf32>
    %add3A_8 = arith.addf %add3A, %get3A_7 : vector<2000x128xf32>
    %get3A_9 = arith.constant 0 : index
    %get3A_10 = arith.constant 0 : index
    %get3A_11 = vector.load %arg4[%get3A_9, %get3A_10] : memref<128x128xf32, #tpu.memory_space<vmem>>, vector<128x128xf32>
    %dot_general3A = arith.constant dense<0.000000e+00> : vector<2000x128xf32>
    %dot_general3A_12 = tpu.matmul %add3A_8, %get3A_11, %dot_general3A {dimension_numbers = #tpu.dot_dimension_numbers<[1], [0], [0], [1], [0, 0, 1, 1], [], []>, precision = #tpu.contract_precision<fp32>, transpose_lhs_hint = false} : vector<2000x128xf32>, vector<128x128xf32>, vector<2000x128xf32> -> vector<2000x128xf32>
    %get3A_13 = arith.constant 0 : index
    %get3A_14 = arith.constant 0 : index
    %get3A_15 = vector.load %arg5[%get3A_13, %get3A_14] : memref<1x128xf32, #tpu.memory_space<vmem>>, vector<1x128xf32>
    %add3A_16 = vector.broadcast %get3A_15 : vector<1x128xf32> to vector<2000x128xf32>
    %add3A_17 = arith.addf %dot_general3A_12, %add3A_16 : vector<2000x128xf32>
    %get3A_18 = arith.constant 0 : index
    %get3A_19 = arith.constant 0 : index
    %get3A_20 = vector.load %arg6[%get3A_18, %get3A_19] : memref<1x128xf32, #tpu.memory_space<vmem>>, vector<1x128xf32>
    %mul3A = vector.broadcast %get3A_20 : vector<1x128xf32> to vector<2000x128xf32>
    %mul3A_21 = arith.mulf %add3A_17, %mul3A : vector<2000x128xf32>
    %get3A_22 = arith.constant 0 : index
    %get3A_23 = arith.constant 0 : index
    %get3A_24 = vector.load %arg7[%get3A_22, %get3A_23] : memref<1x128xf32, #tpu.memory_space<vmem>>, vector<1x128xf32>
    %add3A_25 = vector.broadcast %get3A_24 : vector<1x128xf32> to vector<2000x128xf32>
    %add3A_26 = arith.addf %mul3A_21, %add3A_25 : vector<2000x128xf32>
    %max3A = arith.constant 0.000000e+00 : f32
    %max3A_27 = vector.broadcast %max3A : f32 to vector<2000x128xf32>
    %max3A_28 = arith.maximumf %add3A_26, %max3A_27 : vector<2000x128xf32>
    %get3A_29 = arith.constant 0 : index
    %get3A_30 = arith.constant 0 : index
    %get3A_31 = vector.load %arg8[%get3A_29, %get3A_30] : memref<128x128xf32, #tpu.memory_space<vmem>>, vector<128x128xf32>
    %dot_general3A_32 = arith.constant dense<0.000000e+00> : vector<2000x128xf32>
    %dot_general3A_33 = tpu.matmul %max3A_28, %get3A_31, %dot_general3A_32 {dimension_numbers = #tpu.dot_dimension_numbers<[1], [0], [0], [1], [0, 0, 1, 1], [], []>, precision = #tpu.contract_precision<fp32>, transpose_lhs_hint = false} : vector<2000x128xf32>, vector<128x128xf32>, vector<2000x128xf32> -> vector<2000x128xf32>
    %get3A_34 = arith.constant 0 : index
    %get3A_35 = arith.constant 0 : index
    %get3A_36 = vector.load %arg9[%get3A_34, %get3A_35] : memref<1x128xf32, #tpu.memory_space<vmem>>, vector<1x128xf32>
    %add3A_37 = vector.broadcast %get3A_36 : vector<1x128xf32> to vector<2000x128xf32>
    %add3A_38 = arith.addf %dot_general3A_33, %add3A_37 : vector<2000x128xf32>
    %get3A_39 = arith.constant 0 : index
    %get3A_40 = arith.constant 0 : index
    %get3A_41 = vector.load %arg10[%get3A_39, %get3A_40] : memref<1x128xf32, #tpu.memory_space<vmem>>, vector<1x128xf32>
    %mul3A_42 = vector.broadcast %get3A_41 : vector<1x128xf32> to vector<2000x128xf32>
    %mul3A_43 = arith.mulf %add3A_38, %mul3A_42 : vector<2000x128xf32>
    %get3A_44 = arith.constant 0 : index
    %get3A_45 = arith.constant 0 : index
    %get3A_46 = vector.load %arg11[%get3A_44, %get3A_45] : memref<1x128xf32, #tpu.memory_space<vmem>>, vector<1x128xf32>
    %add3A_47 = vector.broadcast %get3A_46 : vector<1x128xf32> to vector<2000x128xf32>
    %add3A_48 = arith.addf %mul3A_43, %add3A_47 : vector<2000x128xf32>
    %max3A_49 = arith.constant 0.000000e+00 : f32
    %max3A_50 = vector.broadcast %max3A_49 : f32 to vector<2000x128xf32>
    %max3A_51 = arith.maximumf %add3A_48, %max3A_50 : vector<2000x128xf32>
    %swap3A = arith.constant 0 : index
    %swap3A_52 = arith.constant 0 : index
    %swap3A_53 = vector.load %arg14[%swap3A, %swap3A_52] : memref<2000x128xf32, #tpu.memory_space<vmem>>, vector<2000x128xf32>
    tpu.vector_store %arg14[%swap3A, %swap3A_52], %max3A_51 {strides = array<i32>} : memref<2000x128xf32, #tpu.memory_space<vmem>>, vector<2000x128xf32>,
    %get3A_54 = arith.constant 0 : index
    %get3A_55 = arith.constant 0 : index
    %get3A_56 = vector.load %arg13[%get3A_54, %get3A_55] : memref<2000x40xf32, #tpu.memory_space<vmem>>, vector<2000x40xf32>
    %get3A_57 = arith.constant 0 : index
    %get3A_58 = arith.constant 0 : index
    %get3A_59 = vector.load %arg12[%get3A_57, %get3A_58] : memref<128x40xf32, #tpu.memory_space<vmem>>, vector<128x40xf32>
    %dot_general3A_60 = arith.constant dense<0.000000e+00> : vector<2000x40xf32>
    %dot_general3A_61 = tpu.matmul %max3A_51, %get3A_59, %dot_general3A_60 {dimension_numbers = #tpu.dot_dimension_numbers<[1], [0], [0], [1], [0, 0, 1, 1], [], []>, precision = #tpu.contract_precision<fp32>, transpose_lhs_hint = false} : vector<2000x128xf32>, vector<128x40xf32>, vector<2000x40xf32> -> vector<2000x40xf32>
    %add3A_62 = arith.addf %get3A_56, %dot_general3A_61 : vector<2000x40xf32>
    %swap3A_63 = arith.constant 0 : index
    %swap3A_64 = arith.constant 0 : index
    %swap3A_65 = vector.load %arg15[%swap3A_63, %swap3A_64] : memref<2000x40xf32, #tpu.memory_space<vmem>>, vector<2000x40xf32>
    tpu.vector_store %arg15[%swap3A_63, %swap3A_64], %add3A_62 {strides = array<i32>} : memref<2000x40xf32, #tpu.memory_space<vmem>>, vector<2000x40xf32>,
    return
  }
  func.func @transform_0(%arg0: i32) -> (i32, i32) {
    %c0_i32 = arith.constant 0 : i32
    %c0_i32_0 = arith.constant 0 : i32
    return %arg0, %c0_i32 : i32, i32
  }
  func.func @transform_1(%arg0: i32) -> (i32, i32) {
    %c0_i32 = arith.constant 0 : i32
    %c0_i32_0 = arith.constant 0 : i32
    return %arg0, %c0_i32 : i32, i32
  }
  func.func @transform_2(%arg0: i32) -> (i32, i32) {
    %c0_i32 = arith.constant 0 : i32
    %c0_i32_0 = arith.constant 0 : i32
    return %arg0, %c0_i32 : i32, i32
  }
  func.func @transform_3(%arg0: i32) -> (i32, i32) {
    %c0_i32 = arith.constant 0 : i32
    %c0_i32_0 = arith.constant 0 : i32
    %c0_i32_1 = arith.constant 0 : i32
    return %c0_i32, %c0_i32_0 : i32, i32
  }
  func.func @transform_4(%arg0: i32) -> (i32, i32) {
    %c0_i32 = arith.constant 0 : i32
    %c0_i32_0 = arith.constant 0 : i32
    %c0_i32_1 = arith.constant 0 : i32
    return %c0_i32, %c0_i32_0 : i32, i32
  }
  func.func @transform_5(%arg0: i32) -> (i32, i32) {
    %c0_i32 = arith.constant 0 : i32
    %c0_i32_0 = arith.constant 0 : i32
    %c0_i32_1 = arith.constant 0 : i32
    return %c0_i32, %c0_i32_0 : i32, i32
  }
  func.func @transform_6(%arg0: i32) -> (i32, i32) {
    %c0_i32 = arith.constant 0 : i32
    %c0_i32_0 = arith.constant 0 : i32
    %c0_i32_1 = arith.constant 0 : i32
    return %c0_i32, %c0_i32_0 : i32, i32
  }
  func.func @transform_7(%arg0: i32) -> (i32, i32) {
    %c0_i32 = arith.constant 0 : i32
    %c0_i32_0 = arith.constant 0 : i32
    %c0_i32_1 = arith.constant 0 : i32
    return %c0_i32, %c0_i32_0 : i32, i32
  }
  func.func @transform_8(%arg0: i32) -> (i32, i32) {
    %c0_i32 = arith.constant 0 : i32
    %c0_i32_0 = arith.constant 0 : i32
    %c0_i32_1 = arith.constant 0 : i32
    return %c0_i32, %c0_i32_0 : i32, i32
  }
  func.func @transform_9(%arg0: i32) -> (i32, i32) {
    %c0_i32 = arith.constant 0 : i32
    %c0_i32_0 = arith.constant 0 : i32
    %c0_i32_1 = arith.constant 0 : i32
    return %c0_i32, %c0_i32_0 : i32, i32
  }
  func.func @transform_10(%arg0: i32) -> (i32, i32) {
    %c0_i32 = arith.constant 0 : i32
    %c0_i32_0 = arith.constant 0 : i32
    %c0_i32_1 = arith.constant 0 : i32
    return %c0_i32, %c0_i32_0 : i32, i32
  }
  func.func @transform_11(%arg0: i32) -> (i32, i32) {
    %c0_i32 = arith.constant 0 : i32
    %c0_i32_0 = arith.constant 0 : i32
    %c0_i32_1 = arith.constant 0 : i32
    return %c0_i32, %c0_i32_0 : i32, i32
  }
  func.func @transform_12(%arg0: i32) -> (i32, i32) {
    %c0_i32 = arith.constant 0 : i32
    %c0_i32_0 = arith.constant 0 : i32
    return %arg0, %c0_i32 : i32, i32
  }
  func.func @transform_13(%arg0: i32) -> (i32, i32) {
    %c0_i32 = arith.constant 0 : i32
    %c0_i32_0 = arith.constant 0 : i32
    return %arg0, %c0_i32 : i32, i32
  }
  func.func @transform_14(%arg0: i32) -> (i32, i32) {
    %c0_i32 = arith.constant 0 : i32
    %c0_i32_0 = arith.constant 0 : i32
    return %arg0, %c0_i32 : i32, i32
  }
}

module attributes {stable_mosaic.version = 14 : i64} {
  func.func @_mlp_body(%arg0: i32, %arg1: memref<2000x128xf32, #tpu.memory_space<vmem>>, %arg2: memref<2000x128xf32, #tpu.memory_space<vmem>>, %arg3: memref<2000x128xf32, #tpu.memory_space<vmem>>, %arg4: memref<128x128xf32, #tpu.memory_space<vmem>>, %arg5: memref<1x128xf32, #tpu.memory_space<vmem>>, %arg6: memref<1x128xf32, #tpu.memory_space<vmem>>, %arg7: memref<1x128xf32, #tpu.memory_space<vmem>>, %arg8: memref<128x128xf32, #tpu.memory_space<vmem>>, %arg9: memref<1x128xf32, #tpu.memory_space<vmem>>, %arg10: memref<1x128xf32, #tpu.memory_space<vmem>>, %arg11: memref<1x128xf32, #tpu.memory_space<vmem>>, %arg12: memref<128x40xf32, #tpu.memory_space<vmem>>, %arg13: memref<2000x40xf32, #tpu.memory_space<vmem>>, %arg14: memref<2000x128xf32, #tpu.memory_space<vmem>>, %arg15: memref<2000x40xf32, #tpu.memory_space<vmem>>) attributes {dimension_semantics = [#tpu.dimension_semantics<arbitrary>], iteration_bounds = array<i64: 5>, scalar_prefetch = 0 : i64, scratch_operands = 0 : i64, tpu.core_type = #tpu.core_type<tc>, window_params = [{transform_indices = @transform_0, window_bounds = array<i64: 2000, 128>}, {transform_indices = @transform_1, window_bounds = array<i64: 2000, 128>}, {transform_indices = @transform_2, window_bounds = array<i64: 2000, 128>}, {pipeline_mode = #tpu.pipeline_mode<synchronous>, transform_indices = @transform_3, window_bounds = array<i64: 128, 128>}, {pipeline_mode = #tpu.pipeline_mode<synchronous>, transform_indices = @transform_4, window_bounds = array<i64: 1, 128>}, {pipeline_mode = #tpu.pipeline_mode<synchronous>, transform_indices = @transform_5, window_bounds = array<i64: 1, 128>}, {pipeline_mode = #tpu.pipeline_mode<synchronous>, transform_indices = @transform_6, window_bounds = array<i64: 1, 128>}, {pipeline_mode = #tpu.pipeline_mode<synchronous>, transform_indices = @transform_7, window_bounds = array<i64: 128, 128>}, {pipeline_mode = #tpu.pipeline_mode<synchronous>, transform_indices = @transform_8, window_bounds = array<i64: 1, 128>}, {pipeline_mode = #tpu.pipeline_mode<synchronous>, transform_indices = @transform_9, window_bounds = array<i64: 1, 128>}, {pipeline_mode = #tpu.pipeline_mode<synchronous>, transform_indices = @transform_10, window_bounds = array<i64: 1, 128>}, {pipeline_mode = #tpu.pipeline_mode<synchronous>, transform_indices = @transform_11, window_bounds = array<i64: 128, 40>}, {transform_indices = @transform_12, window_bounds = array<i64: 2000, 40>}, {transform_indices = @transform_13, window_bounds = array<i64: 2000, 128>}, {transform_indices = @transform_14, window_bounds = array<i64: 2000, 40>}]} {
    %get3A = arith.constant 0 : index
    %get3A_0 = arith.constant 0 : index
    %get3A_1 = vector.load %arg1[%get3A, %get3A_0] : memref<2000x128xf32, #tpu.memory_space<vmem>>, vector<2000x128xf32>
    %get3A_2 = arith.constant 0 : index
    %get3A_3 = arith.constant 0 : index
    %get3A_4 = vector.load %arg2[%get3A_2, %get3A_3] : memref<2000x128xf32, #tpu.memory_space<vmem>>, vector<2000x128xf32>
    %add3A = arith.addf %get3A_1, %get3A_4 : vector<2000x128xf32>
    %get3A_5 = arith.constant 0 : index
    %get3A_6 = arith.constant 0 : index
    %get3A_7 = vector.load %arg3[%get3A_5, %get3A_6] : memref<2000x128xf32, #tpu.memory_space<vmem>>, vector<2000x128xf32>
    %add3A_8 = arith.addf %add3A, %get3A_7 : vector<2000x128xf32>
    %get3A_9 = arith.constant 0 : index
    %get3A_10 = arith.constant 0 : index
    %get3A_11 = vector.load %arg4[%get3A_9, %get3A_10] : memref<128x128xf32, #tpu.memory_space<vmem>>, vector<128x128xf32>
    %dot_general3A = arith.constant dense<0.000000e+00> : vector<2000x128xf32>
    %dot_general3A_12 = tpu.matmul %add3A_8, %get3A_11, %dot_general3A {dimension_numbers = #tpu.dot_dimension_numbers<[1], [0], [0], [1], [0, 0, 1, 1], [], []>, precision = #tpu.contract_precision<fp32>, transpose_lhs_hint = false} : vector<2000x128xf32>, vector<128x128xf32>, vector<2000x128xf32> -> vector<2000x128xf32>
    %get3A_13 = arith.constant 0 : index
    %get3A_14 = arith.constant 0 : index
    %get3A_15 = vector.load %arg5[%get3A_13, %get3A_14] : memref<1x128xf32, #tpu.memory_space<vmem>>, vector<1x128xf32>
    %add3A_16 = vector.broadcast %get3A_15 : vector<1x128xf32> to vector<2000x128xf32>
    %add3A_17 = arith.addf %dot_general3A_12, %add3A_16 : vector<2000x128xf32>
    %get3A_18 = arith.constant 0 : index
    %get3A_19 = arith.constant 0 : index
    %get3A_20 = vector.load %arg6[%get3A_18, %get3A_19] : memref<1x128xf32, #tpu.memory_space<vmem>>, vector<1x128xf32>
    %mul3A = vector.broadcast %get3A_20 : vector<1x128xf32> to vector<2000x128xf32>
    %mul3A_21 = arith.mulf %add3A_17, %mul3A : vector<2000x128xf32>
    %get3A_22 = arith.constant 0 : index
    %get3A_23 = arith.constant 0 : index
    %get3A_24 = vector.load %arg7[%get3A_22, %get3A_23] : memref<1x128xf32, #tpu.memory_space<vmem>>, vector<1x128xf32>
    %add3A_25 = vector.broadcast %get3A_24 : vector<1x128xf32> to vector<2000x128xf32>
    %add3A_26 = arith.addf %mul3A_21, %add3A_25 : vector<2000x128xf32>
    %max3A = arith.constant 0.000000e+00 : f32
    %max3A_27 = vector.broadcast %max3A : f32 to vector<2000x128xf32>
    %max3A_28 = arith.maximumf %add3A_26, %max3A_27 : vector<2000x128xf32>
    %get3A_29 = arith.constant 0 : index
    %get3A_30 = arith.constant 0 : index
    %get3A_31 = vector.load %arg8[%get3A_29, %get3A_30] : memref<128x128xf32, #tpu.memory_space<vmem>>, vector<128x128xf32>
    %dot_general3A_32 = arith.constant dense<0.000000e+00> : vector<2000x128xf32>
    %dot_general3A_33 = tpu.matmul %max3A_28, %get3A_31, %dot_general3A_32 {dimension_numbers = #tpu.dot_dimension_numbers<[1], [0], [0], [1], [0, 0, 1, 1], [], []>, precision = #tpu.contract_precision<fp32>, transpose_lhs_hint = false} : vector<2000x128xf32>, vector<128x128xf32>, vector<2000x128xf32> -> vector<2000x128xf32>
    %get3A_34 = arith.constant 0 : index
    %get3A_35 = arith.constant 0 : index
    %get3A_36 = vector.load %arg9[%get3A_34, %get3A_35] : memref<1x128xf32, #tpu.memory_space<vmem>>, vector<1x128xf32>
    %add3A_37 = vector.broadcast %get3A_36 : vector<1x128xf32> to vector<2000x128xf32>
    %add3A_38 = arith.addf %dot_general3A_33, %add3A_37 : vector<2000x128xf32>
    %get3A_39 = arith.constant 0 : index
    %get3A_40 = arith.constant 0 : index
    %get3A_41 = vector.load %arg10[%get3A_39, %get3A_40] : memref<1x128xf32, #tpu.memory_space<vmem>>, vector<1x128xf32>
    %mul3A_42 = vector.broadcast %get3A_41 : vector<1x128xf32> to vector<2000x128xf32>
    %mul3A_43 = arith.mulf %add3A_38, %mul3A_42 : vector<2000x128xf32>
    %get3A_44 = arith.constant 0 : index
    %get3A_45 = arith.constant 0 : index
    %get3A_46 = vector.load %arg11[%get3A_44, %get3A_45] : memref<1x128xf32, #tpu.memory_space<vmem>>, vector<1x128xf32>
    %add3A_47 = vector.broadcast %get3A_46 : vector<1x128xf32> to vector<2000x128xf32>
    %add3A_48 = arith.addf %mul3A_43, %add3A_47 : vector<2000x128xf32>
    %max3A_49 = arith.constant 0.000000e+00 : f32
    %max3A_50 = vector.broadcast %max3A_49 : f32 to vector<2000x128xf32>
    %max3A_51 = arith.maximumf %add3A_48, %max3A_50 : vector<2000x128xf32>
    %swap3A = arith.constant 0 : index
    %swap3A_52 = arith.constant 0 : index
    %swap3A_53 = vector.load %arg14[%swap3A, %swap3A_52] : memref<2000x128xf32, #tpu.memory_space<vmem>>, vector<2000x128xf32>
    tpu.vector_store %arg14[%swap3A, %swap3A_52], %max3A_51 {strides = array<i32>} : memref<2000x128xf32, #tpu.memory_space<vmem>>, vector<2000x128xf32>,
    %get3A_54 = arith.constant 0 : index
    %get3A_55 = arith.constant 0 : index
    %get3A_56 = vector.load %arg13[%get3A_54, %get3A_55] : memref<2000x40xf32, #tpu.memory_space<vmem>>, vector<2000x40xf32>
    %get3A_57 = arith.constant 0 : index
    %get3A_58 = arith.constant 0 : index
    %get3A_59 = vector.load %arg12[%get3A_57, %get3A_58] : memref<128x40xf32, #tpu.memory_space<vmem>>, vector<128x40xf32>
    %dot_general3A_60 = arith.constant dense<0.000000e+00> : vector<2000x40xf32>
    %dot_general3A_61 = tpu.matmul %max3A_51, %get3A_59, %dot_general3A_60 {dimension_numbers = #tpu.dot_dimension_numbers<[1], [0], [0], [1], [0, 0, 1, 1], [], []>, precision = #tpu.contract_precision<fp32>, transpose_lhs_hint = false} : vector<2000x128xf32>, vector<128x40xf32>, vector<2000x40xf32> -> vector<2000x40xf32>
    %add3A_62 = arith.addf %get3A_56, %dot_general3A_61 : vector<2000x40xf32>
    %swap3A_63 = arith.constant 0 : index
    %swap3A_64 = arith.constant 0 : index
    %swap3A_65 = vector.load %arg15[%swap3A_63, %swap3A_64] : memref<2000x40xf32, #tpu.memory_space<vmem>>, vector<2000x40xf32>
    tpu.vector_store %arg15[%swap3A_63, %swap3A_64], %add3A_62 {strides = array<i32>} : memref<2000x40xf32, #tpu.memory_space<vmem>>, vector<2000x40xf32>,
    return
  }
  func.func @transform_0(%arg0: i32) -> (i32, i32) {
    %c0_i32 = arith.constant 0 : i32
    %c0_i32_0 = arith.constant 0 : i32
    return %arg0, %c0_i32 : i32, i32
  }
  func.func @transform_1(%arg0: i32) -> (i32, i32) {
    %c0_i32 = arith.constant 0 : i32
    %c0_i32_0 = arith.constant 0 : i32
    return %arg0, %c0_i32 : i32, i32
  }
  func.func @transform_2(%arg0: i32) -> (i32, i32) {
    %c0_i32 = arith.constant 0 : i32
    %c0_i32_0 = arith.constant 0 : i32
    return %arg0, %c0_i32 : i32, i32
  }
  func.func @transform_3(%arg0: i32) -> (i32, i32) {
    %c0_i32 = arith.constant 0 : i32
    %c0_i32_0 = arith.constant 0 : i32
    %c0_i32_1 = arith.constant 0 : i32
    return %c0_i32, %c0_i32_0 : i32, i32
  }
  func.func @transform_4(%arg0: i32) -> (i32, i32) {
    %c0_i32 = arith.constant 0 : i32
    %c0_i32_0 = arith.constant 0 : i32
    %c0_i32_1 = arith.constant 0 : i32
    return %c0_i32, %c0_i32_0 : i32, i32
  }
  func.func @transform_5(%arg0: i32) -> (i32, i32) {
    %c0_i32 = arith.constant 0 : i32
    %c0_i32_0 = arith.constant 0 : i32
    %c0_i32_1 = arith.constant 0 : i32
    return %c0_i32, %c0_i32_0 : i32, i32
  }
  func.func @transform_6(%arg0: i32) -> (i32, i32) {
    %c0_i32 = arith.constant 0 : i32
    %c0_i32_0 = arith.constant 0 : i32
    %c0_i32_1 = arith.constant 0 : i32
    return %c0_i32, %c0_i32_0 : i32, i32
  }
  func.func @transform_7(%arg0: i32) -> (i32, i32) {
    %c0_i32 = arith.constant 0 : i32
    %c0_i32_0 = arith.constant 0 : i32
    %c0_i32_1 = arith.constant 0 : i32
    return %c0_i32, %c0_i32_0 : i32, i32
  }
  func.func @transform_8(%arg0: i32) -> (i32, i32) {
    %c0_i32 = arith.constant 0 : i32
    %c0_i32_0 = arith.constant 0 : i32
    %c0_i32_1 = arith.constant 0 : i32
    return %c0_i32, %c0_i32_0 : i32, i32
  }
  func.func @transform_9(%arg0: i32) -> (i32, i32) {
    %c0_i32 = arith.constant 0 : i32
    %c0_i32_0 = arith.constant 0 : i32
    %c0_i32_1 = arith.constant 0 : i32
    return %c0_i32, %c0_i32_0 : i32, i32
  }
  func.func @transform_10(%arg0: i32) -> (i32, i32) {
    %c0_i32 = arith.constant 0 : i32
    %c0_i32_0 = arith.constant 0 : i32
    %c0_i32_1 = arith.constant 0 : i32
    return %c0_i32, %c0_i32_0 : i32, i32
  }
  func.func @transform_11(%arg0: i32) -> (i32, i32) {
    %c0_i32 = arith.constant 0 : i32
    %c0_i32_0 = arith.constant 0 : i32
    %c0_i32_1 = arith.constant 0 : i32
    return %c0_i32, %c0_i32_0 : i32, i32
  }
  func.func @transform_12(%arg0: i32) -> (i32, i32) {
    %c0_i32 = arith.constant 0 : i32
    %c0_i32_0 = arith.constant 0 : i32
    return %arg0, %c0_i32 : i32, i32
  }
  func.func @transform_13(%arg0: i32) -> (i32, i32) {
    %c0_i32 = arith.constant 0 : i32
    %c0_i32_0 = arith.constant 0 : i32
    return %arg0, %c0_i32 : i32, i32
  }
  func.func @transform_14(%arg0: i32) -> (i32, i32) {
    %c0_i32 = arith.constant 0 : i32
    %c0_i32_0 = arith.constant 0 : i32
    return %arg0, %c0_i32 : i32, i32
  }
}

module attributes {stable_mosaic.version = 14 : i64} {
  func.func @_pool_body(%arg0: i32, %arg1: memref<2000x128xf32, #tpu.memory_space<vmem>>, %arg2: memref<2000x40xf32, #tpu.memory_space<vmem>>, %arg3: memref<2000x1xi32, #tpu.memory_space<vmem>>, %arg4: memref<128x40xf32, #tpu.memory_space<vmem>>, %arg5: memref<4x40xf32, #tpu.memory_space<vmem>>, %arg6: memref<128x40xf32, #tpu.memory_space<vmem>>) attributes {dimension_semantics = [#tpu.dimension_semantics<arbitrary>], iteration_bounds = array<i64: 5>, scalar_prefetch = 0 : i64, scratch_operands = 0 : i64, tpu.core_type = #tpu.core_type<tc>, window_params = [{transform_indices = @transform_0, window_bounds = array<i64: 2000, 128>}, {transform_indices = @transform_1, window_bounds = array<i64: 2000, 40>}, {transform_indices = @transform_2, window_bounds = array<i64: 2000, 1>}, {pipeline_mode = #tpu.pipeline_mode<synchronous>, transform_indices = @transform_3, window_bounds = array<i64: 128, 40>}, {pipeline_mode = #tpu.pipeline_mode<synchronous>, transform_indices = @transform_4, window_bounds = array<i64: 4, 40>}, {pipeline_mode = #tpu.pipeline_mode<synchronous>, transform_indices = @transform_5, window_bounds = array<i64: 128, 40>}]} {
    %get3A = arith.constant 0 : index
    %get3A_0 = arith.constant 0 : index
    %get3A_1 = vector.load %arg2[%get3A, %get3A_0] : memref<2000x40xf32, #tpu.memory_space<vmem>>, vector<2000x40xf32>
    %get3A_2 = arith.constant 0 : index
    %get3A_3 = arith.constant 0 : index
    %get3A_4 = vector.load %arg1[%get3A_2, %get3A_3] : memref<2000x128xf32, #tpu.memory_space<vmem>>, vector<2000x128xf32>
    %get3A_5 = arith.constant 0 : index
    %get3A_6 = arith.constant 0 : index
    %get3A_7 = vector.load %arg4[%get3A_5, %get3A_6] : memref<128x40xf32, #tpu.memory_space<vmem>>, vector<128x40xf32>
    %dot_general3A = arith.constant dense<0.000000e+00> : vector<2000x40xf32>
    %dot_general3A_8 = tpu.matmul %get3A_4, %get3A_7, %dot_general3A {dimension_numbers = #tpu.dot_dimension_numbers<[1], [0], [0], [1], [0, 0, 1, 1], [], []>, precision = #tpu.contract_precision<fp32>, transpose_lhs_hint = false} : vector<2000x128xf32>, vector<128x40xf32>, vector<2000x40xf32> -> vector<2000x40xf32>
    %add3A = arith.addf %get3A_1, %dot_general3A_8 : vector<2000x40xf32>
    %get3A_9 = arith.constant 0 : index
    %get3A_10 = arith.constant 0 : index
    %get3A_11 = vector.load %arg3[%get3A_9, %get3A_10] : memref<2000x1xi32, #tpu.memory_space<vmem>>, vector<2000x1xi32>
    %iota3A = tpu.iota {dimensions = array<i32: 1>} : vector<1x128xi32>
    %eq3A = vector.broadcast %get3A_11 : vector<2000x1xi32> to vector<2000x128xi32>
    %eq3A_12 = vector.broadcast %iota3A : vector<1x128xi32> to vector<2000x128xi32>
    %eq3A_13 = arith.cmpi eq, %eq3A, %eq3A_12 : vector<2000x128xi32>
    %convert_element_type3A = arith.extui %eq3A_13 : vector<2000x128xi1> to vector<2000x128xi32>
    %convert_element_type3A_14 = arith.sitofp %convert_element_type3A : vector<2000x128xi32> to vector<2000x128xf32>
    %dot_general3A_15 = arith.constant dense<0.000000e+00> : vector<128x40xf32>
    %dot_general3A_16 = tpu.matmul %convert_element_type3A_14, %add3A, %dot_general3A_15 {dimension_numbers = #tpu.dot_dimension_numbers<[0], [0], [1], [1], [0, 1, 1, 1], [], []>, precision = #tpu.contract_precision<fp32>, transpose_lhs_hint = false} : vector<2000x128xf32>, vector<2000x40xf32>, vector<128x40xf32> -> vector<128x40xf32>
    %eq3A_17 = arith.constant 0 : i32
    %eq3A_18 = arith.cmpi eq, %arg0, %eq3A_17 : i32
    %convert_element_type3A_19 = arith.extui %eq3A_18 : i1 to i32
    %cond3A = arith.constant 0 : i32
    %cond3A_20 = arith.cmpi ne, %convert_element_type3A_19, %cond3A : i32
    scf.if %cond3A_20 {
      %swap3A = arith.constant 0 : index
      %swap3A_30 = arith.constant 0 : index
      %swap3A_31 = vector.load %arg6[%swap3A, %swap3A_30] : memref<128x40xf32, #tpu.memory_space<vmem>>, vector<128x40xf32>
      tpu.vector_store %arg6[%swap3A, %swap3A_30], %dot_general3A_16 {strides = array<i32>} : memref<128x40xf32, #tpu.memory_space<vmem>>, vector<128x40xf32>,
    } else {
    }
    %gt3A = arith.constant 0 : i32
    %gt3A_21 = arith.cmpi sgt, %arg0, %gt3A : i32
    %convert_element_type3A_22 = arith.extui %gt3A_21 : i1 to i32
    %cond3A_23 = arith.constant 0 : i32
    %cond3A_24 = arith.cmpi ne, %convert_element_type3A_22, %cond3A_23 : i32
    scf.if %cond3A_24 {
      %get3A_30 = arith.constant 0 : index
      %get3A_31 = arith.constant 0 : index
      %get3A_32 = vector.load %arg6[%get3A_30, %get3A_31] : memref<128x40xf32, #tpu.memory_space<vmem>>, vector<128x40xf32>
      %add3A_33 = arith.addf %get3A_32, %dot_general3A_16 : vector<128x40xf32>
      %swap3A = arith.constant 0 : index
      %swap3A_34 = arith.constant 0 : index
      %swap3A_35 = vector.load %arg6[%swap3A, %swap3A_34] : memref<128x40xf32, #tpu.memory_space<vmem>>, vector<128x40xf32>
      tpu.vector_store %arg6[%swap3A, %swap3A_34], %add3A_33 {strides = array<i32>} : memref<128x40xf32, #tpu.memory_space<vmem>>, vector<128x40xf32>,
    } else {
    }
    %eq3A_25 = arith.constant 4 : i32
    %eq3A_26 = arith.cmpi eq, %arg0, %eq3A_25 : i32
    %convert_element_type3A_27 = arith.extui %eq3A_26 : i1 to i32
    %cond3A_28 = arith.constant 0 : i32
    %cond3A_29 = arith.cmpi ne, %convert_element_type3A_27, %cond3A_28 : i32
    scf.if %cond3A_29 {
      %get3A_30 = arith.constant 0 : index
      %get3A_31 = arith.constant 0 : index
      %get3A_32 = vector.load %arg6[%get3A_30, %get3A_31] : memref<128x40xf32, #tpu.memory_space<vmem>>, vector<128x40xf32>
      %get3A_33 = arith.constant 0 : index
      %get3A_34 = arith.constant 0 : index
      %get3A_35 = vector.load %arg5[%get3A_33, %get3A_34] : memref<4x40xf32, #tpu.memory_space<vmem>>, vector<4x40xf32>
      %reduce_sum3A = arith.constant dense<0.000000e+00> : vector<40xf32>
      %reduce_sum3A_36 = vector.multi_reduction <add>, %get3A_35, %reduce_sum3A [0] : vector<4x40xf32> to vector<40xf32>
      %broadcast_in_dim3A = vector.shape_cast %reduce_sum3A_36 : vector<40xf32> to vector<1x40xf32>
      %add3A_37 = vector.broadcast %broadcast_in_dim3A : vector<1x40xf32> to vector<128x40xf32>
      %add3A_38 = arith.addf %get3A_32, %add3A_37 : vector<128x40xf32>
      %reduce_max3A = arith.constant dense<0xFF800000> : vector<128xf32>
      %reduce_max3A_39 = vector.multi_reduction <maximumf>, %add3A_38, %reduce_max3A [1] : vector<128x40xf32> to vector<128xf32>
      %broadcast_in_dim3A_40 = vector.shape_cast %reduce_max3A_39 : vector<128xf32> to vector<128x1xf32>
      %sub3A = vector.broadcast %broadcast_in_dim3A_40 : vector<128x1xf32> to vector<128x40xf32>
      %sub3A_41 = arith.subf %add3A_38, %sub3A : vector<128x40xf32>
      %exp3A = math.exp %sub3A_41 : vector<128x40xf32>
      %reduce_sum3A_42 = arith.constant dense<0.000000e+00> : vector<128xf32>
      %reduce_sum3A_43 = vector.multi_reduction <add>, %exp3A, %reduce_sum3A_42 [1] : vector<128x40xf32> to vector<128xf32>
      %broadcast_in_dim3A_44 = vector.shape_cast %reduce_sum3A_43 : vector<128xf32> to vector<128x1xf32>
      %log3A = math.log %broadcast_in_dim3A_44 : vector<128x1xf32>
      %add3A_45 = arith.addf %log3A, %broadcast_in_dim3A_40 : vector<128x1xf32>
      %sub3A_46 = vector.broadcast %add3A_45 : vector<128x1xf32> to vector<128x40xf32>
      %sub3A_47 = arith.subf %add3A_38, %sub3A_46 : vector<128x40xf32>
      %swap3A = arith.constant 0 : index
      %swap3A_48 = arith.constant 0 : index
      %swap3A_49 = vector.load %arg6[%swap3A, %swap3A_48] : memref<128x40xf32, #tpu.memory_space<vmem>>, vector<128x40xf32>
      tpu.vector_store %arg6[%swap3A, %swap3A_48], %sub3A_47 {strides = array<i32>} : memref<128x40xf32, #tpu.memory_space<vmem>>, vector<128x40xf32>,
    } else {
    }
    return
  }
  func.func @transform_0(%arg0: i32) -> (i32, i32) {
    %c0_i32 = arith.constant 0 : i32
    %c0_i32_0 = arith.constant 0 : i32
    return %arg0, %c0_i32 : i32, i32
  }
  func.func @transform_1(%arg0: i32) -> (i32, i32) {
    %c0_i32 = arith.constant 0 : i32
    %c0_i32_0 = arith.constant 0 : i32
    return %arg0, %c0_i32 : i32, i32
  }
  func.func @transform_2(%arg0: i32) -> (i32, i32) {
    %c0_i32 = arith.constant 0 : i32
    %c0_i32_0 = arith.constant 0 : i32
    return %arg0, %c0_i32 : i32, i32
  }
  func.func @transform_3(%arg0: i32) -> (i32, i32) {
    %c0_i32 = arith.constant 0 : i32
    %c0_i32_0 = arith.constant 0 : i32
    %c0_i32_1 = arith.constant 0 : i32
    return %c0_i32, %c0_i32_0 : i32, i32
  }
  func.func @transform_4(%arg0: i32) -> (i32, i32) {
    %c0_i32 = arith.constant 0 : i32
    %c0_i32_0 = arith.constant 0 : i32
    %c0_i32_1 = arith.constant 0 : i32
    return %c0_i32, %c0_i32_0 : i32, i32
  }
  func.func @transform_5(%arg0: i32) -> (i32, i32) {
    %c0_i32 = arith.constant 0 : i32
    %c0_i32_0 = arith.constant 0 : i32
    %c0_i32_1 = arith.constant 0 : i32
    return %c0_i32, %c0_i32_0 : i32, i32
  }
}

</mosaic_0001>

<sc_bundles>
// kernel: kernel.12.cloned.1.call-start
scs
__scs_entry_jumppad:
0x0: {  	(pc) =	sbr.rel $0x88, $3  }
0x1: {  	(tag) =	ssettag $0x0;
	lr =	simm.s32 $0x1  }
0x2: {  	[smem:$0x3F94] =	sst lr;
	_ =	strace $0xD0000000  }
0x3: {  	_ = 	snop  }
0x4: {  	_ = 	snop  }
0x5: {  	_ = 	snop  }
0x6: {  	_ = 	snop  }
0x7: {  	_ = 	snop  }
__scs_overlays_trampoline_lowered:
0x8: {  	[smem:$0x3FA3] =	sst s0  }
0x9: {  	[smem:$0x3FA4] =	sst s1  }
0xa: {  	[smem:$0x3FA5] =	sst s2  }
0xb: {  	[smem:$0x3FA6] =	sst s3  }
0xc: {  	[smem:$0x3FA7] =	sst s4  }
0xd: {  	[smem:$0x3FA8] =	sst s5  }
0xe: {  	[smem:$0x3FA9] =	sst s6  }
0xf: {  	[smem:$0x3FAA] =	sst s7  }
0x10: {  	[smem:$0x3FAB] =	sst s8  }
0x11: {  	[smem:$0x3FAC] =	sst s9;
	s0 =	simm.s32 @!p0 $0x0  }
0x12: {  	s1 =	sld [smem:$0x3F92];
	s0 =	simm.s32 @p0 $0x1  }
0x13: {  	[smem:$0x3FAD] =	sst s0;
	s0 =	simm.s32 @!p1 $0x0  }
0x14: {  	s2 =	sld [smem:$0x3F91];
	s0 =	simm.s32 @p1 $0x1  }
0x15: {  	[smem:$0x3FAE] =	sst s0;
	s0 =	simm.s32 @!p2 $0x0  }
0x16: {  	s3 =	sld [smem:$0x3FDB];
	s0 =	simm.s32 @p2 $0x1  }
0x17: {  	s4 =	simm.s32 $0x1BF5;
	[smem:$0x3FB0] =	sst s0  }
0x18: {  	s0 =	sld [smem:$0x3F93];
	_ =	swait.ge [sflag:s4], $0x0  }
0x19: {  	s7 =	sld [smem:$0x3F94]  }
0x1a: {  	s8 =	sadd.s32 $0xFFFFE003, lr  }
0x1b: {  	s9 =	sadd.s32 $0xFFFFFEF7, lr;
	s5 =	simm.s32 $0xFFFFFFFF;
	p2 =	slt.u32 s8, $0xFFFFF086  }
0x1c: {  	p1 =	slt.u32 s9, $0xF7A;
	s5 =	simm.s32 @!p2 $0x0  }
0x1d: {  	s5 =	simm.s32 @p1 $0x1;
	p0 =	seq.s32 s7, s2  }
0x1e: {  	s7 =	smul.u32 @!p0 $0xF7A, s2;
	p2 =	seq.s32 @!p0 s5, $0x0  }
0x1f: {  	s9 =	smul.u32 $0xF7A, s1;
	s8 =	simm.s32 @!p0 $0x1BF5;
	p2 =	por !p2, p0  }
0x20: {  	[sflag:s8] =	ssyncset.s32 @!p0 $0xFFFFF086;
	s6 =	sadd.s32 @!p0 s3, s7;
	s7 =	simm.s32 @!p0 $0x108  }
0x21: {  	s3 =	sadd.s32 s3, s9;
	s6 =	sadd.s32 @!p0 $0x88, s6;
	s7 =	simm.s32 @p2 $0x1082  }
0x22: {  	[simem:s7], [sflag:s8] =	dma.local @!p0 [hbm:s6], $0xF7A  }
0x23: {  	s9 =	sor.u32 $0xD0000000, s2;
	s6 =	simm.s32 $0x108;
	_ =	swait.ge @!p0 [sflag:s8], $0x0  }
0x24: {  	s3 =	sadd.s32 $0x88, s3;
	s6 =	simm.s32 @!p1 $0x1082;
	[sflag:s4] =	ssyncset.s32 $0xFFFFF086  }
0x25: {  	[simem:s6], [sflag:s4] =	dma.local [hbm:s3], $0xF7A  }
0x26: {  	[smem:$0x3F94] =	sst s1;
	(tag) =	ssettag s2;
	_ =	strace s9  }
0x27: {  	s1 =	sld [smem:$0x3FA4]  }
0x28: {  	s2 =	sld [smem:$0x3FA5]  }
0x29: {  	s4 =	sld [smem:$0x3FA7]  }
0x2a: {  	p0 =	seq.s32 s5, $0x0;
	s5 =	sld [smem:$0x3FA8]  }
0x2b: {  	s6 =	sld [smem:$0x3FA9]  }
0x2c: {  	s7 =	sld [smem:$0x3FAA]  }
0x2d: {  	s3 =	simm.s32 $0x108;
	s8 =	sld [smem:$0x3FAB]  }
0x2e: {  	s3 =	simm.s32 @!p0 $0x1082;
	s9 =	sld [smem:$0x3FAC]  }
0x2f: {  	lr =	sadd.s32 s0, s3;
	s0 =	sld [smem:$0x3FA3]  }
0x30: {  	s3 =	sld [smem:$0x3FA6]  }
0x31: {  	[smem:$0x3FAF] =	sst s10  }
0x32: {  	s10 =	sld [smem:$0x3FAD];
	_ =	sdelay $0x3  }
0x33: {  	p0 =	seq.s32 s10, $0x1;
	s10 =	sld [smem:$0x3FAF];
	_ =	sdelay $0x3  }
0x34: {  	[smem:$0x3FAF] =	sst s10  }
0x35: {  	s10 =	sld [smem:$0x3FAE];
	_ =	sdelay $0x3  }
0x36: {  	p1 =	seq.s32 s10, $0x1;
	s10 =	sld [smem:$0x3FAF];
	_ =	sdelay $0x3  }
0x37: {  	[smem:$0x3FAF] =	sst s10  }
0x38: {  	s10 =	sld [smem:$0x3FB0]  }
0x39: {  	_ = 	snop;
	(pc) =	sbr.ind lr, $3  }
0x3a: {  	_ = 	snop  }
0x3b: {  	_ = 	snop  }
0x3c: {  	p2 =	seq.s32 s10, $0x1;
	s10 =	sld [smem:$0x3FAF]  }
0x3d: {  	_ =	shalt  }
0x3e: {  	_ =	shalt  }
0x3f: {  	_ =	shalt  }
0x40: {  	_ =	shalt  }
0x41: {  	_ =	shalt  }
0x42: {  	_ =	shalt  }
0x43: {  	_ =	shalt  }
0x44: {  	_ =	shalt  }
0x45: {  	_ =	shalt  }
0x46: {  	_ =	shalt  }
0x47: {  	_ =	shalt  }
0x48: {  	_ =	shalt  }
0x49: {  	_ =	shalt  }
0x4a: {  	_ =	shalt  }
0x4b: {  	_ =	shalt  }
0x4c: {  	_ =	shalt  }
0x4d: {  	_ =	shalt  }
0x4e: {  	_ =	shalt  }
0x4f: {  	_ =	shalt  }
0x50: {  	_ =	shalt  }
0x51: {  	_ =	shalt  }
0x52: {  	_ =	shalt  }
0x53: {  	_ =	shalt  }
0x54: {  	_ =	shalt  }
0x55: {  	_ =	shalt  }
0x56: {  	_ =	shalt  }
0x57: {  	_ =	shalt  }
0x58: {  	_ =	shalt  }
0x59: {  	_ =	shalt  }
0x5a: {  	_ =	shalt  }
0x5b: {  	_ =	shalt  }
0x5c: {  	_ =	shalt  }
0x5d: {  	_ =	shalt  }
0x5e: {  	_ =	shalt  }
0x5f: {  	_ =	shalt  }
0x60: {  	_ =	shalt  }
0x61: {  	_ =	shalt  }
0x62: {  	_ =	shalt  }
0x63: {  	_ =	shalt  }
0x64: {  	_ =	shalt  }
0x65: {  	_ =	shalt  }
0x66: {  	_ =	shalt  }
0x67: {  	_ =	shalt  }
0x68: {  	_ =	shalt  }
0x69: {  	_ =	shalt  }
0x6a: {  	_ =	shalt  }
0x6b: {  	_ =	shalt  }
0x6c: {  	_ =	shalt  }
0x6d: {  	_ =	shalt  }
0x6e: {  	_ =	shalt  }
0x6f: {  	_ =	shalt  }
0x70: {  	_ =	shalt  }
0x71: {  	_ =	shalt  }
0x72: {  	_ =	shalt  }
0x73: {  	_ =	shalt  }
0x74: {  	_ =	shalt  }
0x75: {  	_ =	shalt  }
0x76: {  	_ =	shalt  }
0x77: {  	_ =	shalt  }
0x78: {  	_ =	shalt  }
0x79: {  	_ =	shalt  }
0x7a: {  	_ =	shalt  }
0x7b: {  	_ =	shalt  }
0x7c: {  	_ =	shalt  }
0x7d: {  	_ =	shalt  }
0x7e: {  	_ =	shalt  }
0x7f: {  	_ =	shalt  }
0x80: {  	_ =	shalt  }
0x81: {  	_ =	shalt  }
0x82: {  	_ =	shalt  }
0x83: {  	_ =	shalt  }
0x84: {  	_ =	shalt  }
0x85: {  	_ =	shalt  }
0x86: {  	_ =	shalt  }
0x87: {  	_ =	shalt  }
.Lfunc_end0:
.L_simem_size_0:
called_computation.1_lowered:
.L_overlay_start_0:
0x88: {  	s2 =	sld [smem:$0x3FD9]  }
0x89: {  	s3 =	sld [smem:$0x3FFE];
	_ =	sdelay $0x1  }
0x8a: {  	s1 =	srdreg.scid  }
0x8b: {  	s0 =	sand.u32 $0x1, s1  }
0x8c: {  	s16 =	sshll.u32 s0, $0xA;
	s2 =	sadd.s32 s3, s2  }
0x8d: {  	s2 =	sadd.s32 s2, s16  }
0x8e: {  	[smem:$0x3FBB] =	sst s2  }
0x8f: {  	_ = 	snop  }
0x90: {  	(tm) =	ssettm $0x1  }
0x91: {  	s17 =	sld [smem:$0x3FFB];
	_ =	sdelay $0x3  }
0x92: {  	_ =	strace s17  }
0x93: {  	s2 =	sld [smem:$0x3FFC];
	_ =	sdelay $0x3  }
0x94: {  	_ =	strace s2  }
0x95: {  	s2 =	sld [smem:$0x3FFD];
	_ =	sdelay $0x3  }
0x96: {  	_ =	strace s2  }
0x97: {  	_ =	strace $0x8FFFFFFF  }
0x98: {  	s18 =	sld [smem:$0x3FDB];
	_ =	sdelay $0x1  }
0x99: {  	s19 =	simm.s32 $_scs_section_size  }
0x9a: {  	s4 =	simm.s32 $_size__tile_overlayer_lowered;
	s5 =	simm.s32 $_tile_overlayer_lowered  }
0x9b: {  	s22 =	simm.s32 $0x1BFF;
	s21 =	sshll.u32 s5, $0x1;
	s2 =	sadd.s32 s19, s18  }
0x9c: {  	s6 =	simm.s32 $0x0;
	s20 =	sshll.u32 s4, $0x1;
	s4 =	sadd.s32 s21, s2  }
0x9d: {  	[timem:s6], [sflag:s22] =	dma.local [hbm:s4], s20  }
0x9e: {  	_ =	swait.ge [sflag:s22], s20  }
0x9f: {  	s3 =	ssub.s32 $0x0, s20;
	[sflag:s22] =	ssyncset.done $0x0  }
0xa0: {  	[sflag:s22] =	ssyncadd.s32 s3;
	_ =	sdelay $0x1  }
0xa1: {  	s23 =	simm.s32 $0x1B8B  }
0xa2: {  	_ =	swait.ge [sflag:s23], $0x1  }
0xa3: {  	[sflag:s23] =	ssyncset.done $0x0  }
0xa4: {  	s25 =	simm.s32 $0x1B8E;
	s24 =	sld [smem:$0x3FFE];
	[sflag:s23] =	ssyncadd.s32 $0xFFFFFFFF  }
0xa5: {  	s26 =	simm.s32 $execute0_lowered;
	[smem:$0x3FD2] =	sst s25  }
0xa6: {  	s4 =	sshll.u32 s26, $0x1;
	_ =	strace $0x80000049;
	[dreg:$0x1] =	wrdreg $0xFFFFFFFF  }
0xa7: {  	s28 =	simm.s32 $_size_execute0_lowered;
	s2 =	sadd.s32 s2, s4;
	[dreg:$0x0] =	wrdreg $0x0  }
0xa8: {  	s4 =	sshll.u32 s28, $0x1;
	[dreg:$0x2] =	wrdreg s2  }
0xa9: {  	[dreg:$0x3] =	wrdreg s4  }
0xaa: {  	[dreg:$0x4] =	wrdreg $0xC0  }
0xab: {  	_ =	task [dreg:s6], $0x5FFFF  }
0xac: {  	[dreg:$0x1] =	wrdreg $0xFFFFFFFF  }
0xad: {  	[dreg:$0x0] =	wrdreg $0x60  }
0xae: {  	[dreg:$0x2] =	wrdreg s24  }
0xaf: {  	[dreg:$0x3] =	wrdreg $0x75000  }
0xb0: {  	[dreg:$0x4] =	wrdreg $0x9  }
0xb1: {  	_ =	task.clear_ibuf [dreg:s6], $0x5FFFF;
	_ =	strace $0x90000049  }
0xb2: {  	s29 =	simm.s32 $0x9;
	_ =	strace $0x8000004B  }
0xb3: {  	_ =	swait.ge [sflag:s29], $0x1  }
0xb4: {  	[sflag:s29] =	ssyncadd.s32 $0xFFFFFFFF  }
0xb5: {  	_ =	strace $0x9000004B  }
0xb6: {  	_ =	sfence  }
0xb7: {  	s30 =	sld [smem:$0x0];
	_ =	sdelay $0x2  }
0xb8: {  	s31 =	sshll.u32 s1, $0xD;
	s1 =	sshrl.u32 s1, $0x2  }
0xb9: {  	s3 =	sand.u32 $0x4000, s31;
	s1 =	sadd.s32 s1, s30  }
0xba: {  	s0 =	sor.u32 s3, s0;
	s1 =	sshll.u32 s1, $0x11  }
0xbb: {  	s0 =	sor.u32 s1, s0  }
0xbc: {  	s0 =	sadd.s32 $0x8F2B, s0  }
0xbd: {  	[sflag:s0] =	ssyncadd.remote.s32 $0x1  }
0xbe: {  	_ =	sfence.sel $0xFFFF  }
0xbf: {  	[dreg:$0x0] =	wrdreg $0xFFFFFFFF;
	(pc) =	sbr.abs _section_cstart, $3  }
0xc0: {  	[dreg:$0x1] =	wrdreg $0xFFFFFFFF  }
0xc1: {  	_ =	task.clear_ibuf [dreg:s6], $0x2FFFF;
	_ =	strace $0x9FFFFFFF  }
0xc2: {  	(tm) =	ssettm $0x7FFFFFFF  }
0xc3: {  	_ =	shalt  }
tec
execute0_lowered:
.L_overlay_start_1:
0x0: {  	(tag) =	ssettag $0x1  }
0x1: {  	s6 =	rddreg [dreg:$0x0]  }
0x2: {  	s1 =	rddreg [dreg:$0x1]  }
0x3: {  	s3 =	simm.s32 $0x0;
	s4 =	srdreg.scid;
	s2 =	stileid.u32  }
0x4: {  	s24 =	simm.s32 $0x100;
	s25 =	simm.s32 $0x1;
	s26 =	simm.s32 $0x0  }
0x5: {  	[smem:$0x7FF] =	sst s3;
	s18 =	sadd.s32 $0xF400, s6;
	s16 =	sand.u32 $0x1, s4  }
0x6: {  	s7 =	smul.u32 $0x4E000, s2;
	s19 =	sadd.s32 $0x5600, s6;
	s4 =	sadd.s32 $0x19200, s6  }
0x7: {  	s5 =	sadd.s32 $0x67600, s6;
	s6 =	sadd.s32 $0x8E800, s6;
	s21 =	sshll.u32 s2, $0x5  }
0x8: {  	s17 =	smul.u32 $0x2700, s2;
	s13 =	sadd.s32 $0x138000, s1;
	p1 =	sne.s32 s2, $0xF  }
0x9: {  	p2 =	sgt.u32 s2, $0x1;
	p3 =	seq.s32 s2, $0xF;
	_ =	strace $0x8000004A  }
0xa: {  	s8 =	ssub.s32 $0x2, s16;
	s22 =	sshll.u32 s16, $0x4;
	p0 =	seq.s32 s16, $0x1  }
0xb: {  	s23 =	sadd.s32 s21, s18;
	s9 =	sshrl.u32 s8, $0x1;
	s7 =	sshrl.u32 s7, $0x2  }
0xc: {  	s12 =	sor.u32 s22, s21;
	s16 =	sadd.s32 s5, s17;
	s17 =	sadd.s32 s6, s17  }
0xd: {  	s21 =	sadd.s32 s21, s19;
	s20 =	ssub.s32 s8, s9;
	s7 =	sadd.s32 s7, s1  }
.Ltmp0:
0xe: {  	s15 =	sor.u32 $0x9C00, s12;
	s8 =	sadd.s32 $0x3400, s7;
	(pc) =	sbr.rel .LBB2_1-.Ltmp0, $4  }
0xf: {  	s9 =	sadd.s32 $0x6800, s7;
	s10 =	sadd.s32 $0x9C00, s7;
	s11 =	sadd.s32 $0xD000, s7  }
0x10: {  	s12 =	sadd.s32 $0x10400, s7;
	s14 =	sadd.s32 s18, s15;
	s15 =	sadd.s32 s19, s15  }
0x11: {  	s18 =	smax.u32 s20, $0x1;
	s19 =	sadd.s32 s22, s23;
	s20 =	sadd.s32 s22, s21  }
0x12: {  	v0 =	vimm.f32 $0.0e+00;
	s21 =	simm.s32 $0x4100;
	s22 =	simm.s32 $0x2;
	s23 =	simm.s32 $0x80  }
.LBB2_8:
0x13: {  	s0 =	sadd.s32 $0x27000, s29;
	s31 =	sshrl.u32 s13, $0x3  }
0x14: {  	[hbm:s0], [sflag:s28] =	dma.local [spmem:s31], $0x100  }
0x15: {  	_ =	swait.ge [sflag:s22], $0x100  }
0x16: {  	[sflag:s22] =	ssyncset.done $0x0  }
0x17: {  	[sflag:s22] =	ssyncadd.s32 $0xFFFFFF00  }
.LBB2_9:
0x18: {  	s26 =	sadd.s32 $0x1, s26  }
0x19: {  	p4 =	sne.s32 s26, s18  }
.Ltmp1:
0x1a: {  	_ = 	snop;
	(pc) =	sbr.rel @!p4 .LBB2_10-.Ltmp1, $1  }
0x1b: {  	_ =	sdelay $0x3  }
.LBB2_1:
0x1c: {  	s28 =	sand.u32 $0xFE00, s3  }
0x1d: {  	s29 =	sand.u32 $0x70, s3;
	s30 =	sshrl.u32 s28, $0x2  }
0x1e: {  	s28 =	simm.s32 $0x40;
	s30 =	sor.u32 s29, s30;
	s29 =	simm.s32 $0x0  }
.LBB2_2:
0x1f: {  	p4 =	sne.s32 s28, $0xCFC0  }
0x20: {  	[tilespmem:s30+$0x4100] =	vst v0;
	s29 =	sadd.s32 $0x10, s29;
	s30 =	smov.u32 s28;
	s28 =	sadd.s32 $0x40, s28  }
.Ltmp2:
0x21: {  	(pc) =	sbr.rel @p4 .LBB2_2-.Ltmp2, $4  }
0x22: {  	_ = 	snop  }
0x23: {  	s30 =	sand.u32 $0xFE00, s30  }
0x24: {  	s31 =	sand.u32 $0x70, s29;
	s30 =	sshrl.u32 s30, $0x2  }
0x25: {  	s30 =	sor.u32 s31, s30  }
0x26: {  	[tilespmem:s30+$0x4100] =	vst v0  }
0x27: {  	[spmem:s7] =	stream.linear.scatter [tilespmem:s21], [sflag:$0x2], $0x3400, $0x38;
	[tilespmem:$0x1AD80] =	vst v63  }
0x28: {  	_ =	swait.ge [sflag:s22], $0x3400  }
0x29: {  	[sflag:s22] =	ssyncset.done $0x0  }
0x2a: {  	[sflag:s22] =	ssyncadd.s32 $0xFFFFCC00  }
0x2b: {  	[spmem:s8] =	stream.linear.scatter [tilespmem:s21], [sflag:$0x2], $0x3400, $0x38;
	[tilespmem:$0x1AD80] =	vst v63  }
0x2c: {  	_ =	swait.ge [sflag:s22], $0x3400  }
0x2d: {  	[sflag:s22] =	ssyncset.done $0x0  }
0x2e: {  	[sflag:s22] =	ssyncadd.s32 $0xFFFFCC00  }
0x2f: {  	[spmem:s9] =	stream.linear.scatter [tilespmem:s21], [sflag:$0x2], $0x3400, $0x38;
	[tilespmem:$0x1AD80] =	vst v63  }
0x30: {  	_ =	swait.ge [sflag:s22], $0x3400  }
0x31: {  	[sflag:s22] =	ssyncset.done $0x0  }
0x32: {  	[sflag:s22] =	ssyncadd.s32 $0xFFFFCC00  }
0x33: {  	[spmem:s10] =	stream.linear.scatter [tilespmem:s21], [sflag:$0x2], $0x3400, $0x38;
	[tilespmem:$0x1AD80] =	vst v63  }
0x34: {  	_ =	swait.ge [sflag:s22], $0x3400  }
0x35: {  	[sflag:s22] =	ssyncset.done $0x0  }
0x36: {  	[sflag:s22] =	ssyncadd.s32 $0xFFFFCC00  }
0x37: {  	[spmem:s11] =	stream.linear.scatter [tilespmem:s21], [sflag:$0x2], $0x3400, $0x38;
	[tilespmem:$0x1AD80] =	vst v63  }
0x38: {  	_ =	swait.ge [sflag:s22], $0x3400  }
0x39: {  	[sflag:s22] =	ssyncset.done $0x0  }
0x3a: {  	[sflag:s22] =	ssyncadd.s32 $0xFFFFCC00  }
0x3b: {  	[spmem:s12] =	stream.linear.scatter [tilespmem:s21], [sflag:$0x2], $0x3400, $0x38;
	[tilespmem:$0x1AD80] =	vst v63  }
0x3c: {  	_ =	swait.ge [sflag:s22], $0x3400  }
0x3d: {  	[sflag:s22] =	ssyncset.done $0x0  }
0x3e: {  	s28 =	simm.s32 @!p1 $0x4100;
	[sflag:s22] =	ssyncadd.s32 $0xFFFFCC00  }
0x3f: {  	[spmem:s13] =	stream.linear.scatter @!p1 [tilespmem:s28], [sflag:$0x2], $0x800, $0x38;
	[tilespmem:$0x1AD80] =	vst v63  }
0x40: {  	s28 =	simm.s32 @!p1 $0x2  }
0x41: {  	_ =	swait.ge @!p1 [sflag:s28], $0x800  }
0x42: {  	[sflag:s28] =	ssyncset.done @!p1 $0x0  }
0x43: {  	[sflag:s28] =	ssyncadd.s32 @!p1 $0xFFFFF800  }
0x44: {  	s28 =	sadd.s32 $0x0, s19;
	[bflag:$0x0] =	sbarrier.arrive $0xFFFF  }
0x45: {  	[tilespmem:s3], [sflag:$0x2] =	stream.linear.gather [hbm4b:s28+s3], $0x80, $0x38;
	[tilespmem:$0x1AD80] =	vst v63  }
0x46: {  	_ =	swait.ge [sflag:s22], $0x80  }
0x47: {  	[sflag:s22] =	ssyncset.done $0x0  }
0x48: {  	s28 =	sadd.s32 $0x0, s20;
	[sflag:s22] =	ssyncadd.s32 $0xFFFFFF80  }
0x49: {  	[tilespmem:s23], [sflag:$0x2] =	stream.linear.gather [hbm4b:s28+s3], $0x80, $0x38;
	[tilespmem:$0x1AD80] =	vst v63  }
0x4a: {  	_ =	swait.ge [sflag:s22], $0x80  }
0x4b: {  	[sflag:s22] =	ssyncset.done $0x0  }
0x4c: {  	[sflag:s22] =	ssyncadd.s32 $0xFFFFFF80  }
0x4d: {  	[tilespmem:s24], [sflag:$0x1] =	stream.indirect.gather [hbm4b:s4+s23], $0x80, s3, s23, $0xb8;
	[tilespmem:$0x1AD80] =	vst v63  }
0x4e: {  	_ =	swait.ge [sflag:s25], $0x4000  }
0x4f: {  	[sflag:s25] =	ssyncset.done $0x0  }
0x50: {  	[sflag:s25] =	ssyncadd.s32 $0xFFFFC000  }
0x51: {  	[spmem:s1] =	stream.indirect.scatter.add.f32 [tilespmem:s24], [sflag:$0x2], $0x80, s23, s23, $0xb8;
	[tilespmem:$0x1AD80] =	vst v63  }
0x52: {  	_ =	swait.ge [sflag:s22], $0x4000  }
0x53: {  	s29 =	simm.s32 $0x400;
	s28 =	simm.s32 $0x200;
	[sflag:s22] =	ssyncset.done $0x0  }
.LBB2_4:
0x54: {  	s30 =	sadd.s32 s28, s19  }
0x55: {  	[sflag:s22] =	ssyncadd.s32 $0xFFFFC000;
	s31 =	smov.u32 s29;
	s0 =	sadd.s32 $0x200, s29  }
0x56: {  	[tilespmem:s3], [sflag:$0x2] =	stream.linear.gather [hbm4b:s30+s3], $0x80, $0x38;
	[tilespmem:$0x1AD80] =	vst v63  }
0x57: {  	p4 =	sne.s32 s29, $0x9A00;
	_ =	swait.ge [sflag:s22], $0x80  }
0x58: {  	[sflag:s22] =	ssyncset.done $0x0  }
0x59: {  	s29 =	sadd.s32 s28, s20;
	s28 =	smov.u32 s31;
	[sflag:s22] =	ssyncadd.s32 $0xFFFFFF80  }
0x5a: {  	[tilespmem:s23], [sflag:$0x2] =	stream.linear.gather [hbm4b:s29+s3], $0x80, $0x38;
	[tilespmem:$0x1AD80] =	vst v63  }
0x5b: {  	_ =	swait.ge [sflag:s22], $0x80  }
0x5c: {  	[sflag:s22] =	ssyncset.done $0x0  }
0x5d: {  	[sflag:s22] =	ssyncadd.s32 $0xFFFFFF80  }
0x5e: {  	[tilespmem:s24], [sflag:$0x1] =	stream.indirect.gather [hbm4b:s4+s23], $0x80, s3, s23, $0xb8;
	[tilespmem:$0x1AD80] =	vst v63  }
0x5f: {  	_ =	swait.ge [sflag:s25], $0x4000  }
.Ltmp3:
0x60: {  	[sflag:s25] =	ssyncset.done $0x0;
	(pc) =	sbr.rel @p4 .LBB2_4-.Ltmp3, $4  }
0x61: {  	[sflag:s25] =	ssyncadd.s32 $0xFFFFC000  }
0x62: {  	[spmem:s1] =	stream.indirect.scatter.add.f32 [tilespmem:s24], [sflag:$0x2], $0x80, s23, s23, $0xb8;
	[tilespmem:$0x1AD80] =	vst v63  }
0x63: {  	_ =	swait.ge [sflag:s22], $0x4000  }
0x64: {  	s29 =	smov.u32 s0;
	[sflag:s22] =	ssyncset.done $0x0  }
0x65: {  	s0 =	sadd.s32 s28, s19;
	[sflag:s22] =	ssyncadd.s32 $0xFFFFC000  }
0x66: {  	[tilespmem:s3], [sflag:$0x2] =	stream.linear.gather [hbm4b:s0+s3], $0x80, $0x38;
	[tilespmem:$0x1AD80] =	vst v63  }
0x67: {  	_ =	swait.ge [sflag:s22], $0x80  }
0x68: {  	[sflag:s22] =	ssyncset.done $0x0  }
0x69: {  	s31 =	sadd.s32 s28, s20;
	[sflag:s22] =	ssyncadd.s32 $0xFFFFFF80  }
0x6a: {  	[tilespmem:s23], [sflag:$0x2] =	stream.linear.gather [hbm4b:s31+s3], $0x80, $0x38;
	[tilespmem:$0x1AD80] =	vst v63  }
0x6b: {  	_ =	swait.ge [sflag:s22], $0x80  }
0x6c: {  	[sflag:s22] =	ssyncset.done $0x0  }
0x6d: {  	[sflag:s22] =	ssyncadd.s32 $0xFFFFFF80  }
0x6e: {  	[tilespmem:s24], [sflag:$0x1] =	stream.indirect.gather [hbm4b:s4+s23], $0x80, s3, s23, $0xb8;
	[tilespmem:$0x1AD80] =	vst v63  }
0x6f: {  	_ =	swait.ge [sflag:s25], $0x4000  }
0x70: {  	[sflag:s25] =	ssyncset.done $0x0  }
0x71: {  	[sflag:s25] =	ssyncadd.s32 $0xFFFFC000  }
0x72: {  	[spmem:s1] =	stream.indirect.scatter.add.f32 [tilespmem:s24], [sflag:$0x2], $0x80, s23, s23, $0xb8;
	[tilespmem:$0x1AD80] =	vst v63  }
0x73: {  	_ =	swait.ge [sflag:s22], $0x4000  }
0x74: {  	[sflag:s22] =	ssyncset.done $0x0  }
0x75: {  	s28 =	simm.s32 @!p2 $0x2;
	s0 =	simm.s32 @!p2 $0x0;
	[sflag:s22] =	ssyncadd.s32 $0xFFFFC000  }
0x76: {  	[tilespmem:s0], [sflag:$0x2] =	stream.linear.gather @!p2 [hbm4b:s14+s0], $0x80, $0x38;
	[tilespmem:$0x1AD80] =	vst v63  }
0x77: {  	_ =	swait.ge @!p2 [sflag:s28], $0x80  }
0x78: {  	[sflag:s28] =	ssyncset.done @!p2 $0x0  }
0x79: {  	s29 =	simm.s32 @!p2 $0x80;
	[sflag:s28] =	ssyncadd.s32 @!p2 $0xFFFFFF80  }
0x7a: {  	[tilespmem:s29], [sflag:$0x2] =	stream.linear.gather @!p2 [hbm4b:s15+s0], $0x80, $0x38;
	[tilespmem:$0x1AD80] =	vst v63  }
0x7b: {  	_ =	swait.ge @!p2 [sflag:s28], $0x80  }
0x7c: {  	[sflag:s28] =	ssyncset.done @!p2 $0x0  }
0x7d: {  	s30 =	simm.s32 @!p2 $0x100;
	[sflag:s28] =	ssyncadd.s32 @!p2 $0xFFFFFF80  }
0x7e: {  	[tilespmem:s30], [sflag:$0x1] =	stream.indirect.gather @!p2 [hbm4b:s4+s29], $0x80, s0, s29, $0xb8;
	[tilespmem:$0x1AD80] =	vst v63  }
0x7f: {  	s0 =	simm.s32 @!p2 $0x1  }
0x80: {  	_ =	swait.ge @!p2 [sflag:s0], $0x4000  }
0x81: {  	[sflag:s0] =	ssyncset.done @!p2 $0x0  }
0x82: {  	[sflag:s0] =	ssyncadd.s32 @!p2 $0xFFFFC000  }
0x83: {  	[spmem:s1] =	stream.indirect.scatter.add.f32 @!p2 [tilespmem:s30], [sflag:$0x2], $0x80, s29, s29, $0xb8;
	[tilespmem:$0x1AD80] =	vst v63  }
.Ltmp4:
0x84: {  	_ =	swait.ge @!p2 [sflag:s28], $0x4000;
	(pc) =	sbr.rel @!p0 .LBB2_6-.Ltmp4, $4  }
0x85: {  	[sflag:s28] =	ssyncset.done @!p2 $0x0  }
0x86: {  	[sflag:s28] =	ssyncadd.s32 @!p2 $0xFFFFC000  }
0x87: {  	s30 =	sshll.u32 s2, $0x6;
	[bflag:$0x0] =	sbarrier.arrive $0xFFFF  }
0x88: {  	s29 =	sshrl.u32 s7, $0x3;
	s28 =	sor.u32 $0x1C02, s30  }
0x89: {  	s28 =	sor.u32 $0x1C02, s30  }
0x8a: {  	[hbm:s17], [sflag:s28] =	dma.local [spmem:s29], $0x2700  }
.Ltmp5:
0x8b: {  	_ = 	snop;
	(pc) =	sbr.rel @p1 .LBB2_9-.Ltmp5, $4  }
.Ltmp6:
0x8c: {  	_ = 	snop;
	(pc) =	sbr.rel @!p1 .LBB2_8-.Ltmp6, $4  }
0x8d: {  	_ =	swait.ge [sflag:s22], $0x2700  }
0x8e: {  	[sflag:s22] =	ssyncset.done $0x0  }
0x8f: {  	s29 =	smov.u32 s6;
	[sflag:s22] =	ssyncadd.s32 $0xFFFFD900  }
0x90: {  	_ = 	snop  }
.LBB2_6:
0x91: {  	[hbm:s16], [sflag:s28] =	dma.local [spmem:s29], $0x2700  }
.Ltmp7:
0x92: {  	_ = 	snop;
	(pc) =	sbr.rel @p3 .LBB2_8-.Ltmp7, $4  }
.Ltmp8:
0x93: {  	_ = 	snop;
	(pc) =	sbr.rel @!p3 .LBB2_9-.Ltmp8, $4  }
0x94: {  	_ =	swait.ge [sflag:s22], $0x2700  }
0x95: {  	[sflag:s22] =	ssyncset.done $0x0  }
0x96: {  	s29 =	smov.u32 s5;
	[sflag:s22] =	ssyncadd.s32 $0xFFFFD900  }
0x97: {  	_ = 	snop  }
.LBB2_10:
0x98: {  	_ =	sfence.sel $0x180000  }
0x99: {  	[bflag:$0x0] =	sbarrier.arrive $0xFFFF  }
0x9a: {  	_ =	strace $0x9000004A  }
0x9b: {  	[bflag:$0x2] =	sbarrier.arrive $0xFFFF  }
0x9c: {  	p0 =	sne.s32 s2, $0x0;
	s0 =	rddreg [dreg:$0x2]  }
0x9d: {  	s0 =	sadd.s32 @!p0 $0x100000, s0  }
0x9e: {  	[sflag:s0] =	ssyncadd.tile.s32 @!p0 $0x1;
	_ =	shalt  }
.Lfunc_end2:
_tile_overlayer_lowered:
.L_overlay_start_2:
0x9f: {  	(tag) =	ssettag $0x2  }
0xa0: {  	s0 =	rddreg [dreg:$0x0];
	s2 =	stileid.u32  }
0xa1: {  	s1 =	rddreg [dreg:$0x1];
	p0 =	sne.s32 s2, $0x0  }
0xa2: {  	s3 =	rddreg [dreg:$0x2];
	[bflag:$0x3] =	sbarrier.arrive $0xFFFF;
	s2 =	simm.s32 @!p0 $0x1C02  }
0xa3: {  	[timem:s3], [sflag:s2] =	dma.local @!p0 [hbm:s0], s1  }
0xa4: {  	s0 =	simm.s32 @!p0 $0x2  }
0xa5: {  	_ =	swait.ge @!p0 [sflag:s0], s1  }
0xa6: {  	s1 =	ssub.s32 @!p0 $0x0, s1;
	[sflag:s0] =	ssyncset.done @!p0 $0x0  }
0xa7: {  	[sflag:s0] =	ssyncadd.s32 @!p0 s1  }
0xa8: {  	[bflag:$0x3] =	sbarrier.arrive $0xFFFF  }
0xa9: {  	_ =	shalt  }

// kernel: kernel.15.cloned.1.call-start
scs
__scs_entry_jumppad:
0x0: {  	(pc) =	sbr.rel $0x88, $3  }
0x1: {  	(tag) =	ssettag $0x0;
	lr =	simm.s32 $0x1  }
0x2: {  	[smem:$0x3F94] =	sst lr;
	_ =	strace $0xD0000000  }
0x3: {  	_ = 	snop  }
0x4: {  	_ = 	snop  }
0x5: {  	_ = 	snop  }
0x6: {  	_ = 	snop  }
0x7: {  	_ = 	snop  }
__scs_overlays_trampoline_lowered:
0x8: {  	[smem:$0x3FA3] =	sst s0  }
0x9: {  	[smem:$0x3FA4] =	sst s1  }
0xa: {  	[smem:$0x3FA5] =	sst s2  }
0xb: {  	[smem:$0x3FA6] =	sst s3  }
0xc: {  	[smem:$0x3FA7] =	sst s4  }
0xd: {  	[smem:$0x3FA8] =	sst s5  }
0xe: {  	[smem:$0x3FA9] =	sst s6  }
0xf: {  	[smem:$0x3FAA] =	sst s7  }
0x10: {  	[smem:$0x3FAB] =	sst s8  }
0x11: {  	[smem:$0x3FAC] =	sst s9;
	s0 =	simm.s32 @!p0 $0x0  }
0x12: {  	s1 =	sld [smem:$0x3F92];
	s0 =	simm.s32 @p0 $0x1  }
0x13: {  	[smem:$0x3FAD] =	sst s0;
	s0 =	simm.s32 @!p1 $0x0  }
0x14: {  	s2 =	sld [smem:$0x3F91];
	s0 =	simm.s32 @p1 $0x1  }
0x15: {  	[smem:$0x3FAE] =	sst s0;
	s0 =	simm.s32 @!p2 $0x0  }
0x16: {  	s3 =	sld [smem:$0x3FDB];
	s0 =	simm.s32 @p2 $0x1  }
0x17: {  	s4 =	simm.s32 $0x1BF5;
	[smem:$0x3FB0] =	sst s0  }
0x18: {  	s0 =	sld [smem:$0x3F93];
	_ =	swait.ge [sflag:s4], $0x0  }
0x19: {  	s7 =	sld [smem:$0x3F94]  }
0x1a: {  	s8 =	sadd.s32 $0xFFFFE003, lr  }
0x1b: {  	s9 =	sadd.s32 $0xFFFFFEF7, lr;
	s5 =	simm.s32 $0xFFFFFFFF;
	p2 =	slt.u32 s8, $0xFFFFF086  }
0x1c: {  	p1 =	slt.u32 s9, $0xF7A;
	s5 =	simm.s32 @!p2 $0x0  }
0x1d: {  	s5 =	simm.s32 @p1 $0x1;
	p0 =	seq.s32 s7, s2  }
0x1e: {  	s7 =	smul.u32 @!p0 $0xF7A, s2;
	p2 =	seq.s32 @!p0 s5, $0x0  }
0x1f: {  	s9 =	smul.u32 $0xF7A, s1;
	s8 =	simm.s32 @!p0 $0x1BF5;
	p2 =	por !p2, p0  }
0x20: {  	[sflag:s8] =	ssyncset.s32 @!p0 $0xFFFFF086;
	s6 =	sadd.s32 @!p0 s3, s7;
	s7 =	simm.s32 @!p0 $0x108  }
0x21: {  	s3 =	sadd.s32 s3, s9;
	s6 =	sadd.s32 @!p0 $0x88, s6;
	s7 =	simm.s32 @p2 $0x1082  }
0x22: {  	[simem:s7], [sflag:s8] =	dma.local @!p0 [hbm:s6], $0xF7A  }
0x23: {  	s9 =	sor.u32 $0xD0000000, s2;
	s6 =	simm.s32 $0x108;
	_ =	swait.ge @!p0 [sflag:s8], $0x0  }
0x24: {  	s3 =	sadd.s32 $0x88, s3;
	s6 =	simm.s32 @!p1 $0x1082;
	[sflag:s4] =	ssyncset.s32 $0xFFFFF086  }
0x25: {  	[simem:s6], [sflag:s4] =	dma.local [hbm:s3], $0xF7A  }
0x26: {  	[smem:$0x3F94] =	sst s1;
	(tag) =	ssettag s2;
	_ =	strace s9  }
0x27: {  	s1 =	sld [smem:$0x3FA4]  }
0x28: {  	s2 =	sld [smem:$0x3FA5]  }
0x29: {  	s4 =	sld [smem:$0x3FA7]  }
0x2a: {  	p0 =	seq.s32 s5, $0x0;
	s5 =	sld [smem:$0x3FA8]  }
0x2b: {  	s6 =	sld [smem:$0x3FA9]  }
0x2c: {  	s7 =	sld [smem:$0x3FAA]  }
0x2d: {  	s3 =	simm.s32 $0x108;
	s8 =	sld [smem:$0x3FAB]  }
0x2e: {  	s3 =	simm.s32 @!p0 $0x1082;
	s9 =	sld [smem:$0x3FAC]  }
0x2f: {  	lr =	sadd.s32 s0, s3;
	s0 =	sld [smem:$0x3FA3]  }
0x30: {  	s3 =	sld [smem:$0x3FA6]  }
0x31: {  	[smem:$0x3FAF] =	sst s10  }
0x32: {  	s10 =	sld [smem:$0x3FAD];
	_ =	sdelay $0x3  }
0x33: {  	p0 =	seq.s32 s10, $0x1;
	s10 =	sld [smem:$0x3FAF];
	_ =	sdelay $0x3  }
0x34: {  	[smem:$0x3FAF] =	sst s10  }
0x35: {  	s10 =	sld [smem:$0x3FAE];
	_ =	sdelay $0x3  }
0x36: {  	p1 =	seq.s32 s10, $0x1;
	s10 =	sld [smem:$0x3FAF];
	_ =	sdelay $0x3  }
0x37: {  	[smem:$0x3FAF] =	sst s10  }
0x38: {  	s10 =	sld [smem:$0x3FB0]  }
0x39: {  	_ = 	snop;
	(pc) =	sbr.ind lr, $3  }
0x3a: {  	_ = 	snop  }
0x3b: {  	_ = 	snop  }
0x3c: {  	p2 =	seq.s32 s10, $0x1;
	s10 =	sld [smem:$0x3FAF]  }
0x3d: {  	_ =	shalt  }
0x3e: {  	_ =	shalt  }
0x3f: {  	_ =	shalt  }
0x40: {  	_ =	shalt  }
0x41: {  	_ =	shalt  }
0x42: {  	_ =	shalt  }
0x43: {  	_ =	shalt  }
0x44: {  	_ =	shalt  }
0x45: {  	_ =	shalt  }
0x46: {  	_ =	shalt  }
0x47: {  	_ =	shalt  }
0x48: {  	_ =	shalt  }
0x49: {  	_ =	shalt  }
0x4a: {  	_ =	shalt  }
0x4b: {  	_ =	shalt  }
0x4c: {  	_ =	shalt  }
0x4d: {  	_ =	shalt  }
0x4e: {  	_ =	shalt  }
0x4f: {  	_ =	shalt  }
0x50: {  	_ =	shalt  }
0x51: {  	_ =	shalt  }
0x52: {  	_ =	shalt  }
0x53: {  	_ =	shalt  }
0x54: {  	_ =	shalt  }
0x55: {  	_ =	shalt  }
0x56: {  	_ =	shalt  }
0x57: {  	_ =	shalt  }
0x58: {  	_ =	shalt  }
0x59: {  	_ =	shalt  }
0x5a: {  	_ =	shalt  }
0x5b: {  	_ =	shalt  }
0x5c: {  	_ =	shalt  }
0x5d: {  	_ =	shalt  }
0x5e: {  	_ =	shalt  }
0x5f: {  	_ =	shalt  }
0x60: {  	_ =	shalt  }
0x61: {  	_ =	shalt  }
0x62: {  	_ =	shalt  }
0x63: {  	_ =	shalt  }
0x64: {  	_ =	shalt  }
0x65: {  	_ =	shalt  }
0x66: {  	_ =	shalt  }
0x67: {  	_ =	shalt  }
0x68: {  	_ =	shalt  }
0x69: {  	_ =	shalt  }
0x6a: {  	_ =	shalt  }
0x6b: {  	_ =	shalt  }
0x6c: {  	_ =	shalt  }
0x6d: {  	_ =	shalt  }
0x6e: {  	_ =	shalt  }
0x6f: {  	_ =	shalt  }
0x70: {  	_ =	shalt  }
0x71: {  	_ =	shalt  }
0x72: {  	_ =	shalt  }
0x73: {  	_ =	shalt  }
0x74: {  	_ =	shalt  }
0x75: {  	_ =	shalt  }
0x76: {  	_ =	shalt  }
0x77: {  	_ =	shalt  }
0x78: {  	_ =	shalt  }
0x79: {  	_ =	shalt  }
0x7a: {  	_ =	shalt  }
0x7b: {  	_ =	shalt  }
0x7c: {  	_ =	shalt  }
0x7d: {  	_ =	shalt  }
0x7e: {  	_ =	shalt  }
0x7f: {  	_ =	shalt  }
0x80: {  	_ =	shalt  }
0x81: {  	_ =	shalt  }
0x82: {  	_ =	shalt  }
0x83: {  	_ =	shalt  }
0x84: {  	_ =	shalt  }
0x85: {  	_ =	shalt  }
0x86: {  	_ =	shalt  }
0x87: {  	_ =	shalt  }
.Lfunc_end0:
.L_simem_size_0:
called_computation.2_lowered:
.L_overlay_start_0:
0x88: {  	s2 =	sld [smem:$0x3FD9]  }
0x89: {  	s3 =	sld [smem:$0x3FFE];
	_ =	sdelay $0x1  }
0x8a: {  	s1 =	srdreg.scid  }
0x8b: {  	s0 =	sand.u32 $0x1, s1  }
0x8c: {  	s16 =	sshll.u32 s0, $0xA;
	s2 =	sadd.s32 s3, s2  }
0x8d: {  	s2 =	sadd.s32 s2, s16  }
0x8e: {  	[smem:$0x3FBB] =	sst s2  }
0x8f: {  	_ = 	snop  }
0x90: {  	(tm) =	ssettm $0x1  }
0x91: {  	s17 =	sld [smem:$0x3FFB];
	_ =	sdelay $0x3  }
0x92: {  	_ =	strace s17  }
0x93: {  	s2 =	sld [smem:$0x3FFC];
	_ =	sdelay $0x3  }
0x94: {  	_ =	strace s2  }
0x95: {  	s2 =	sld [smem:$0x3FFD];
	_ =	sdelay $0x3  }
0x96: {  	_ =	strace s2  }
0x97: {  	_ =	strace $0x8FFFFFFF  }
0x98: {  	s18 =	sld [smem:$0x3FDB];
	_ =	sdelay $0x1  }
0x99: {  	s19 =	simm.s32 $_scs_section_size  }
0x9a: {  	s4 =	simm.s32 $_size__tile_overlayer_lowered;
	s5 =	simm.s32 $_tile_overlayer_lowered  }
0x9b: {  	s22 =	simm.s32 $0x1BFF;
	s21 =	sshll.u32 s5, $0x1;
	s2 =	sadd.s32 s19, s18  }
0x9c: {  	s6 =	simm.s32 $0x0;
	s20 =	sshll.u32 s4, $0x1;
	s4 =	sadd.s32 s21, s2  }
0x9d: {  	[timem:s6], [sflag:s22] =	dma.local [hbm:s4], s20  }
0x9e: {  	_ =	swait.ge [sflag:s22], s20  }
0x9f: {  	s3 =	ssub.s32 $0x0, s20;
	[sflag:s22] =	ssyncset.done $0x0  }
0xa0: {  	[sflag:s22] =	ssyncadd.s32 s3;
	_ =	sdelay $0x1  }
0xa1: {  	s23 =	simm.s32 $0x1B8B  }
0xa2: {  	_ =	swait.ge [sflag:s23], $0x1  }
0xa3: {  	[sflag:s23] =	ssyncset.done $0x0  }
0xa4: {  	s25 =	simm.s32 $0x1B8E;
	s24 =	sld [smem:$0x3FFE];
	[sflag:s23] =	ssyncadd.s32 $0xFFFFFFFF  }
0xa5: {  	s26 =	simm.s32 $execute0_lowered;
	[smem:$0x3FD2] =	sst s25  }
0xa6: {  	s4 =	sshll.u32 s26, $0x1;
	_ =	strace $0x8000004C;
	[dreg:$0x1] =	wrdreg $0xFFFFFFFF  }
0xa7: {  	s28 =	simm.s32 $_size_execute0_lowered;
	s2 =	sadd.s32 s2, s4;
	[dreg:$0x0] =	wrdreg $0x0  }
0xa8: {  	s4 =	sshll.u32 s28, $0x1;
	[dreg:$0x2] =	wrdreg s2  }
0xa9: {  	[dreg:$0x3] =	wrdreg s4  }
0xaa: {  	[dreg:$0x4] =	wrdreg $0xC0  }
0xab: {  	_ =	task [dreg:s6], $0x5FFFF  }
0xac: {  	[dreg:$0x1] =	wrdreg $0xFFFFFFFF  }
0xad: {  	[dreg:$0x0] =	wrdreg $0x60  }
0xae: {  	[dreg:$0x2] =	wrdreg s24  }
0xaf: {  	[dreg:$0x3] =	wrdreg $0x75000  }
0xb0: {  	[dreg:$0x4] =	wrdreg $0x9  }
0xb1: {  	_ =	task.clear_ibuf [dreg:s6], $0x5FFFF;
	_ =	strace $0x9000004C  }
0xb2: {  	s29 =	simm.s32 $0x9;
	_ =	strace $0x8000004E  }
0xb3: {  	_ =	swait.ge [sflag:s29], $0x1  }
0xb4: {  	[sflag:s29] =	ssyncadd.s32 $0xFFFFFFFF  }
0xb5: {  	_ =	strace $0x9000004E  }
0xb6: {  	_ =	sfence  }
0xb7: {  	s30 =	sld [smem:$0x0];
	_ =	sdelay $0x2  }
0xb8: {  	s31 =	sshll.u32 s1, $0xD;
	s1 =	sshrl.u32 s1, $0x2  }
0xb9: {  	s3 =	sand.u32 $0x4000, s31;
	s1 =	sadd.s32 s1, s30  }
0xba: {  	s0 =	sor.u32 s3, s0;
	s1 =	sshll.u32 s1, $0x11  }
0xbb: {  	s0 =	sor.u32 s1, s0  }
0xbc: {  	s0 =	sadd.s32 $0x8F2B, s0  }
0xbd: {  	[sflag:s0] =	ssyncadd.remote.s32 $0x1  }
0xbe: {  	_ =	sfence.sel $0xFFFF  }
0xbf: {  	[dreg:$0x0] =	wrdreg $0xFFFFFFFF;
	(pc) =	sbr.abs _section_cstart, $3  }
0xc0: {  	[dreg:$0x1] =	wrdreg $0xFFFFFFFF  }
0xc1: {  	_ =	task.clear_ibuf [dreg:s6], $0x2FFFF;
	_ =	strace $0x9FFFFFFF  }
0xc2: {  	(tm) =	ssettm $0x7FFFFFFF  }
0xc3: {  	_ =	shalt  }
tec
execute0_lowered:
.L_overlay_start_1:
0x0: {  	(tag) =	ssettag $0x1  }
0x1: {  	s6 =	rddreg [dreg:$0x0]  }
0x2: {  	s1 =	rddreg [dreg:$0x1]  }
0x3: {  	s3 =	simm.s32 $0x0;
	s4 =	srdreg.scid;
	s2 =	stileid.u32  }
0x4: {  	s24 =	simm.s32 $0x100;
	s25 =	simm.s32 $0x1;
	s26 =	simm.s32 $0x0  }
0x5: {  	[smem:$0x7FF] =	sst s3;
	s18 =	sadd.s32 $0xF400, s6;
	s16 =	sand.u32 $0x1, s4  }
0x6: {  	s7 =	smul.u32 $0x4E000, s2;
	s19 =	sadd.s32 $0x5600, s6;
	s4 =	sadd.s32 $0x19200, s6  }
0x7: {  	s5 =	sadd.s32 $0x67600, s6;
	s6 =	sadd.s32 $0x8E800, s6;
	s21 =	sshll.u32 s2, $0x5  }
0x8: {  	s17 =	smul.u32 $0x2700, s2;
	s13 =	sadd.s32 $0x138000, s1;
	p1 =	sne.s32 s2, $0xF  }
0x9: {  	p2 =	sgt.u32 s2, $0x1;
	p3 =	seq.s32 s2, $0xF;
	_ =	strace $0x8000004D  }
0xa: {  	s8 =	ssub.s32 $0x2, s16;
	s22 =	sshll.u32 s16, $0x4;
	p0 =	seq.s32 s16, $0x1  }
0xb: {  	s23 =	sadd.s32 s21, s18;
	s9 =	sshrl.u32 s8, $0x1;
	s7 =	sshrl.u32 s7, $0x2  }
0xc: {  	s12 =	sor.u32 s22, s21;
	s16 =	sadd.s32 s5, s17;
	s17 =	sadd.s32 s6, s17  }
0xd: {  	s21 =	sadd.s32 s21, s19;
	s20 =	ssub.s32 s8, s9;
	s7 =	sadd.s32 s7, s1  }
.Ltmp0:
0xe: {  	s15 =	sor.u32 $0x9C00, s12;
	s8 =	sadd.s32 $0x3400, s7;
	(pc) =	sbr.rel .LBB2_1-.Ltmp0, $4  }
0xf: {  	s9 =	sadd.s32 $0x6800, s7;
	s10 =	sadd.s32 $0x9C00, s7;
	s11 =	sadd.s32 $0xD000, s7  }
0x10: {  	s12 =	sadd.s32 $0x10400, s7;
	s14 =	sadd.s32 s18, s15;
	s15 =	sadd.s32 s19, s15  }
0x11: {  	s18 =	smax.u32 s20, $0x1;
	s19 =	sadd.s32 s22, s23;
	s20 =	sadd.s32 s22, s21  }
0x12: {  	v0 =	vimm.f32 $0.0e+00;
	s21 =	simm.s32 $0x4100;
	s22 =	simm.s32 $0x2;
	s23 =	simm.s32 $0x80  }
.LBB2_8:
0x13: {  	s0 =	sadd.s32 $0x27000, s29;
	s31 =	sshrl.u32 s13, $0x3  }
0x14: {  	[hbm:s0], [sflag:s28] =	dma.local [spmem:s31], $0x100  }
0x15: {  	_ =	swait.ge [sflag:s22], $0x100  }
0x16: {  	[sflag:s22] =	ssyncset.done $0x0  }
0x17: {  	[sflag:s22] =	ssyncadd.s32 $0xFFFFFF00  }
.LBB2_9:
0x18: {  	s26 =	sadd.s32 $0x1, s26  }
0x19: {  	p4 =	sne.s32 s26, s18  }
.Ltmp1:
0x1a: {  	_ = 	snop;
	(pc) =	sbr.rel @!p4 .LBB2_10-.Ltmp1, $1  }
0x1b: {  	_ =	sdelay $0x3  }
.LBB2_1:
0x1c: {  	s28 =	sand.u32 $0xFE00, s3  }
0x1d: {  	s29 =	sand.u32 $0x70, s3;
	s30 =	sshrl.u32 s28, $0x2  }
0x1e: {  	s28 =	simm.s32 $0x40;
	s30 =	sor.u32 s29, s30;
	s29 =	simm.s32 $0x0  }
.LBB2_2:
0x1f: {  	p4 =	sne.s32 s28, $0xCFC0  }
0x20: {  	[tilespmem:s30+$0x4100] =	vst v0;
	s29 =	sadd.s32 $0x10, s29;
	s30 =	smov.u32 s28;
	s28 =	sadd.s32 $0x40, s28  }
.Ltmp2:
0x21: {  	(pc) =	sbr.rel @p4 .LBB2_2-.Ltmp2, $4  }
0x22: {  	_ = 	snop  }
0x23: {  	s30 =	sand.u32 $0xFE00, s30  }
0x24: {  	s31 =	sand.u32 $0x70, s29;
	s30 =	sshrl.u32 s30, $0x2  }
0x25: {  	s30 =	sor.u32 s31, s30  }
0x26: {  	[tilespmem:s30+$0x4100] =	vst v0  }
0x27: {  	[spmem:s7] =	stream.linear.scatter [tilespmem:s21], [sflag:$0x2], $0x3400, $0x38;
	[tilespmem:$0x1AD80] =	vst v63  }
0x28: {  	_ =	swait.ge [sflag:s22], $0x3400  }
0x29: {  	[sflag:s22] =	ssyncset.done $0x0  }
0x2a: {  	[sflag:s22] =	ssyncadd.s32 $0xFFFFCC00  }
0x2b: {  	[spmem:s8] =	stream.linear.scatter [tilespmem:s21], [sflag:$0x2], $0x3400, $0x38;
	[tilespmem:$0x1AD80] =	vst v63  }
0x2c: {  	_ =	swait.ge [sflag:s22], $0x3400  }
0x2d: {  	[sflag:s22] =	ssyncset.done $0x0  }
0x2e: {  	[sflag:s22] =	ssyncadd.s32 $0xFFFFCC00  }
0x2f: {  	[spmem:s9] =	stream.linear.scatter [tilespmem:s21], [sflag:$0x2], $0x3400, $0x38;
	[tilespmem:$0x1AD80] =	vst v63  }
0x30: {  	_ =	swait.ge [sflag:s22], $0x3400  }
0x31: {  	[sflag:s22] =	ssyncset.done $0x0  }
0x32: {  	[sflag:s22] =	ssyncadd.s32 $0xFFFFCC00  }
0x33: {  	[spmem:s10] =	stream.linear.scatter [tilespmem:s21], [sflag:$0x2], $0x3400, $0x38;
	[tilespmem:$0x1AD80] =	vst v63  }
0x34: {  	_ =	swait.ge [sflag:s22], $0x3400  }
0x35: {  	[sflag:s22] =	ssyncset.done $0x0  }
0x36: {  	[sflag:s22] =	ssyncadd.s32 $0xFFFFCC00  }
0x37: {  	[spmem:s11] =	stream.linear.scatter [tilespmem:s21], [sflag:$0x2], $0x3400, $0x38;
	[tilespmem:$0x1AD80] =	vst v63  }
0x38: {  	_ =	swait.ge [sflag:s22], $0x3400  }
0x39: {  	[sflag:s22] =	ssyncset.done $0x0  }
0x3a: {  	[sflag:s22] =	ssyncadd.s32 $0xFFFFCC00  }
0x3b: {  	[spmem:s12] =	stream.linear.scatter [tilespmem:s21], [sflag:$0x2], $0x3400, $0x38;
	[tilespmem:$0x1AD80] =	vst v63  }
0x3c: {  	_ =	swait.ge [sflag:s22], $0x3400  }
0x3d: {  	[sflag:s22] =	ssyncset.done $0x0  }
0x3e: {  	s28 =	simm.s32 @!p1 $0x4100;
	[sflag:s22] =	ssyncadd.s32 $0xFFFFCC00  }
0x3f: {  	[spmem:s13] =	stream.linear.scatter @!p1 [tilespmem:s28], [sflag:$0x2], $0x800, $0x38;
	[tilespmem:$0x1AD80] =	vst v63  }
0x40: {  	s28 =	simm.s32 @!p1 $0x2  }
0x41: {  	_ =	swait.ge @!p1 [sflag:s28], $0x800  }
0x42: {  	[sflag:s28] =	ssyncset.done @!p1 $0x0  }
0x43: {  	[sflag:s28] =	ssyncadd.s32 @!p1 $0xFFFFF800  }
0x44: {  	s28 =	sadd.s32 $0x0, s19;
	[bflag:$0x0] =	sbarrier.arrive $0xFFFF  }
0x45: {  	[tilespmem:s3], [sflag:$0x2] =	stream.linear.gather [hbm4b:s28+s3], $0x80, $0x38;
	[tilespmem:$0x1AD80] =	vst v63  }
0x46: {  	_ =	swait.ge [sflag:s22], $0x80  }
0x47: {  	[sflag:s22] =	ssyncset.done $0x0  }
0x48: {  	s28 =	sadd.s32 $0x0, s20;
	[sflag:s22] =	ssyncadd.s32 $0xFFFFFF80  }
0x49: {  	[tilespmem:s23], [sflag:$0x2] =	stream.linear.gather [hbm4b:s28+s3], $0x80, $0x38;
	[tilespmem:$0x1AD80] =	vst v63  }
0x4a: {  	_ =	swait.ge [sflag:s22], $0x80  }
0x4b: {  	[sflag:s22] =	ssyncset.done $0x0  }
0x4c: {  	[sflag:s22] =	ssyncadd.s32 $0xFFFFFF80  }
0x4d: {  	[tilespmem:s24], [sflag:$0x1] =	stream.indirect.gather [hbm4b:s4+s23], $0x80, s3, s23, $0xb8;
	[tilespmem:$0x1AD80] =	vst v63  }
0x4e: {  	_ =	swait.ge [sflag:s25], $0x4000  }
0x4f: {  	[sflag:s25] =	ssyncset.done $0x0  }
0x50: {  	[sflag:s25] =	ssyncadd.s32 $0xFFFFC000  }
0x51: {  	[spmem:s1] =	stream.indirect.scatter.add.f32 [tilespmem:s24], [sflag:$0x2], $0x80, s23, s23, $0xb8;
	[tilespmem:$0x1AD80] =	vst v63  }
0x52: {  	_ =	swait.ge [sflag:s22], $0x4000  }
0x53: {  	s29 =	simm.s32 $0x400;
	s28 =	simm.s32 $0x200;
	[sflag:s22] =	ssyncset.done $0x0  }
.LBB2_4:
0x54: {  	s30 =	sadd.s32 s28, s19  }
0x55: {  	[sflag:s22] =	ssyncadd.s32 $0xFFFFC000;
	s31 =	smov.u32 s29;
	s0 =	sadd.s32 $0x200, s29  }
0x56: {  	[tilespmem:s3], [sflag:$0x2] =	stream.linear.gather [hbm4b:s30+s3], $0x80, $0x38;
	[tilespmem:$0x1AD80] =	vst v63  }
0x57: {  	p4 =	sne.s32 s29, $0x9A00;
	_ =	swait.ge [sflag:s22], $0x80  }
0x58: {  	[sflag:s22] =	ssyncset.done $0x0  }
0x59: {  	s29 =	sadd.s32 s28, s20;
	s28 =	smov.u32 s31;
	[sflag:s22] =	ssyncadd.s32 $0xFFFFFF80  }
0x5a: {  	[tilespmem:s23], [sflag:$0x2] =	stream.linear.gather [hbm4b:s29+s3], $0x80, $0x38;
	[tilespmem:$0x1AD80] =	vst v63  }
0x5b: {  	_ =	swait.ge [sflag:s22], $0x80  }
0x5c: {  	[sflag:s22] =	ssyncset.done $0x0  }
0x5d: {  	[sflag:s22] =	ssyncadd.s32 $0xFFFFFF80  }
0x5e: {  	[tilespmem:s24], [sflag:$0x1] =	stream.indirect.gather [hbm4b:s4+s23], $0x80, s3, s23, $0xb8;
	[tilespmem:$0x1AD80] =	vst v63  }
0x5f: {  	_ =	swait.ge [sflag:s25], $0x4000  }
.Ltmp3:
0x60: {  	[sflag:s25] =	ssyncset.done $0x0;
	(pc) =	sbr.rel @p4 .LBB2_4-.Ltmp3, $4  }
0x61: {  	[sflag:s25] =	ssyncadd.s32 $0xFFFFC000  }
0x62: {  	[spmem:s1] =	stream.indirect.scatter.add.f32 [tilespmem:s24], [sflag:$0x2], $0x80, s23, s23, $0xb8;
	[tilespmem:$0x1AD80] =	vst v63  }
0x63: {  	_ =	swait.ge [sflag:s22], $0x4000  }
0x64: {  	s29 =	smov.u32 s0;
	[sflag:s22] =	ssyncset.done $0x0  }
0x65: {  	s0 =	sadd.s32 s28, s19;
	[sflag:s22] =	ssyncadd.s32 $0xFFFFC000  }
0x66: {  	[tilespmem:s3], [sflag:$0x2] =	stream.linear.gather [hbm4b:s0+s3], $0x80, $0x38;
	[tilespmem:$0x1AD80] =	vst v63  }
0x67: {  	_ =	swait.ge [sflag:s22], $0x80  }
0x68: {  	[sflag:s22] =	ssyncset.done $0x0  }
0x69: {  	s31 =	sadd.s32 s28, s20;
	[sflag:s22] =	ssyncadd.s32 $0xFFFFFF80  }
0x6a: {  	[tilespmem:s23], [sflag:$0x2] =	stream.linear.gather [hbm4b:s31+s3], $0x80, $0x38;
	[tilespmem:$0x1AD80] =	vst v63  }
0x6b: {  	_ =	swait.ge [sflag:s22], $0x80  }
0x6c: {  	[sflag:s22] =	ssyncset.done $0x0  }
0x6d: {  	[sflag:s22] =	ssyncadd.s32 $0xFFFFFF80  }
0x6e: {  	[tilespmem:s24], [sflag:$0x1] =	stream.indirect.gather [hbm4b:s4+s23], $0x80, s3, s23, $0xb8;
	[tilespmem:$0x1AD80] =	vst v63  }
0x6f: {  	_ =	swait.ge [sflag:s25], $0x4000  }
0x70: {  	[sflag:s25] =	ssyncset.done $0x0  }
0x71: {  	[sflag:s25] =	ssyncadd.s32 $0xFFFFC000  }
0x72: {  	[spmem:s1] =	stream.indirect.scatter.add.f32 [tilespmem:s24], [sflag:$0x2], $0x80, s23, s23, $0xb8;
	[tilespmem:$0x1AD80] =	vst v63  }
0x73: {  	_ =	swait.ge [sflag:s22], $0x4000  }
0x74: {  	[sflag:s22] =	ssyncset.done $0x0  }
0x75: {  	s28 =	simm.s32 @!p2 $0x2;
	s0 =	simm.s32 @!p2 $0x0;
	[sflag:s22] =	ssyncadd.s32 $0xFFFFC000  }
0x76: {  	[tilespmem:s0], [sflag:$0x2] =	stream.linear.gather @!p2 [hbm4b:s14+s0], $0x80, $0x38;
	[tilespmem:$0x1AD80] =	vst v63  }
0x77: {  	_ =	swait.ge @!p2 [sflag:s28], $0x80  }
0x78: {  	[sflag:s28] =	ssyncset.done @!p2 $0x0  }
0x79: {  	s29 =	simm.s32 @!p2 $0x80;
	[sflag:s28] =	ssyncadd.s32 @!p2 $0xFFFFFF80  }
0x7a: {  	[tilespmem:s29], [sflag:$0x2] =	stream.linear.gather @!p2 [hbm4b:s15+s0], $0x80, $0x38;
	[tilespmem:$0x1AD80] =	vst v63  }
0x7b: {  	_ =	swait.ge @!p2 [sflag:s28], $0x80  }
0x7c: {  	[sflag:s28] =	ssyncset.done @!p2 $0x0  }
0x7d: {  	s30 =	simm.s32 @!p2 $0x100;
	[sflag:s28] =	ssyncadd.s32 @!p2 $0xFFFFFF80  }
0x7e: {  	[tilespmem:s30], [sflag:$0x1] =	stream.indirect.gather @!p2 [hbm4b:s4+s29], $0x80, s0, s29, $0xb8;
	[tilespmem:$0x1AD80] =	vst v63  }
0x7f: {  	s0 =	simm.s32 @!p2 $0x1  }
0x80: {  	_ =	swait.ge @!p2 [sflag:s0], $0x4000  }
0x81: {  	[sflag:s0] =	ssyncset.done @!p2 $0x0  }
0x82: {  	[sflag:s0] =	ssyncadd.s32 @!p2 $0xFFFFC000  }
0x83: {  	[spmem:s1] =	stream.indirect.scatter.add.f32 @!p2 [tilespmem:s30], [sflag:$0x2], $0x80, s29, s29, $0xb8;
	[tilespmem:$0x1AD80] =	vst v63  }
.Ltmp4:
0x84: {  	_ =	swait.ge @!p2 [sflag:s28], $0x4000;
	(pc) =	sbr.rel @!p0 .LBB2_6-.Ltmp4, $4  }
0x85: {  	[sflag:s28] =	ssyncset.done @!p2 $0x0  }
0x86: {  	[sflag:s28] =	ssyncadd.s32 @!p2 $0xFFFFC000  }
0x87: {  	s30 =	sshll.u32 s2, $0x6;
	[bflag:$0x0] =	sbarrier.arrive $0xFFFF  }
0x88: {  	s29 =	sshrl.u32 s7, $0x3;
	s28 =	sor.u32 $0x1C02, s30  }
0x89: {  	s28 =	sor.u32 $0x1C02, s30  }
0x8a: {  	[hbm:s17], [sflag:s28] =	dma.local [spmem:s29], $0x2700  }
.Ltmp5:
0x8b: {  	_ = 	snop;
	(pc) =	sbr.rel @p1 .LBB2_9-.Ltmp5, $4  }
.Ltmp6:
0x8c: {  	_ = 	snop;
	(pc) =	sbr.rel @!p1 .LBB2_8-.Ltmp6, $4  }
0x8d: {  	_ =	swait.ge [sflag:s22], $0x2700  }
0x8e: {  	[sflag:s22] =	ssyncset.done $0x0  }
0x8f: {  	s29 =	smov.u32 s6;
	[sflag:s22] =	ssyncadd.s32 $0xFFFFD900  }
0x90: {  	_ = 	snop  }
.LBB2_6:
0x91: {  	[hbm:s16], [sflag:s28] =	dma.local [spmem:s29], $0x2700  }
.Ltmp7:
0x92: {  	_ = 	snop;
	(pc) =	sbr.rel @p3 .LBB2_8-.Ltmp7, $4  }
.Ltmp8:
0x93: {  	_ = 	snop;
	(pc) =	sbr.rel @!p3 .LBB2_9-.Ltmp8, $4  }
0x94: {  	_ =	swait.ge [sflag:s22], $0x2700  }
0x95: {  	[sflag:s22] =	ssyncset.done $0x0  }
0x96: {  	s29 =	smov.u32 s5;
	[sflag:s22] =	ssyncadd.s32 $0xFFFFD900  }
0x97: {  	_ = 	snop  }
.LBB2_10:
0x98: {  	_ =	sfence.sel $0x180000  }
0x99: {  	[bflag:$0x0] =	sbarrier.arrive $0xFFFF  }
0x9a: {  	_ =	strace $0x9000004D  }
0x9b: {  	[bflag:$0x2] =	sbarrier.arrive $0xFFFF  }
0x9c: {  	p0 =	sne.s32 s2, $0x0;
	s0 =	rddreg [dreg:$0x2]  }
0x9d: {  	s0 =	sadd.s32 @!p0 $0x100000, s0  }
0x9e: {  	[sflag:s0] =	ssyncadd.tile.s32 @!p0 $0x1;
	_ =	shalt  }
.Lfunc_end2:
_tile_overlayer_lowered:
.L_overlay_start_2:
0x9f: {  	(tag) =	ssettag $0x2  }
0xa0: {  	s0 =	rddreg [dreg:$0x0];
	s2 =	stileid.u32  }
0xa1: {  	s1 =	rddreg [dreg:$0x1];
	p0 =	sne.s32 s2, $0x0  }
0xa2: {  	s3 =	rddreg [dreg:$0x2];
	[bflag:$0x3] =	sbarrier.arrive $0xFFFF;
	s2 =	simm.s32 @!p0 $0x1C02  }
0xa3: {  	[timem:s3], [sflag:s2] =	dma.local @!p0 [hbm:s0], s1  }
0xa4: {  	s0 =	simm.s32 @!p0 $0x2  }
0xa5: {  	_ =	swait.ge @!p0 [sflag:s0], s1  }
0xa6: {  	s1 =	ssub.s32 @!p0 $0x0, s1;
	[sflag:s0] =	ssyncset.done @!p0 $0x0  }
0xa7: {  	[sflag:s0] =	ssyncadd.s32 @!p0 s1  }
0xa8: {  	[bflag:$0x3] =	sbarrier.arrive $0xFFFF  }
0xa9: {  	_ =	shalt  }

// kernel: kernel.9.cloned.1.call-start
scs
__scs_entry_jumppad:
0x0: {  	(pc) =	sbr.rel $0x88, $3  }
0x1: {  	(tag) =	ssettag $0x0;
	lr =	simm.s32 $0x1  }
0x2: {  	[smem:$0x3F94] =	sst lr;
	_ =	strace $0xD0000000  }
0x3: {  	_ = 	snop  }
0x4: {  	_ = 	snop  }
0x5: {  	_ = 	snop  }
0x6: {  	_ = 	snop  }
0x7: {  	_ = 	snop  }
__scs_overlays_trampoline_lowered:
0x8: {  	[smem:$0x3FA3] =	sst s0  }
0x9: {  	[smem:$0x3FA4] =	sst s1  }
0xa: {  	[smem:$0x3FA5] =	sst s2  }
0xb: {  	[smem:$0x3FA6] =	sst s3  }
0xc: {  	[smem:$0x3FA7] =	sst s4  }
0xd: {  	[smem:$0x3FA8] =	sst s5  }
0xe: {  	[smem:$0x3FA9] =	sst s6  }
0xf: {  	[smem:$0x3FAA] =	sst s7  }
0x10: {  	[smem:$0x3FAB] =	sst s8  }
0x11: {  	[smem:$0x3FAC] =	sst s9;
	s0 =	simm.s32 @!p0 $0x0  }
0x12: {  	s1 =	sld [smem:$0x3F92];
	s0 =	simm.s32 @p0 $0x1  }
0x13: {  	[smem:$0x3FAD] =	sst s0;
	s0 =	simm.s32 @!p1 $0x0  }
0x14: {  	s2 =	sld [smem:$0x3F91];
	s0 =	simm.s32 @p1 $0x1  }
0x15: {  	[smem:$0x3FAE] =	sst s0;
	s0 =	simm.s32 @!p2 $0x0  }
0x16: {  	s3 =	sld [smem:$0x3FDB];
	s0 =	simm.s32 @p2 $0x1  }
0x17: {  	s4 =	simm.s32 $0x1BF5;
	[smem:$0x3FB0] =	sst s0  }
0x18: {  	s0 =	sld [smem:$0x3F93];
	_ =	swait.ge [sflag:s4], $0x0  }
0x19: {  	s7 =	sld [smem:$0x3F94]  }
0x1a: {  	s8 =	sadd.s32 $0xFFFFE003, lr  }
0x1b: {  	s9 =	sadd.s32 $0xFFFFFEF7, lr;
	s5 =	simm.s32 $0xFFFFFFFF;
	p2 =	slt.u32 s8, $0xFFFFF086  }
0x1c: {  	p1 =	slt.u32 s9, $0xF7A;
	s5 =	simm.s32 @!p2 $0x0  }
0x1d: {  	s5 =	simm.s32 @p1 $0x1;
	p0 =	seq.s32 s7, s2  }
0x1e: {  	s7 =	smul.u32 @!p0 $0xF7A, s2;
	p2 =	seq.s32 @!p0 s5, $0x0  }
0x1f: {  	s9 =	smul.u32 $0xF7A, s1;
	s8 =	simm.s32 @!p0 $0x1BF5;
	p2 =	por !p2, p0  }
0x20: {  	[sflag:s8] =	ssyncset.s32 @!p0 $0xFFFFF086;
	s6 =	sadd.s32 @!p0 s3, s7;
	s7 =	simm.s32 @!p0 $0x108  }
0x21: {  	s3 =	sadd.s32 s3, s9;
	s6 =	sadd.s32 @!p0 $0x88, s6;
	s7 =	simm.s32 @p2 $0x1082  }
0x22: {  	[simem:s7], [sflag:s8] =	dma.local @!p0 [hbm:s6], $0xF7A  }
0x23: {  	s9 =	sor.u32 $0xD0000000, s2;
	s6 =	simm.s32 $0x108;
	_ =	swait.ge @!p0 [sflag:s8], $0x0  }
0x24: {  	s3 =	sadd.s32 $0x88, s3;
	s6 =	simm.s32 @!p1 $0x1082;
	[sflag:s4] =	ssyncset.s32 $0xFFFFF086  }
0x25: {  	[simem:s6], [sflag:s4] =	dma.local [hbm:s3], $0xF7A  }
0x26: {  	[smem:$0x3F94] =	sst s1;
	(tag) =	ssettag s2;
	_ =	strace s9  }
0x27: {  	s1 =	sld [smem:$0x3FA4]  }
0x28: {  	s2 =	sld [smem:$0x3FA5]  }
0x29: {  	s4 =	sld [smem:$0x3FA7]  }
0x2a: {  	p0 =	seq.s32 s5, $0x0;
	s5 =	sld [smem:$0x3FA8]  }
0x2b: {  	s6 =	sld [smem:$0x3FA9]  }
0x2c: {  	s7 =	sld [smem:$0x3FAA]  }
0x2d: {  	s3 =	simm.s32 $0x108;
	s8 =	sld [smem:$0x3FAB]  }
0x2e: {  	s3 =	simm.s32 @!p0 $0x1082;
	s9 =	sld [smem:$0x3FAC]  }
0x2f: {  	lr =	sadd.s32 s0, s3;
	s0 =	sld [smem:$0x3FA3]  }
0x30: {  	s3 =	sld [smem:$0x3FA6]  }
0x31: {  	[smem:$0x3FAF] =	sst s10  }
0x32: {  	s10 =	sld [smem:$0x3FAD];
	_ =	sdelay $0x3  }
0x33: {  	p0 =	seq.s32 s10, $0x1;
	s10 =	sld [smem:$0x3FAF];
	_ =	sdelay $0x3  }
0x34: {  	[smem:$0x3FAF] =	sst s10  }
0x35: {  	s10 =	sld [smem:$0x3FAE];
	_ =	sdelay $0x3  }
0x36: {  	p1 =	seq.s32 s10, $0x1;
	s10 =	sld [smem:$0x3FAF];
	_ =	sdelay $0x3  }
0x37: {  	[smem:$0x3FAF] =	sst s10  }
0x38: {  	s10 =	sld [smem:$0x3FB0]  }
0x39: {  	_ = 	snop;
	(pc) =	sbr.ind lr, $3  }
0x3a: {  	_ = 	snop  }
0x3b: {  	_ = 	snop  }
0x3c: {  	p2 =	seq.s32 s10, $0x1;
	s10 =	sld [smem:$0x3FAF]  }
0x3d: {  	_ =	shalt  }
0x3e: {  	_ =	shalt  }
0x3f: {  	_ =	shalt  }
0x40: {  	_ =	shalt  }
0x41: {  	_ =	shalt  }
0x42: {  	_ =	shalt  }
0x43: {  	_ =	shalt  }
0x44: {  	_ =	shalt  }
0x45: {  	_ =	shalt  }
0x46: {  	_ =	shalt  }
0x47: {  	_ =	shalt  }
0x48: {  	_ =	shalt  }
0x49: {  	_ =	shalt  }
0x4a: {  	_ =	shalt  }
0x4b: {  	_ =	shalt  }
0x4c: {  	_ =	shalt  }
0x4d: {  	_ =	shalt  }
0x4e: {  	_ =	shalt  }
0x4f: {  	_ =	shalt  }
0x50: {  	_ =	shalt  }
0x51: {  	_ =	shalt  }
0x52: {  	_ =	shalt  }
0x53: {  	_ =	shalt  }
0x54: {  	_ =	shalt  }
0x55: {  	_ =	shalt  }
0x56: {  	_ =	shalt  }
0x57: {  	_ =	shalt  }
0x58: {  	_ =	shalt  }
0x59: {  	_ =	shalt  }
0x5a: {  	_ =	shalt  }
0x5b: {  	_ =	shalt  }
0x5c: {  	_ =	shalt  }
0x5d: {  	_ =	shalt  }
0x5e: {  	_ =	shalt  }
0x5f: {  	_ =	shalt  }
0x60: {  	_ =	shalt  }
0x61: {  	_ =	shalt  }
0x62: {  	_ =	shalt  }
0x63: {  	_ =	shalt  }
0x64: {  	_ =	shalt  }
0x65: {  	_ =	shalt  }
0x66: {  	_ =	shalt  }
0x67: {  	_ =	shalt  }
0x68: {  	_ =	shalt  }
0x69: {  	_ =	shalt  }
0x6a: {  	_ =	shalt  }
0x6b: {  	_ =	shalt  }
0x6c: {  	_ =	shalt  }
0x6d: {  	_ =	shalt  }
0x6e: {  	_ =	shalt  }
0x6f: {  	_ =	shalt  }
0x70: {  	_ =	shalt  }
0x71: {  	_ =	shalt  }
0x72: {  	_ =	shalt  }
0x73: {  	_ =	shalt  }
0x74: {  	_ =	shalt  }
0x75: {  	_ =	shalt  }
0x76: {  	_ =	shalt  }
0x77: {  	_ =	shalt  }
0x78: {  	_ =	shalt  }
0x79: {  	_ =	shalt  }
0x7a: {  	_ =	shalt  }
0x7b: {  	_ =	shalt  }
0x7c: {  	_ =	shalt  }
0x7d: {  	_ =	shalt  }
0x7e: {  	_ =	shalt  }
0x7f: {  	_ =	shalt  }
0x80: {  	_ =	shalt  }
0x81: {  	_ =	shalt  }
0x82: {  	_ =	shalt  }
0x83: {  	_ =	shalt  }
0x84: {  	_ =	shalt  }
0x85: {  	_ =	shalt  }
0x86: {  	_ =	shalt  }
0x87: {  	_ =	shalt  }
.Lfunc_end0:
.L_simem_size_0:
called_computation_lowered:
.L_overlay_start_0:
0x88: {  	s2 =	sld [smem:$0x3FD9]  }
0x89: {  	s3 =	sld [smem:$0x3FFE];
	_ =	sdelay $0x1  }
0x8a: {  	s1 =	srdreg.scid  }
0x8b: {  	s0 =	sand.u32 $0x1, s1  }
0x8c: {  	s17 =	sshll.u32 s0, $0xA;
	s2 =	sadd.s32 s3, s2  }
0x8d: {  	s2 =	sadd.s32 s2, s17  }
0x8e: {  	[smem:$0x3FBB] =	sst s2  }
0x8f: {  	_ = 	snop  }
0x90: {  	s2 =	sld [smem:$0x3FC9];
	(tm) =	ssettm $0x1  }
0x91: {  	s18 =	sld [smem:$0x3FFB];
	_ =	sdelay $0x3  }
0x92: {  	_ =	strace s18  }
0x93: {  	s3 =	sld [smem:$0x3FFC];
	_ =	sdelay $0x3  }
0x94: {  	_ =	strace s3  }
0x95: {  	s3 =	sld [smem:$0x3FFD];
	_ =	sdelay $0x3  }
0x96: {  	_ =	strace s3  }
0x97: {  	_ =	strace $0x8FFFFFFF  }
0x98: {  	s19 =	sld [smem:$0x3FDB];
	_ =	sdelay $0x1  }
0x99: {  	s4 =	simm.s32 $_scs_section_size  }
0x9a: {  	s5 =	simm.s32 $_size__tile_overlayer_lowered;
	s6 =	simm.s32 $_tile_overlayer_lowered  }
0x9b: {  	s22 =	simm.s32 $0x1BFF;
	s21 =	sshll.u32 s6, $0x1;
	s3 =	sadd.s32 s4, s19  }
0x9c: {  	s7 =	simm.s32 $0x0;
	s20 =	sshll.u32 s5, $0x1;
	s5 =	sadd.s32 s21, s3  }
0x9d: {  	[timem:s7], [sflag:s22] =	dma.local [hbm:s5], s20  }
0x9e: {  	_ =	swait.ge [sflag:s22], s20  }
0x9f: {  	s4 =	ssub.s32 $0x0, s20;
	[sflag:s22] =	ssyncset.done $0x0  }
0xa0: {  	[sflag:s22] =	ssyncadd.s32 s4;
	_ =	sdelay $0x1  }
0xa1: {  	s23 =	simm.s32 $0x1B8B  }
0xa2: {  	_ =	swait.ge [sflag:s23], $0x1  }
0xa3: {  	[sflag:s23] =	ssyncset.done $0x0  }
0xa4: {  	s25 =	simm.s32 $0x1B8E;
	s24 =	sld [smem:$0x3FFE];
	[sflag:s23] =	ssyncadd.s32 $0xFFFFFFFF  }
0xa5: {  	s26 =	simm.s32 $execute0_lowered;
	[smem:$0x3FD2] =	sst s25  }
0xa6: {  	s5 =	sshll.u32 s26, $0x1;
	_ =	strace $0x80000046;
	[dreg:$0x1] =	wrdreg $0xFFFFFFFF  }
0xa7: {  	s28 =	simm.s32 $_size_execute0_lowered;
	s3 =	sadd.s32 s3, s5;
	[dreg:$0x0] =	wrdreg $0x0  }
0xa8: {  	s5 =	sshll.u32 s28, $0x1;
	[dreg:$0x2] =	wrdreg s3  }
0xa9: {  	[dreg:$0x3] =	wrdreg s5  }
0xaa: {  	[dreg:$0x4] =	wrdreg $0xC0  }
0xab: {  	_ =	task [dreg:s7], $0x5FFFF  }
0xac: {  	[dreg:$0x1] =	wrdreg $0xFFFFFFFF  }
0xad: {  	[dreg:$0x0] =	wrdreg $0x60  }
0xae: {  	[dreg:$0x2] =	wrdreg s24  }
0xaf: {  	[dreg:$0x3] =	wrdreg s2  }
0xb0: {  	[dreg:$0x4] =	wrdreg $0x75000  }
0xb1: {  	[dreg:$0x5] =	wrdreg $0x9  }
0xb2: {  	_ =	task.clear_ibuf [dreg:s7], $0x6FFFF;
	_ =	strace $0x90000046  }
0xb3: {  	s29 =	simm.s32 $0x9;
	_ =	strace $0x80000048  }
0xb4: {  	_ =	swait.ge [sflag:s29], $0x1  }
0xb5: {  	[sflag:s29] =	ssyncadd.s32 $0xFFFFFFFF  }
0xb6: {  	_ =	strace $0x90000048  }
0xb7: {  	_ =	sfence  }
0xb8: {  	s30 =	sld [smem:$0x0];
	_ =	sdelay $0x2  }
0xb9: {  	s31 =	sshll.u32 s1, $0xD;
	s1 =	sshrl.u32 s1, $0x2  }
0xba: {  	s3 =	sand.u32 $0x4000, s31;
	s1 =	sadd.s32 s1, s30  }
0xbb: {  	s0 =	sor.u32 s3, s0;
	s1 =	sshll.u32 s1, $0x11  }
0xbc: {  	s0 =	sor.u32 s1, s0  }
0xbd: {  	s0 =	sadd.s32 $0x8F2B, s0  }
0xbe: {  	[sflag:s0] =	ssyncadd.remote.s32 $0x1  }
0xbf: {  	_ =	sfence.sel $0xFFFF  }
0xc0: {  	[dreg:$0x0] =	wrdreg $0xFFFFFFFF;
	(pc) =	sbr.abs _section_cstart, $3  }
0xc1: {  	[dreg:$0x1] =	wrdreg $0xFFFFFFFF  }
0xc2: {  	_ =	task.clear_ibuf [dreg:s7], $0x2FFFF;
	_ =	strace $0x9FFFFFFF  }
0xc3: {  	(tm) =	ssettm $0x7FFFFFFF  }
tec
execute0_lowered:
.L_overlay_start_1:
0x0: {  	(tag) =	ssettag $0x1  }
0x1: {  	s6 =	rddreg [dreg:$0x0]  }
0x2: {  	s1 =	rddreg [dreg:$0x1]  }
0x3: {  	s2 =	rddreg [dreg:$0x2];
	s4 =	simm.s32 $0x0;
	s5 =	srdreg.scid  }
0x4: {  	s3 =	stileid.u32;
	s24 =	simm.s32 $0x100;
	s25 =	simm.s32 $0x1  }
0x5: {  	s26 =	simm.s32 $0x0;
	[smem:$0x7FF] =	sst s4;
	s16 =	sand.u32 $0x1, s5  }
0x6: {  	s7 =	smul.u32 $0x4E000, s3;
	s18 =	sadd.s32 $0xF400, s6;
	s19 =	sadd.s32 $0x5600, s6  }
0x7: {  	s5 =	sadd.s32 $0x19200, s6;
	s6 =	sadd.s32 $0x40400, s6;
	s21 =	sshll.u32 s3, $0x5  }
0x8: {  	s17 =	smul.u32 $0x2700, s3;
	s13 =	sadd.s32 $0x138000, s2;
	p1 =	sne.s32 s3, $0xF  }
0x9: {  	p2 =	sgt.u32 s3, $0x1;
	p3 =	seq.s32 s3, $0xF;
	_ =	strace $0x80000047  }
0xa: {  	s8 =	ssub.s32 $0x2, s16;
	s22 =	sshll.u32 s16, $0x4;
	p0 =	seq.s32 s16, $0x1  }
0xb: {  	s23 =	sadd.s32 s21, s18;
	s9 =	sshrl.u32 s8, $0x1;
	s7 =	sshrl.u32 s7, $0x2  }
0xc: {  	s12 =	sor.u32 s22, s21;
	s16 =	sadd.s32 s5, s17;
	s17 =	sadd.s32 s6, s17  }
0xd: {  	s21 =	sadd.s32 s21, s19;
	s20 =	ssub.s32 s8, s9;
	s7 =	sadd.s32 s7, s2  }
.Ltmp0:
0xe: {  	s15 =	sor.u32 $0x9C00, s12;
	s8 =	sadd.s32 $0x3400, s7;
	(pc) =	sbr.rel .LBB2_1-.Ltmp0, $4  }
0xf: {  	s9 =	sadd.s32 $0x6800, s7;
	s10 =	sadd.s32 $0x9C00, s7;
	s11 =	sadd.s32 $0xD000, s7  }
0x10: {  	s12 =	sadd.s32 $0x10400, s7;
	s14 =	sadd.s32 s18, s15;
	s15 =	sadd.s32 s19, s15  }
0x11: {  	s18 =	smax.u32 s20, $0x1;
	s19 =	sadd.s32 s22, s23;
	s20 =	sadd.s32 s22, s21  }
0x12: {  	v0 =	vimm.f32 $0.0e+00;
	s21 =	simm.s32 $0x4100;
	s22 =	simm.s32 $0x2;
	s23 =	simm.s32 $0x80  }
.LBB2_8:
0x13: {  	s0 =	sadd.s32 $0x27000, s29;
	s31 =	sshrl.u32 s13, $0x3  }
0x14: {  	[hbm:s0], [sflag:s28] =	dma.local [spmem:s31], $0x100  }
0x15: {  	_ =	swait.ge [sflag:s22], $0x100  }
0x16: {  	[sflag:s22] =	ssyncset.done $0x0  }
0x17: {  	[sflag:s22] =	ssyncadd.s32 $0xFFFFFF00  }
.LBB2_9:
0x18: {  	s26 =	sadd.s32 $0x1, s26  }
0x19: {  	p4 =	sne.s32 s26, s18  }
.Ltmp1:
0x1a: {  	_ = 	snop;
	(pc) =	sbr.rel @!p4 .LBB2_10-.Ltmp1, $1  }
0x1b: {  	_ =	sdelay $0x3  }
.LBB2_1:
0x1c: {  	s28 =	sand.u32 $0xFE00, s4  }
0x1d: {  	s29 =	sand.u32 $0x70, s4;
	s30 =	sshrl.u32 s28, $0x2  }
0x1e: {  	s28 =	simm.s32 $0x40;
	s30 =	sor.u32 s29, s30;
	s29 =	simm.s32 $0x0  }
.LBB2_2:
0x1f: {  	p4 =	sne.s32 s28, $0xCFC0  }
0x20: {  	[tilespmem:s30+$0x4100] =	vst v0;
	s29 =	sadd.s32 $0x10, s29;
	s30 =	smov.u32 s28;
	s28 =	sadd.s32 $0x40, s28  }
.Ltmp2:
0x21: {  	(pc) =	sbr.rel @p4 .LBB2_2-.Ltmp2, $4  }
0x22: {  	_ = 	snop  }
0x23: {  	s30 =	sand.u32 $0xFE00, s30  }
0x24: {  	s31 =	sand.u32 $0x70, s29;
	s30 =	sshrl.u32 s30, $0x2  }
0x25: {  	s30 =	sor.u32 s31, s30  }
0x26: {  	[tilespmem:s30+$0x4100] =	vst v0  }
0x27: {  	[spmem:s7] =	stream.linear.scatter [tilespmem:s21], [sflag:$0x2], $0x3400, $0x38;
	[tilespmem:$0x1AD80] =	vst v63  }
0x28: {  	_ =	swait.ge [sflag:s22], $0x3400  }
0x29: {  	[sflag:s22] =	ssyncset.done $0x0  }
0x2a: {  	[sflag:s22] =	ssyncadd.s32 $0xFFFFCC00  }
0x2b: {  	[spmem:s8] =	stream.linear.scatter [tilespmem:s21], [sflag:$0x2], $0x3400, $0x38;
	[tilespmem:$0x1AD80] =	vst v63  }
0x2c: {  	_ =	swait.ge [sflag:s22], $0x3400  }
0x2d: {  	[sflag:s22] =	ssyncset.done $0x0  }
0x2e: {  	[sflag:s22] =	ssyncadd.s32 $0xFFFFCC00  }
0x2f: {  	[spmem:s9] =	stream.linear.scatter [tilespmem:s21], [sflag:$0x2], $0x3400, $0x38;
	[tilespmem:$0x1AD80] =	vst v63  }
0x30: {  	_ =	swait.ge [sflag:s22], $0x3400  }
0x31: {  	[sflag:s22] =	ssyncset.done $0x0  }
0x32: {  	[sflag:s22] =	ssyncadd.s32 $0xFFFFCC00  }
0x33: {  	[spmem:s10] =	stream.linear.scatter [tilespmem:s21], [sflag:$0x2], $0x3400, $0x38;
	[tilespmem:$0x1AD80] =	vst v63  }
0x34: {  	_ =	swait.ge [sflag:s22], $0x3400  }
0x35: {  	[sflag:s22] =	ssyncset.done $0x0  }
0x36: {  	[sflag:s22] =	ssyncadd.s32 $0xFFFFCC00  }
0x37: {  	[spmem:s11] =	stream.linear.scatter [tilespmem:s21], [sflag:$0x2], $0x3400, $0x38;
	[tilespmem:$0x1AD80] =	vst v63  }
0x38: {  	_ =	swait.ge [sflag:s22], $0x3400  }
0x39: {  	[sflag:s22] =	ssyncset.done $0x0  }
0x3a: {  	[sflag:s22] =	ssyncadd.s32 $0xFFFFCC00  }
0x3b: {  	[spmem:s12] =	stream.linear.scatter [tilespmem:s21], [sflag:$0x2], $0x3400, $0x38;
	[tilespmem:$0x1AD80] =	vst v63  }
0x3c: {  	_ =	swait.ge [sflag:s22], $0x3400  }
0x3d: {  	[sflag:s22] =	ssyncset.done $0x0  }
0x3e: {  	s28 =	simm.s32 @!p1 $0x4100;
	[sflag:s22] =	ssyncadd.s32 $0xFFFFCC00  }
0x3f: {  	[spmem:s13] =	stream.linear.scatter @!p1 [tilespmem:s28], [sflag:$0x2], $0x800, $0x38;
	[tilespmem:$0x1AD80] =	vst v63  }
0x40: {  	s28 =	simm.s32 @!p1 $0x2  }
0x41: {  	_ =	swait.ge @!p1 [sflag:s28], $0x800  }
0x42: {  	[sflag:s28] =	ssyncset.done @!p1 $0x0  }
0x43: {  	[sflag:s28] =	ssyncadd.s32 @!p1 $0xFFFFF800  }
0x44: {  	s28 =	sadd.s32 $0x0, s19;
	[bflag:$0x0] =	sbarrier.arrive $0xFFFF  }
0x45: {  	[tilespmem:s4], [sflag:$0x2] =	stream.linear.gather [hbm4b:s28+s4], $0x80, $0x38;
	[tilespmem:$0x1AD80] =	vst v63  }
0x46: {  	_ =	swait.ge [sflag:s22], $0x80  }
0x47: {  	[sflag:s22] =	ssyncset.done $0x0  }
0x48: {  	s28 =	sadd.s32 $0x0, s20;
	[sflag:s22] =	ssyncadd.s32 $0xFFFFFF80  }
0x49: {  	[tilespmem:s23], [sflag:$0x2] =	stream.linear.gather [hbm4b:s28+s4], $0x80, $0x38;
	[tilespmem:$0x1AD80] =	vst v63  }
0x4a: {  	_ =	swait.ge [sflag:s22], $0x80  }
0x4b: {  	[sflag:s22] =	ssyncset.done $0x0  }
0x4c: {  	[sflag:s22] =	ssyncadd.s32 $0xFFFFFF80  }
0x4d: {  	[tilespmem:s24], [sflag:$0x1] =	stream.indirect.gather [hbm4b:s1+s23], $0x80, s4, s23, $0xb8;
	[tilespmem:$0x1AD80] =	vst v63  }
0x4e: {  	_ =	swait.ge [sflag:s25], $0x4000  }
0x4f: {  	[sflag:s25] =	ssyncset.done $0x0  }
0x50: {  	[sflag:s25] =	ssyncadd.s32 $0xFFFFC000  }
0x51: {  	[spmem:s2] =	stream.indirect.scatter.add.f32 [tilespmem:s24], [sflag:$0x2], $0x80, s23, s23, $0xb8;
	[tilespmem:$0x1AD80] =	vst v63  }
0x52: {  	_ =	swait.ge [sflag:s22], $0x4000  }
0x53: {  	s29 =	simm.s32 $0x400;
	s28 =	simm.s32 $0x200;
	[sflag:s22] =	ssyncset.done $0x0  }
.LBB2_4:
0x54: {  	s30 =	sadd.s32 s28, s19  }
0x55: {  	[sflag:s22] =	ssyncadd.s32 $0xFFFFC000;
	s31 =	smov.u32 s29;
	s0 =	sadd.s32 $0x200, s29  }
0x56: {  	[tilespmem:s4], [sflag:$0x2] =	stream.linear.gather [hbm4b:s30+s4], $0x80, $0x38;
	[tilespmem:$0x1AD80] =	vst v63  }
0x57: {  	p4 =	sne.s32 s29, $0x9A00;
	_ =	swait.ge [sflag:s22], $0x80  }
0x58: {  	[sflag:s22] =	ssyncset.done $0x0  }
0x59: {  	s29 =	sadd.s32 s28, s20;
	s28 =	smov.u32 s31;
	[sflag:s22] =	ssyncadd.s32 $0xFFFFFF80  }
0x5a: {  	[tilespmem:s23], [sflag:$0x2] =	stream.linear.gather [hbm4b:s29+s4], $0x80, $0x38;
	[tilespmem:$0x1AD80] =	vst v63  }
0x5b: {  	_ =	swait.ge [sflag:s22], $0x80  }
0x5c: {  	[sflag:s22] =	ssyncset.done $0x0  }
0x5d: {  	[sflag:s22] =	ssyncadd.s32 $0xFFFFFF80  }
0x5e: {  	[tilespmem:s24], [sflag:$0x1] =	stream.indirect.gather [hbm4b:s1+s23], $0x80, s4, s23, $0xb8;
	[tilespmem:$0x1AD80] =	vst v63  }
0x5f: {  	_ =	swait.ge [sflag:s25], $0x4000  }
.Ltmp3:
0x60: {  	[sflag:s25] =	ssyncset.done $0x0;
	(pc) =	sbr.rel @p4 .LBB2_4-.Ltmp3, $4  }
0x61: {  	[sflag:s25] =	ssyncadd.s32 $0xFFFFC000  }
0x62: {  	[spmem:s2] =	stream.indirect.scatter.add.f32 [tilespmem:s24], [sflag:$0x2], $0x80, s23, s23, $0xb8;
	[tilespmem:$0x1AD80] =	vst v63  }
0x63: {  	_ =	swait.ge [sflag:s22], $0x4000  }
0x64: {  	s29 =	smov.u32 s0;
	[sflag:s22] =	ssyncset.done $0x0  }
0x65: {  	s0 =	sadd.s32 s28, s19;
	[sflag:s22] =	ssyncadd.s32 $0xFFFFC000  }
0x66: {  	[tilespmem:s4], [sflag:$0x2] =	stream.linear.gather [hbm4b:s0+s4], $0x80, $0x38;
	[tilespmem:$0x1AD80] =	vst v63  }
0x67: {  	_ =	swait.ge [sflag:s22], $0x80  }
0x68: {  	[sflag:s22] =	ssyncset.done $0x0  }
0x69: {  	s31 =	sadd.s32 s28, s20;
	[sflag:s22] =	ssyncadd.s32 $0xFFFFFF80  }
0x6a: {  	[tilespmem:s23], [sflag:$0x2] =	stream.linear.gather [hbm4b:s31+s4], $0x80, $0x38;
	[tilespmem:$0x1AD80] =	vst v63  }
0x6b: {  	_ =	swait.ge [sflag:s22], $0x80  }
0x6c: {  	[sflag:s22] =	ssyncset.done $0x0  }
0x6d: {  	[sflag:s22] =	ssyncadd.s32 $0xFFFFFF80  }
0x6e: {  	[tilespmem:s24], [sflag:$0x1] =	stream.indirect.gather [hbm4b:s1+s23], $0x80, s4, s23, $0xb8;
	[tilespmem:$0x1AD80] =	vst v63  }
0x6f: {  	_ =	swait.ge [sflag:s25], $0x4000  }
0x70: {  	[sflag:s25] =	ssyncset.done $0x0  }
0x71: {  	[sflag:s25] =	ssyncadd.s32 $0xFFFFC000  }
0x72: {  	[spmem:s2] =	stream.indirect.scatter.add.f32 [tilespmem:s24], [sflag:$0x2], $0x80, s23, s23, $0xb8;
	[tilespmem:$0x1AD80] =	vst v63  }
0x73: {  	_ =	swait.ge [sflag:s22], $0x4000  }
0x74: {  	[sflag:s22] =	ssyncset.done $0x0  }
0x75: {  	s28 =	simm.s32 @!p2 $0x2;
	s0 =	simm.s32 @!p2 $0x0;
	[sflag:s22] =	ssyncadd.s32 $0xFFFFC000  }
0x76: {  	[tilespmem:s0], [sflag:$0x2] =	stream.linear.gather @!p2 [hbm4b:s14+s0], $0x80, $0x38;
	[tilespmem:$0x1AD80] =	vst v63  }
0x77: {  	_ =	swait.ge @!p2 [sflag:s28], $0x80  }
0x78: {  	[sflag:s28] =	ssyncset.done @!p2 $0x0  }
0x79: {  	s29 =	simm.s32 @!p2 $0x80;
	[sflag:s28] =	ssyncadd.s32 @!p2 $0xFFFFFF80  }
0x7a: {  	[tilespmem:s29], [sflag:$0x2] =	stream.linear.gather @!p2 [hbm4b:s15+s0], $0x80, $0x38;
	[tilespmem:$0x1AD80] =	vst v63  }
0x7b: {  	_ =	swait.ge @!p2 [sflag:s28], $0x80  }
0x7c: {  	[sflag:s28] =	ssyncset.done @!p2 $0x0  }
0x7d: {  	s30 =	simm.s32 @!p2 $0x100;
	[sflag:s28] =	ssyncadd.s32 @!p2 $0xFFFFFF80  }
0x7e: {  	[tilespmem:s30], [sflag:$0x1] =	stream.indirect.gather @!p2 [hbm4b:s1+s29], $0x80, s0, s29, $0xb8;
	[tilespmem:$0x1AD80] =	vst v63  }
0x7f: {  	s0 =	simm.s32 @!p2 $0x1  }
0x80: {  	_ =	swait.ge @!p2 [sflag:s0], $0x4000  }
0x81: {  	[sflag:s0] =	ssyncset.done @!p2 $0x0  }
0x82: {  	[sflag:s0] =	ssyncadd.s32 @!p2 $0xFFFFC000  }
0x83: {  	[spmem:s2] =	stream.indirect.scatter.add.f32 @!p2 [tilespmem:s30], [sflag:$0x2], $0x80, s29, s29, $0xb8;
	[tilespmem:$0x1AD80] =	vst v63  }
.Ltmp4:
0x84: {  	_ =	swait.ge @!p2 [sflag:s28], $0x4000;
	(pc) =	sbr.rel @!p0 .LBB2_6-.Ltmp4, $4  }
0x85: {  	[sflag:s28] =	ssyncset.done @!p2 $0x0  }
0x86: {  	[sflag:s28] =	ssyncadd.s32 @!p2 $0xFFFFC000  }
0x87: {  	s30 =	sshll.u32 s3, $0x6;
	[bflag:$0x0] =	sbarrier.arrive $0xFFFF  }
0x88: {  	s29 =	sshrl.u32 s7, $0x3;
	s28 =	sor.u32 $0x1C02, s30  }
0x89: {  	s28 =	sor.u32 $0x1C02, s30  }
0x8a: {  	[hbm:s17], [sflag:s28] =	dma.local [spmem:s29], $0x2700  }
.Ltmp5:
0x8b: {  	_ = 	snop;
	(pc) =	sbr.rel @p1 .LBB2_9-.Ltmp5, $4  }
.Ltmp6:
0x8c: {  	_ = 	snop;
	(pc) =	sbr.rel @!p1 .LBB2_8-.Ltmp6, $4  }
0x8d: {  	_ =	swait.ge [sflag:s22], $0x2700  }
0x8e: {  	[sflag:s22] =	ssyncset.done $0x0  }
0x8f: {  	s29 =	smov.u32 s6;
	[sflag:s22] =	ssyncadd.s32 $0xFFFFD900  }
0x90: {  	_ = 	snop  }
.LBB2_6:
0x91: {  	[hbm:s16], [sflag:s28] =	dma.local [spmem:s29], $0x2700  }
.Ltmp7:
0x92: {  	_ = 	snop;
	(pc) =	sbr.rel @p3 .LBB2_8-.Ltmp7, $4  }
.Ltmp8:
0x93: {  	_ = 	snop;
	(pc) =	sbr.rel @!p3 .LBB2_9-.Ltmp8, $4  }
0x94: {  	_ =	swait.ge [sflag:s22], $0x2700  }
0x95: {  	[sflag:s22] =	ssyncset.done $0x0  }
0x96: {  	s29 =	smov.u32 s5;
	[sflag:s22] =	ssyncadd.s32 $0xFFFFD900  }
0x97: {  	_ = 	snop  }
.LBB2_10:
0x98: {  	_ =	sfence.sel $0x180000  }
0x99: {  	[bflag:$0x0] =	sbarrier.arrive $0xFFFF  }
0x9a: {  	_ =	strace $0x90000047  }
0x9b: {  	[bflag:$0x2] =	sbarrier.arrive $0xFFFF  }
0x9c: {  	p0 =	sne.s32 s3, $0x0;
	s0 =	rddreg [dreg:$0x3]  }
0x9d: {  	s0 =	sadd.s32 @!p0 $0x100000, s0  }
0x9e: {  	[sflag:s0] =	ssyncadd.tile.s32 @!p0 $0x1;
	_ =	shalt  }
.Lfunc_end2:
_tile_overlayer_lowered:
.L_overlay_start_2:
0x9f: {  	(tag) =	ssettag $0x2  }
0xa0: {  	s0 =	rddreg [dreg:$0x0];
	s2 =	stileid.u32  }
0xa1: {  	s1 =	rddreg [dreg:$0x1];
	p0 =	sne.s32 s2, $0x0  }
0xa2: {  	s3 =	rddreg [dreg:$0x2];
	[bflag:$0x3] =	sbarrier.arrive $0xFFFF;
	s2 =	simm.s32 @!p0 $0x1C02  }
0xa3: {  	[timem:s3], [sflag:s2] =	dma.local @!p0 [hbm:s0], s1  }
0xa4: {  	s0 =	simm.s32 @!p0 $0x2  }
0xa5: {  	_ =	swait.ge @!p0 [sflag:s0], s1  }
0xa6: {  	s1 =	ssub.s32 @!p0 $0x0, s1;
	[sflag:s0] =	ssyncset.done @!p0 $0x0  }
0xa7: {  	[sflag:s0] =	ssyncadd.s32 @!p0 s1  }
0xa8: {  	[bflag:$0x3] =	sbarrier.arrive $0xFFFF  }
0xa9: {  	_ =	shalt  }

</sc_bundles>
